<compile_context>
chip_gen: v7x
topology: tpu7x:2x2x1
jax: 0.10.2.dev20260603
libtpu: 0.0.44.dev20260713+nightly
codegen_flags: <defaults>
</compile_context>

<pallas_src>
import functools

import jax
import jax.numpy as jnp
from jax import lax
from jax.experimental import pallas as pl
from jax.experimental.pallas import tpu as pltpu
from jax.experimental.pallas import tpu_sc as plsc

_B = 4096
_D = 64
_FAN = 10
_N2 = _B * _FAN * _FAN
_N1 = _B * _FAN
_NALL = _N2 + _N1 + _B

_NC = 2
_NS = 16
_NW = _NC * _NS
_CHUNK = 128
_K = 5
_RND = _CHUNK * _K
_W2 = _N2 // _NW
_W1 = _N1 // _NW
_W0 = _B // _NW
_C2 = _W2 // _CHUNK
_C1 = _W1 // _CHUNK

_NI = 2048
_NP = _NI // 2
_GB = _B // _NI
_JB = _N1 // _NI


def _sc_gather_body(table_hbm, items_hbm, nb0_hbm, nb1_hbm, out_hbm,
                    stage_v, idx_v, rows_v, sem, wsem):
    wid = lax.axis_index("s") * _NC + lax.axis_index("c")
    i0 = wid * _W0
    iota = lax.iota(jnp.int32, 16)

    def extract(ncols, stride):
        def col(c, carry):
            for u in range(8):
                v = plsc.load_gather(
                    stage_v, [iota * stride + (u * 16 * stride + c)])
                idx_v[pl.ds(c * _CHUNK + u * 16, 16)] = v
            return carry
        lax.fori_loop(0, ncols, col, 0)

    def drain_writes(n):
        for _ in range(n):
            pltpu.make_async_copy(
                out_hbm.at[pl.ds(0, _RND)],
                rows_v.at[pl.ds(0, _RND)], wsem).wait()

    def gather_rounds(nrounds, base_of_chunk):
        def rbody(r, carry):
            off = (r % 2) * _RND

            @pl.when(r >= 2)
            def _():
                drain_writes(1)

            cs = [r * _K + k for k in range(_K)]
            handles = []
            for k, c in enumerate(cs):
                handles.append(pltpu.async_copy(
                    table_hbm.at[idx_v.at[pl.ds(c * _CHUNK, _CHUNK)]],
                    rows_v.at[pl.ds(off + k * _CHUNK, _CHUNK)], sem))
            for h in handles:
                h.wait()
            for k, c in enumerate(cs):
                pltpu.async_copy(
                    rows_v.at[pl.ds(off + k * _CHUNK, _CHUNK)],
                    out_hbm.at[pl.ds(base_of_chunk(c), _CHUNK)], wsem)
            return carry
        lax.fori_loop(0, nrounds, rbody, 0)
        drain_writes(min(nrounds, 2))

    pltpu.sync_copy(nb1_hbm.at[pl.ds(wid * _W2, _W2)],
                    stage_v.at[pl.ds(0, _W2)])
    extract(_FAN * _FAN, _FAN * _FAN)
    gather_rounds(_C2 // _K,
                  lambda c: (c % _FAN) * _N1 + (c // _FAN) * _B + i0)
    pltpu.sync_copy(nb0_hbm.at[pl.ds(wid * _W1, _W1)],
                    stage_v.at[pl.ds(0, _W1)])
    extract(_FAN, _FAN)
    gather_rounds(_C1 // _K, lambda c: _N2 + c * _B + i0)
    pltpu.sync_copy(items_hbm.at[pl.ds(i0, _CHUNK)],
                    stage_v.at[pl.ds(0, _CHUNK)])
    extract(1, 1)
    pltpu.async_copy(table_hbm.at[idx_v.at[pl.ds(0, _CHUNK)]],
                     rows_v.at[pl.ds(0, _CHUNK)], sem).wait()
    pltpu.sync_copy(rows_v.at[pl.ds(0, _CHUNK)],
                    out_hbm.at[pl.ds(_N2 + _N1 + i0, _CHUNK)])


def _sc_gather(table, items, nb0, nb1):
    mesh = plsc.VectorSubcoreMesh(core_axis_name="c", subcore_axis_name="s")
    k = functools.partial(
        pl.kernel, mesh=mesh,
        out_type=jax.ShapeDtypeStruct((_NALL, _D), jnp.float32),
        scratch_types=[
            pltpu.VMEM((_W2,), jnp.int32),
            pltpu.VMEM((_W2,), jnp.int32),
            pltpu.VMEM((2 * _RND, _D), jnp.float32),
            pltpu.SemaphoreType.DMA,
            pltpu.SemaphoreType.DMA,
        ],
        compiler_params=pltpu.CompilerParams(
            use_tc_tiling_on_sc=False, needs_layout_passes=False),
    )(_sc_gather_body)
    return k(table, items, nb0, nb1)


def _relu(x):
    return jnp.maximum(x, 0.0)


def _mm(x, w):
    return jnp.dot(x, w, preferred_element_type=jnp.float32)


def _l2pair(z, onesbd):
    s = _mm(z * z, onesbd)
    n = jnp.sqrt(s)
    return z / jnp.where(n == 0.0, 1.0, n)


def _wpair(wm, col, ncols, spread):
    rows = lax.broadcasted_iota(jnp.int32, (2 * ncols, 2), 0)
    ks = lax.broadcasted_iota(jnp.int32, (2 * ncols, 2), 1)
    sel = jnp.where((rows == col + ks * ncols), 1.0, 0.0)
    return _mm(_mm(wm, sel), spread)


def _tc_body(e2_0, e2_1, e2_2, e2_3, e2_4, e2_5, e2_6, e2_7, e2_8, e2_9,
             e1, e0, w1c, w0c,
             wp, bp, m2, b2, wq0, bq0, w0a, w0b, bw0,
             wq1, bq1, w1a, w1b, bw1, wg1, bg1, wg2, onesbd, spread,
             out, acc0, accl1):
    e2 = (e2_0, e2_1, e2_2, e2_3, e2_4, e2_5, e2_6, e2_7, e2_8, e2_9)
    j = pl.program_id(1)
    ob = onesbd[...]
    sp = spread[...]

    h1 = _mm(e1[...], wp[...]) + bp[...]
    w1m = w1c[...]
    wn1 = None
    for jj in range(_FAN):
        nbe = _relu(_mm(e2[jj][...], m2[...]) + b2[...])
        t = _wpair(w1m, j * _FAN + jj, _FAN * _FAN, sp) * nbe
        wn1 = t if wn1 is None else wn1 + t
    z1 = _relu(_mm(h1, w0a[...]) + _mm(wn1, w0b[...]) + bw0[...])
    n1 = _l2pair(z1, ob)
    w0col = _wpair(w0c[...], j, _FAN, sp)
    c0 = w0col * _relu(_mm(h1, wq0[...]) + bq0[...])
    cl = w0col * _relu(_mm(n1, wq1[...]) + bq1[...])

    @pl.when(j == 0)
    def _():
        acc0[...] = c0
        accl1[...] = cl

    @pl.when(j != 0)
    def _():
        acc0[...] += c0
        accl1[...] += cl

    @pl.when(j == _FAN - 1)
    def _():
        h0 = _mm(e0[...], wp[...]) + bp[...]
        z0 = _relu(_mm(h0, w0a[...]) + _mm(acc0[...], w0b[...]) + bw0[...])
        n0 = _l2pair(z0, ob)
        zf = _relu(_mm(n0, w1a[...]) + _mm(accl1[...], w1b[...]) + bw1[...])
        nf = _l2pair(zf, ob)
        out[...] = _mm(_relu(_mm(nf, wg1[...]) + bg1[...]), wg2[...])


def _tc_specs():
    def e2map(jj):
        return lambda ib, j: (jj * _JB + j * _GB + ib, 0)

    especs = [pl.BlockSpec((_NP, 2 * _D), e2map(jj)) for jj in range(_FAN)]
    especs.append(pl.BlockSpec(
        (_NP, 2 * _D), lambda ib, j: (_N2 // _NI + j * _GB + ib, 0)))
    especs.append(pl.BlockSpec(
        (_NP, 2 * _D), lambda ib, j: ((_N2 + _N1) // _NI + ib, 0)))
    wspecs = [
        pl.BlockSpec((_NP, 2 * _FAN * _FAN), lambda ib, j: (ib, 0)),
        pl.BlockSpec((_NP, 2 * _FAN), lambda ib, j: (ib, 0)),
    ]
    def const2d(shape):
        return pl.BlockSpec(shape, lambda ib, j: (0, 0))
    mat = const2d((2 * _D, 2 * _D))
    vec = const2d((1, 2 * _D))
    mspecs = [mat, vec, mat, vec, mat, vec, mat, mat, vec,
              mat, vec, mat, mat, vec, mat, vec, mat,
              const2d((2 * _D, 2 * _D)), const2d((2, 2 * _D))]
    return especs + wspecs + mspecs


def _tc_forward(eall2, w1p, w0p, mats):
    return pl.pallas_call(
        _tc_body,
        grid=(_GB, _FAN),
        in_specs=_tc_specs(),
        out_specs=pl.BlockSpec((_NP, 2 * _D), lambda ib, j: (ib, 0)),
        out_shape=jax.ShapeDtypeStruct((_B // 2, 2 * _D), jnp.float32),
        scratch_shapes=[
            pltpu.VMEM((_NP, 2 * _D), jnp.float32),
            pltpu.VMEM((_NP, 2 * _D), jnp.float32),
        ],
        compiler_params=pltpu.CompilerParams(
            dimension_semantics=("arbitrary", "arbitrary")),
    )(*([eall2] * 12 + [w1p, w0p] + list(mats)))


def _prep(weights0, weights1,
          Wp, bp, Wq0, bq0, Ww0, bw0, Wq1, bq1, Ww1, bw1, WG1, bG1, WG2):
    w1p = weights1.reshape(_B // 2, 2 * _FAN * _FAN)
    w0p = weights0.reshape(_B // 2, 2 * _FAN)

    def bd(m):
        z = jnp.zeros((2 * _D, 2 * _D), jnp.float32)
        return z.at[:_D, :_D].set(m).at[_D:, _D:].set(m)

    def bv(v):
        return jnp.concatenate([v, v]).reshape(1, 2 * _D)

    onesbd = bd(jnp.ones((_D, _D), jnp.float32))
    spread = jnp.concatenate(
        [jnp.concatenate([jnp.ones((1, _D), jnp.float32),
                          jnp.zeros((1, _D), jnp.float32)], axis=1),
         jnp.concatenate([jnp.zeros((1, _D), jnp.float32),
                          jnp.ones((1, _D), jnp.float32)], axis=1)], axis=0)
    mats = (
        bd(Wp.T), bv(bp),
        bd(Wp.T @ Wq0.T), bv(bp @ Wq0.T + bq0),
        bd(Wq0.T), bv(bq0),
        bd(Ww0[:, :_D].T), bd(Ww0[:, _D:].T), bv(bw0),
        bd(Wq1.T), bv(bq1),
        bd(Ww1[:, :_D].T), bd(Ww1[:, _D:].T), bv(bw1),
        bd(WG1.T), bv(bG1),
        bd(WG2.T),
        onesbd, spread,
    )
    return w1p, w0p, mats


def kernel(items, neighbors0, neighbors1, weights0, weights1,
           offsets0, offsets1, item_table,
           Wp, bp, Wq0, bq0, Ww0, bw0, Wq1, bq1, Ww1, bw1, WG1, bG1, WG2):
    del offsets0, offsets1
    w1p, w0p, mats = _prep(
        weights0, weights1,
        Wp, bp, Wq0, bq0, Ww0, bw0, Wq1, bq1, Ww1, bw1, WG1, bG1, WG2)
    eall = _sc_gather(item_table.astype(jnp.float32),
                      items.astype(jnp.int32),
                      neighbors0.astype(jnp.int32),
                      neighbors1.astype(jnp.int32))
    eall2 = eall.reshape(_NALL // 2, 2 * _D)
    out2 = _tc_forward(eall2, w1p, w0p, mats)
    return out2.reshape(_B, _D)

# --- scband reference (transcript-rebuilt; emitter-appended) ---
"""Pipeline reference for scband-pin-sage-model-13125420056894 (READ-ONLY COPY).

The authoritative reference and input builder live on the scoring server;
editing this copy changes nothing except your own understanding.
"""

import jax, jax.numpy as jnp
import numpy as np

N_ITEMS = 1000000
D = 64
B = 4096
FAN = 10


def linear(x, W, b):
    return x @ W.T + b


def embed_bag(nb, w, offsets, nseg):
    n = nb.shape[0]
    seg = jnp.cumsum(jnp.zeros((n,), jnp.int32).at[offsets].add(1)) - 1
    return jax.ops.segment_sum(nb * w[:, None], seg, num_segments=nseg)


def l2norm(z):
    zn = jnp.linalg.norm(z, axis=1, keepdims=True)
    zn = jnp.where(zn == 0, jnp.float32(1.0), zn)
    return z / zn


def setup_inputs(seed: int = 0):
    key = jax.random.key(seed)
    ks = jax.random.split(key, 20)
    s = 0.05
    inp = {}
    inp['items'] = jax.random.randint(ks[0], (B,), 0, N_ITEMS)
    inp['neighbors0'] = jax.random.randint(ks[1], (B * FAN,), 0, N_ITEMS)
    inp['neighbors1'] = jax.random.randint(ks[2], (B * FAN * FAN,), 0, N_ITEMS)
    inp['weights0'] = jax.random.uniform(ks[3], (B * FAN,), jnp.float32)
    inp['weights1'] = jax.random.uniform(ks[4], (B * FAN * FAN,), jnp.float32)
    inp['offsets0'] = jnp.arange(B, dtype=jnp.int32) * FAN
    inp['offsets1'] = jnp.arange(B * FAN, dtype=jnp.int32) * FAN
    inp['item_table'] = jax.random.normal(ks[5], (N_ITEMS, D), jnp.float32) * s
    inp['Wp'] = jax.random.normal(ks[6], (D, D), jnp.float32) * s
    inp['bp'] = jnp.zeros((D,), jnp.float32)
    inp['Wq0'] = jax.random.normal(ks[7], (D, D), jnp.float32) * s
    inp['bq0'] = jnp.zeros((D,), jnp.float32)
    inp['Ww0'] = jax.random.normal(ks[8], (D, 2 * D), jnp.float32) * s
    inp['bw0'] = jnp.zeros((D,), jnp.float32)
    inp['Wq1'] = jax.random.normal(ks[9], (D, D), jnp.float32) * s
    inp['bq1'] = jnp.zeros((D,), jnp.float32)
    inp['Ww1'] = jax.random.normal(ks[10], (D, 2 * D), jnp.float32) * s
    inp['bw1'] = jnp.zeros((D,), jnp.float32)
    inp['WG1'] = jax.random.normal(ks[11], (D, D), jnp.float32) * s
    inp['bG1'] = jnp.zeros((D,), jnp.float32)
    inp['WG2'] = jax.random.normal(ks[12], (D, D), jnp.float32) * s
    return inp


def reference(items, neighbors0, neighbors1, weights0, weights1, offsets0, offsets1, item_table, Wp, bp, Wq0, bq0, Ww0, bw0, Wq1, bq1, Ww1, bw1, WG1, bG1, WG2):
    # raw features: embedding gather + item projection (no sparse/dense feats)
    hidden = [
        linear(jnp.take(item_table, items, axis=0), Wp, bp),
        linear(jnp.take(item_table, neighbors0, axis=0), Wp, bp),
        linear(jnp.take(item_table, neighbors1, axis=0), Wp, bp),
    ]
    qs = [(Wq0, bq0), (Wq1, bq1)]
    ws = [(Ww0, bw0), (Ww1, bw1)]
    wts = [weights0, weights1]
    offs = [offsets0, offsets1]
    num_layers = 2
    for layer in range(num_layers):
        Wq, bq = qs[layer]
        Ww, bw = ws[layer]
        nxt = []
        depth = num_layers - layer
        for k in range(depth):
            cur = hidden[k]
            nbe = jax.nn.relu(linear(hidden[k + 1], Wq, bq))
            wn = embed_bag(nbe, wts[k], offs[k], cur.shape[0])
            z = jax.nn.relu(linear(jnp.concatenate([cur, wn], axis=1), Ww, bw))
            nxt.append(l2norm(z))
        hidden = nxt
    return jax.nn.relu(linear(hidden[0], WG1, bG1)) @ WG2.T

if __name__ == "__main__":
    import jax
    _d = setup_inputs()
    print(jax.jit(kernel)(*tuple(_d.values())))

</pallas_src>

<mosaic_0001>
#map = affine_map<(d0, d1) -> (0, 0)>
#map1 = affine_map<(d0, d1) -> (0)>
module attributes {stable_mosaic.version = 14 : i64} {
  func.func @_sc_gather_body(%arg0: i32, %arg1: i32, %arg2: memref<1000000x64xf32, #tpu.memory_space<hbm>>, %arg3: memref<4096xi32, #tpu.memory_space<hbm>>, %arg4: memref<40960xi32, #tpu.memory_space<hbm>>, %arg5: memref<409600xi32, #tpu.memory_space<hbm>>, %arg6: memref<454656x64xf32, #tpu.memory_space<hbm>>, %arg7: memref<12800xi32, #tpu.memory_space<vmem>>, %arg8: memref<12800xi32, #tpu.memory_space<vmem>>, %arg9: memref<1280x64xf32, #tpu.memory_space<vmem>>, %arg10: memref<!tpu.dma_semaphore, #tpu.memory_space<semaphore_mem>>, %arg11: memref<!tpu.dma_semaphore, #tpu.memory_space<semaphore_mem>>) attributes {dimension_semantics = [#tpu.dimension_semantics<core_parallel>, #tpu.dimension_semantics<subcore_parallel>], iteration_bounds = array<i64: 2, 16>, scalar_prefetch = 0 : i64, scratch_operands = 5 : i64, tpu.core_type = #tpu.core_type<sc_vector_subcore>, window_params = [{transform_indices = #map}, {transform_indices = #map1}, {transform_indices = #map1}, {transform_indices = #map1}, {transform_indices = #map}]} {
    %mul3A = arith.constant 2 : i32
    %mul3A_0 = arith.muli %arg1, %mul3A : i32
    %add3A = arith.addi %mul3A_0, %arg0 : i32
    %mul3A_1 = arith.constant 128 : i32
    %mul3A_2 = arith.muli %add3A, %mul3A_1 : i32
    %iota3A = tpu.iota {dimensions = array<i32: 0>} : vector<16xi32>
    %mul3A_3 = arith.constant 12800 : i32
    %mul3A_4 = arith.muli %add3A, %mul3A_3 : i32
    "tpu.region"() ({
      %run_scoped3A = tpu.sem_alloc : memref<!tpu.dma_semaphore, #tpu.memory_space<semaphore_mem>>
      %dma_start3A_207 = arith.constant 0 : i32
      %dma_start3A_208 = tpu.memref_slice %arg7[%dma_start3A_207] : memref<12800xi32, #tpu.memory_space<vmem>> -> memref<12800xi32, #tpu.memory_space<vmem>>
      %dma_start3A_209 = tpu.memref_slice %arg5[%mul3A_4] : memref<409600xi32, #tpu.memory_space<hbm>> -> memref<12800xi32, #tpu.memory_space<hbm>>
      %dma_start3A_210 = arith.constant 0 : i32
      %dma_start3A_211 = tpu.memref_slice %arg7[%dma_start3A_210] : memref<12800xi32, #tpu.memory_space<vmem>> -> memref<12800xi32, #tpu.memory_space<vmem>>
      %dma_start3A_212 = tpu.memref_slice %arg5[%mul3A_4] : memref<409600xi32, #tpu.memory_space<hbm>> -> memref<12800xi32, #tpu.memory_space<hbm>>
      tpu.enqueue_dma source(%dma_start3A_212 : memref<12800xi32, #tpu.memory_space<hbm>>) target(%dma_start3A_211 : memref<12800xi32, #tpu.memory_space<vmem>>) target_semaphore(%run_scoped3A : memref<!tpu.dma_semaphore, #tpu.memory_space<semaphore_mem>>)
      %dma_wait3A_213 = arith.constant 0 : i32
      %dma_wait3A_214 = tpu.memref_slice %arg7[%dma_wait3A_213] : memref<12800xi32, #tpu.memory_space<vmem>> -> memref<12800xi32, #tpu.memory_space<vmem>>
      %dma_wait3A_215 = tpu.memref_slice %arg5[%mul3A_4] : memref<409600xi32, #tpu.memory_space<hbm>> -> memref<12800xi32, #tpu.memory_space<hbm>>
      %dma_wait3A_216 = arith.constant 0 : i32
      %dma_wait3A_217 = tpu.memref_slice %arg7[%dma_wait3A_216] : memref<12800xi32, #tpu.memory_space<vmem>> -> memref<12800xi32, #tpu.memory_space<vmem>>
      %dma_wait3A_218 = tpu.memref_slice %arg5[%mul3A_4] : memref<409600xi32, #tpu.memory_space<hbm>> -> memref<12800xi32, #tpu.memory_space<hbm>>
      tpu.wait_dma2 semaphore(%run_scoped3A : memref<!tpu.dma_semaphore, #tpu.memory_space<semaphore_mem>>) src(%dma_wait3A_218 : memref<12800xi32, #tpu.memory_space<hbm>>) dst(%dma_wait3A_217 : memref<12800xi32, #tpu.memory_space<vmem>>)
      tpu.yield
    }) : () -> ()
    %scan3A = arith.constant 0 : i32
    %scan3A_5 = arith.constant 0 : i32
    %scan3A_6 = arith.constant 100 : i32
    %scan3A_7 = arith.addi %scan3A_5, %scan3A_6 : i32
    %scan3A_8 = arith.constant 1 : i32
    scf.for %scan3A_207 = %scan3A_5 to %scan3A_7 step %scan3A_8  : i32 {
      %mul3A_208 = arith.constant 100 : i32
      %mul3A_209 = vector.broadcast %mul3A_208 : i32 to vector<16xi32>
      %mul3A_210 = arith.muli %iota3A, %mul3A_209 : vector<16xi32>
      %add3A_211 = arith.constant 0 : i32
      %add3A_212 = arith.addi %add3A_211, %scan3A_207 : i32
      %add3A_213 = vector.broadcast %add3A_212 : i32 to vector<16xi32>
      %add3A_214 = arith.addi %mul3A_210, %add3A_213 : vector<16xi32>
      %gather3A_215 = tpu.vector_load_idx %arg7[%add3A_214] : memref<12800xi32, #tpu.memory_space<vmem>>[vector<16xi32>], vector<16xi32>,
      %mul3A_216 = arith.constant 128 : i32
      %mul3A_217 = arith.muli %scan3A_207, %mul3A_216 : i32
      %add3A_218 = arith.constant 0 : i32
      %add3A_219 = arith.addi %mul3A_217, %add3A_218 : i32
      %swap3A_220 = arith.index_cast %add3A_219 : i32 to index
      %swap3A_221 = tpu.vector_load %arg8[%swap3A_220] {strides = array<i32>} : memref<12800xi32, #tpu.memory_space<vmem>>, vector<16xi32>,
      tpu.vector_store %arg8[%swap3A_220], %gather3A_215 {strides = array<i32>} : memref<12800xi32, #tpu.memory_space<vmem>>, vector<16xi32>,
      %mul3A_222 = arith.constant 100 : i32
      %mul3A_223 = vector.broadcast %mul3A_222 : i32 to vector<16xi32>
      %mul3A_224 = arith.muli %iota3A, %mul3A_223 : vector<16xi32>
      %add3A_225 = arith.constant 1600 : i32
      %add3A_226 = arith.addi %add3A_225, %scan3A_207 : i32
      %add3A_227 = vector.broadcast %add3A_226 : i32 to vector<16xi32>
      %add3A_228 = arith.addi %mul3A_224, %add3A_227 : vector<16xi32>
      %gather3A_229 = tpu.vector_load_idx %arg7[%add3A_228] : memref<12800xi32, #tpu.memory_space<vmem>>[vector<16xi32>], vector<16xi32>,
      %mul3A_230 = arith.constant 128 : i32
      %mul3A_231 = arith.muli %scan3A_207, %mul3A_230 : i32
      %add3A_232 = arith.constant 16 : i32
      %add3A_233 = arith.addi %mul3A_231, %add3A_232 : i32
      %swap3A_234 = arith.index_cast %add3A_233 : i32 to index
      %swap3A_235 = tpu.vector_load %arg8[%swap3A_234] {strides = array<i32>} : memref<12800xi32, #tpu.memory_space<vmem>>, vector<16xi32>,
      tpu.vector_store %arg8[%swap3A_234], %gather3A_229 {strides = array<i32>} : memref<12800xi32, #tpu.memory_space<vmem>>, vector<16xi32>,
      %mul3A_236 = arith.constant 100 : i32
      %mul3A_237 = vector.broadcast %mul3A_236 : i32 to vector<16xi32>
      %mul3A_238 = arith.muli %iota3A, %mul3A_237 : vector<16xi32>
      %add3A_239 = arith.constant 3200 : i32
      %add3A_240 = arith.addi %add3A_239, %scan3A_207 : i32
      %add3A_241 = vector.broadcast %add3A_240 : i32 to vector<16xi32>
      %add3A_242 = arith.addi %mul3A_238, %add3A_241 : vector<16xi32>
      %gather3A_243 = tpu.vector_load_idx %arg7[%add3A_242] : memref<12800xi32, #tpu.memory_space<vmem>>[vector<16xi32>], vector<16xi32>,
      %mul3A_244 = arith.constant 128 : i32
      %mul3A_245 = arith.muli %scan3A_207, %mul3A_244 : i32
      %add3A_246 = arith.constant 32 : i32
      %add3A_247 = arith.addi %mul3A_245, %add3A_246 : i32
      %swap3A_248 = arith.index_cast %add3A_247 : i32 to index
      %swap3A_249 = tpu.vector_load %arg8[%swap3A_248] {strides = array<i32>} : memref<12800xi32, #tpu.memory_space<vmem>>, vector<16xi32>,
      tpu.vector_store %arg8[%swap3A_248], %gather3A_243 {strides = array<i32>} : memref<12800xi32, #tpu.memory_space<vmem>>, vector<16xi32>,
      %mul3A_250 = arith.constant 100 : i32
      %mul3A_251 = vector.broadcast %mul3A_250 : i32 to vector<16xi32>
      %mul3A_252 = arith.muli %iota3A, %mul3A_251 : vector<16xi32>
      %add3A_253 = arith.constant 4800 : i32
      %add3A_254 = arith.addi %add3A_253, %scan3A_207 : i32
      %add3A_255 = vector.broadcast %add3A_254 : i32 to vector<16xi32>
      %add3A_256 = arith.addi %mul3A_252, %add3A_255 : vector<16xi32>
      %gather3A_257 = tpu.vector_load_idx %arg7[%add3A_256] : memref<12800xi32, #tpu.memory_space<vmem>>[vector<16xi32>], vector<16xi32>,
      %mul3A_258 = arith.constant 128 : i32
      %mul3A_259 = arith.muli %scan3A_207, %mul3A_258 : i32
      %add3A_260 = arith.constant 48 : i32
      %add3A_261 = arith.addi %mul3A_259, %add3A_260 : i32
      %swap3A_262 = arith.index_cast %add3A_261 : i32 to index
      %swap3A_263 = tpu.vector_load %arg8[%swap3A_262] {strides = array<i32>} : memref<12800xi32, #tpu.memory_space<vmem>>, vector<16xi32>,
      tpu.vector_store %arg8[%swap3A_262], %gather3A_257 {strides = array<i32>} : memref<12800xi32, #tpu.memory_space<vmem>>, vector<16xi32>,
      %mul3A_264 = arith.constant 100 : i32
      %mul3A_265 = vector.broadcast %mul3A_264 : i32 to vector<16xi32>
      %mul3A_266 = arith.muli %iota3A, %mul3A_265 : vector<16xi32>
      %add3A_267 = arith.constant 6400 : i32
      %add3A_268 = arith.addi %add3A_267, %scan3A_207 : i32
      %add3A_269 = vector.broadcast %add3A_268 : i32 to vector<16xi32>
      %add3A_270 = arith.addi %mul3A_266, %add3A_269 : vector<16xi32>
      %gather3A_271 = tpu.vector_load_idx %arg7[%add3A_270] : memref<12800xi32, #tpu.memory_space<vmem>>[vector<16xi32>], vector<16xi32>,
      %mul3A_272 = arith.constant 128 : i32
      %mul3A_273 = arith.muli %scan3A_207, %mul3A_272 : i32
      %add3A_274 = arith.constant 64 : i32
      %add3A_275 = arith.addi %mul3A_273, %add3A_274 : i32
      %swap3A_276 = arith.index_cast %add3A_275 : i32 to index
      %swap3A_277 = tpu.vector_load %arg8[%swap3A_276] {strides = array<i32>} : memref<12800xi32, #tpu.memory_space<vmem>>, vector<16xi32>,
      tpu.vector_store %arg8[%swap3A_276], %gather3A_271 {strides = array<i32>} : memref<12800xi32, #tpu.memory_space<vmem>>, vector<16xi32>,
      %mul3A_278 = arith.constant 100 : i32
      %mul3A_279 = vector.broadcast %mul3A_278 : i32 to vector<16xi32>
      %mul3A_280 = arith.muli %iota3A, %mul3A_279 : vector<16xi32>
      %add3A_281 = arith.constant 8000 : i32
      %add3A_282 = arith.addi %add3A_281, %scan3A_207 : i32
      %add3A_283 = vector.broadcast %add3A_282 : i32 to vector<16xi32>
      %add3A_284 = arith.addi %mul3A_280, %add3A_283 : vector<16xi32>
      %gather3A_285 = tpu.vector_load_idx %arg7[%add3A_284] : memref<12800xi32, #tpu.memory_space<vmem>>[vector<16xi32>], vector<16xi32>,
      %mul3A_286 = arith.constant 128 : i32
      %mul3A_287 = arith.muli %scan3A_207, %mul3A_286 : i32
      %add3A_288 = arith.constant 80 : i32
      %add3A_289 = arith.addi %mul3A_287, %add3A_288 : i32
      %swap3A_290 = arith.index_cast %add3A_289 : i32 to index
      %swap3A_291 = tpu.vector_load %arg8[%swap3A_290] {strides = array<i32>} : memref<12800xi32, #tpu.memory_space<vmem>>, vector<16xi32>,
      tpu.vector_store %arg8[%swap3A_290], %gather3A_285 {strides = array<i32>} : memref<12800xi32, #tpu.memory_space<vmem>>, vector<16xi32>,
      %mul3A_292 = arith.constant 100 : i32
      %mul3A_293 = vector.broadcast %mul3A_292 : i32 to vector<16xi32>
      %mul3A_294 = arith.muli %iota3A, %mul3A_293 : vector<16xi32>
      %add3A_295 = arith.constant 9600 : i32
      %add3A_296 = arith.addi %add3A_295, %scan3A_207 : i32
      %add3A_297 = vector.broadcast %add3A_296 : i32 to vector<16xi32>
      %add3A_298 = arith.addi %mul3A_294, %add3A_297 : vector<16xi32>
      %gather3A_299 = tpu.vector_load_idx %arg7[%add3A_298] : memref<12800xi32, #tpu.memory_space<vmem>>[vector<16xi32>], vector<16xi32>,
      %mul3A_300 = arith.constant 128 : i32
      %mul3A_301 = arith.muli %scan3A_207, %mul3A_300 : i32
      %add3A_302 = arith.constant 96 : i32
      %add3A_303 = arith.addi %mul3A_301, %add3A_302 : i32
      %swap3A_304 = arith.index_cast %add3A_303 : i32 to index
      %swap3A_305 = tpu.vector_load %arg8[%swap3A_304] {strides = array<i32>} : memref<12800xi32, #tpu.memory_space<vmem>>, vector<16xi32>,
      tpu.vector_store %arg8[%swap3A_304], %gather3A_299 {strides = array<i32>} : memref<12800xi32, #tpu.memory_space<vmem>>, vector<16xi32>,
      %mul3A_306 = arith.constant 100 : i32
      %mul3A_307 = vector.broadcast %mul3A_306 : i32 to vector<16xi32>
      %mul3A_308 = arith.muli %iota3A, %mul3A_307 : vector<16xi32>
      %add3A_309 = arith.constant 11200 : i32
      %add3A_310 = arith.addi %add3A_309, %scan3A_207 : i32
      %add3A_311 = vector.broadcast %add3A_310 : i32 to vector<16xi32>
      %add3A_312 = arith.addi %mul3A_308, %add3A_311 : vector<16xi32>
      %gather3A_313 = tpu.vector_load_idx %arg7[%add3A_312] : memref<12800xi32, #tpu.memory_space<vmem>>[vector<16xi32>], vector<16xi32>,
      %mul3A_314 = arith.constant 128 : i32
      %mul3A_315 = arith.muli %scan3A_207, %mul3A_314 : i32
      %add3A_316 = arith.constant 112 : i32
      %add3A_317 = arith.addi %mul3A_315, %add3A_316 : i32
      %swap3A_318 = arith.index_cast %add3A_317 : i32 to index
      %swap3A_319 = tpu.vector_load %arg8[%swap3A_318] {strides = array<i32>} : memref<12800xi32, #tpu.memory_space<vmem>>, vector<16xi32>,
      tpu.vector_store %arg8[%swap3A_318], %gather3A_313 {strides = array<i32>} : memref<12800xi32, #tpu.memory_space<vmem>>, vector<16xi32>,
    }
    %scan3A_9 = arith.constant 100 : i32
    %scan3A_10 = arith.constant 0 : i32
    %scan3A_11 = arith.constant 0 : i32
    %scan3A_12 = arith.constant 20 : i32
    %scan3A_13 = arith.addi %scan3A_11, %scan3A_12 : i32
    %scan3A_14 = arith.constant 1 : i32
    scf.for %scan3A_207 = %scan3A_11 to %scan3A_13 step %scan3A_14  : i32 {
      %jit3A = arith.constant 2 : i32
      %eq3A = arith.constant 0 : i32
      %eq3A_208 = arith.cmpi eq, %jit3A, %eq3A : i32
      %jit3A_209 = arith.constant 1 : i32
      %select_n3A = arith.select %eq3A_208, %jit3A_209, %jit3A : i32
      %rem3A = arith.remsi %scan3A_207, %select_n3A : i32
      %ne3A = arith.constant 0 : i32
      %ne3A_210 = arith.cmpi ne, %rem3A, %ne3A : i32
      %lt3A = arith.constant 0 : i32
      %lt3A_211 = arith.cmpi slt, %rem3A, %lt3A : i32
      %lt3A_212 = arith.constant 0 : i32
      %lt3A_213 = arith.cmpi slt, %select_n3A, %lt3A_212 : i32
      %ne3A_214 = arith.xori %lt3A_211, %lt3A_213 : i1
      %and3A = arith.andi %ne3A_214, %ne3A_210 : i1
      %add3A_215 = arith.addi %rem3A, %select_n3A : i32
      %select_n3A_216 = arith.select %and3A, %add3A_215, %rem3A : i32
      %mul3A_217 = arith.constant 640 : i32
      %mul3A_218 = arith.muli %select_n3A_216, %mul3A_217 : i32
      %ge3A = arith.constant 2 : i32
      %ge3A_219 = arith.cmpi sge, %scan3A_207, %ge3A : i32
      %convert_element_type3A = arith.extui %ge3A_219 : i1 to i32
      %cond3A = arith.constant 0 : i32
      %cond3A_220 = arith.cmpi ne, %convert_element_type3A, %cond3A : i32
      scf.if %cond3A_220 {
        %dma_wait3A_598 = arith.constant 0 : i32
        %dma_wait3A_599 = arith.constant 0 : i32
        %dma_wait3A_600 = tpu.memref_slice %arg9[%dma_wait3A_598, %dma_wait3A_599] : memref<1280x64xf32, #tpu.memory_space<vmem>> -> memref<640x64xf32, #tpu.memory_space<vmem>>
        %dma_wait3A_601 = arith.constant 0 : i32
        %dma_wait3A_602 = arith.constant 0 : i32
        %dma_wait3A_603 = tpu.memref_slice %arg6[%dma_wait3A_601, %dma_wait3A_602] : memref<454656x64xf32, #tpu.memory_space<hbm>> -> memref<640x64xf32, #tpu.memory_space<hbm>>
        %dma_wait3A_604 = arith.constant 0 : i32
        %dma_wait3A_605 = arith.constant 0 : i32
        %dma_wait3A_606 = tpu.memref_slice %arg9[%dma_wait3A_604, %dma_wait3A_605] : memref<1280x64xf32, #tpu.memory_space<vmem>> -> memref<640x64xf32, #tpu.memory_space<vmem>>
        %dma_wait3A_607 = arith.constant 0 : i32
        %dma_wait3A_608 = arith.constant 0 : i32
        %dma_wait3A_609 = tpu.memref_slice %arg6[%dma_wait3A_607, %dma_wait3A_608] : memref<454656x64xf32, #tpu.memory_space<hbm>> -> memref<640x64xf32, #tpu.memory_space<hbm>>
        tpu.wait_dma2 semaphore(%arg11 : memref<!tpu.dma_semaphore, #tpu.memory_space<semaphore_mem>>) src(%dma_wait3A_609 : memref<640x64xf32, #tpu.memory_space<hbm>>) dst(%dma_wait3A_606 : memref<640x64xf32, #tpu.memory_space<vmem>>)
      } else {
      }
      %mul3A_221 = arith.constant 5 : i32
      %mul3A_222 = arith.muli %scan3A_207, %mul3A_221 : i32
      %add3A_223 = arith.constant 0 : i32
      %add3A_224 = arith.addi %mul3A_222, %add3A_223 : i32
      %mul3A_225 = arith.constant 5 : i32
      %mul3A_226 = arith.muli %scan3A_207, %mul3A_225 : i32
      %add3A_227 = arith.constant 1 : i32
      %add3A_228 = arith.addi %mul3A_226, %add3A_227 : i32
      %mul3A_229 = arith.constant 5 : i32
      %mul3A_230 = arith.muli %scan3A_207, %mul3A_229 : i32
      %add3A_231 = arith.constant 2 : i32
      %add3A_232 = arith.addi %mul3A_230, %add3A_231 : i32
      %mul3A_233 = arith.constant 5 : i32
      %mul3A_234 = arith.muli %scan3A_207, %mul3A_233 : i32
      %add3A_235 = arith.constant 3 : i32
      %add3A_236 = arith.addi %mul3A_234, %add3A_235 : i32
      %mul3A_237 = arith.constant 5 : i32
      %mul3A_238 = arith.muli %scan3A_207, %mul3A_237 : i32
      %add3A_239 = arith.constant 4 : i32
      %add3A_240 = arith.addi %mul3A_238, %add3A_239 : i32
      %mul3A_241 = arith.constant 128 : i32
      %mul3A_242 = arith.muli %add3A_224, %mul3A_241 : i32
      %add3A_243 = arith.constant 0 : i32
      %add3A_244 = arith.addi %mul3A_218, %add3A_243 : i32
      %dma_start3A_245 = arith.constant 0 : i32
      %dma_start3A_246 = tpu.memref_slice %arg9[%add3A_244, %dma_start3A_245] : memref<1280x64xf32, #tpu.memory_space<vmem>> -> memref<128x64xf32, #tpu.memory_space<vmem>>
      %dma_start3A_247 = tpu.memref_slice %arg8[%mul3A_242] : memref<12800xi32, #tpu.memory_space<vmem>> -> memref<128xi32, #tpu.memory_space<vmem>>
      %dma_start3A_248 = arith.constant 0 : i32
      %dma_start3A_249 = arith.constant 0 : i32
      %dma_start3A_250 = tpu.memref_slice %arg2[%dma_start3A_248, %dma_start3A_249] : memref<1000000x64xf32, #tpu.memory_space<hbm>> -> memref<1000000x64xf32, #tpu.memory_space<hbm>>
      tpu.enqueue_indirect_dma source(%dma_start3A_250 : memref<1000000x64xf32, #tpu.memory_space<hbm>>) target(%dma_start3A_246 : memref<128x64xf32, #tpu.memory_space<vmem>>) offsets(%dma_start3A_247 : memref<128xi32, #tpu.memory_space<vmem>>) semaphore(%arg10 : memref<!tpu.dma_semaphore, #tpu.memory_space<semaphore_mem>>)
      %mul3A_251 = arith.constant 128 : i32
      %mul3A_252 = arith.muli %add3A_228, %mul3A_251 : i32
      %add3A_253 = arith.constant 128 : i32
      %add3A_254 = arith.addi %mul3A_218, %add3A_253 : i32
      %dma_start3A_255 = arith.constant 0 : i32
      %dma_start3A_256 = tpu.memref_slice %arg9[%add3A_254, %dma_start3A_255] : memref<1280x64xf32, #tpu.memory_space<vmem>> -> memref<128x64xf32, #tpu.memory_space<vmem>>
      %dma_start3A_257 = tpu.memref_slice %arg8[%mul3A_252] : memref<12800xi32, #tpu.memory_space<vmem>> -> memref<128xi32, #tpu.memory_space<vmem>>
      %dma_start3A_258 = arith.constant 0 : i32
      %dma_start3A_259 = arith.constant 0 : i32
      %dma_start3A_260 = tpu.memref_slice %arg2[%dma_start3A_258, %dma_start3A_259] : memref<1000000x64xf32, #tpu.memory_space<hbm>> -> memref<1000000x64xf32, #tpu.memory_space<hbm>>
      tpu.enqueue_indirect_dma source(%dma_start3A_260 : memref<1000000x64xf32, #tpu.memory_space<hbm>>) target(%dma_start3A_256 : memref<128x64xf32, #tpu.memory_space<vmem>>) offsets(%dma_start3A_257 : memref<128xi32, #tpu.memory_space<vmem>>) semaphore(%arg10 : memref<!tpu.dma_semaphore, #tpu.memory_space<semaphore_mem>>)
      %mul3A_261 = arith.constant 128 : i32
      %mul3A_262 = arith.muli %add3A_232, %mul3A_261 : i32
      %add3A_263 = arith.constant 256 : i32
      %add3A_264 = arith.addi %mul3A_218, %add3A_263 : i32
      %dma_start3A_265 = arith.constant 0 : i32
      %dma_start3A_266 = tpu.memref_slice %arg9[%add3A_264, %dma_start3A_265] : memref<1280x64xf32, #tpu.memory_space<vmem>> -> memref<128x64xf32, #tpu.memory_space<vmem>>
      %dma_start3A_267 = tpu.memref_slice %arg8[%mul3A_262] : memref<12800xi32, #tpu.memory_space<vmem>> -> memref<128xi32, #tpu.memory_space<vmem>>
      %dma_start3A_268 = arith.constant 0 : i32
      %dma_start3A_269 = arith.constant 0 : i32
      %dma_start3A_270 = tpu.memref_slice %arg2[%dma_start3A_268, %dma_start3A_269] : memref<1000000x64xf32, #tpu.memory_space<hbm>> -> memref<1000000x64xf32, #tpu.memory_space<hbm>>
      tpu.enqueue_indirect_dma source(%dma_start3A_270 : memref<1000000x64xf32, #tpu.memory_space<hbm>>) target(%dma_start3A_266 : memref<128x64xf32, #tpu.memory_space<vmem>>) offsets(%dma_start3A_267 : memref<128xi32, #tpu.memory_space<vmem>>) semaphore(%arg10 : memref<!tpu.dma_semaphore, #tpu.memory_space<semaphore_mem>>)
      %mul3A_271 = arith.constant 128 : i32
      %mul3A_272 = arith.muli %add3A_236, %mul3A_271 : i32
      %add3A_273 = arith.constant 384 : i32
      %add3A_274 = arith.addi %mul3A_218, %add3A_273 : i32
      %dma_start3A_275 = arith.constant 0 : i32
      %dma_start3A_276 = tpu.memref_slice %arg9[%add3A_274, %dma_start3A_275] : memref<1280x64xf32, #tpu.memory_space<vmem>> -> memref<128x64xf32, #tpu.memory_space<vmem>>
      %dma_start3A_277 = tpu.memref_slice %arg8[%mul3A_272] : memref<12800xi32, #tpu.memory_space<vmem>> -> memref<128xi32, #tpu.memory_space<vmem>>
      %dma_start3A_278 = arith.constant 0 : i32
      %dma_start3A_279 = arith.constant 0 : i32
      %dma_start3A_280 = tpu.memref_slice %arg2[%dma_start3A_278, %dma_start3A_279] : memref<1000000x64xf32, #tpu.memory_space<hbm>> -> memref<1000000x64xf32, #tpu.memory_space<hbm>>
      tpu.enqueue_indirect_dma source(%dma_start3A_280 : memref<1000000x64xf32, #tpu.memory_space<hbm>>) target(%dma_start3A_276 : memref<128x64xf32, #tpu.memory_space<vmem>>) offsets(%dma_start3A_277 : memref<128xi32, #tpu.memory_space<vmem>>) semaphore(%arg10 : memref<!tpu.dma_semaphore, #tpu.memory_space<semaphore_mem>>)
      %mul3A_281 = arith.constant 128 : i32
      %mul3A_282 = arith.muli %add3A_240, %mul3A_281 : i32
      %add3A_283 = arith.constant 512 : i32
      %add3A_284 = arith.addi %mul3A_218, %add3A_283 : i32
      %dma_start3A_285 = arith.constant 0 : i32
      %dma_start3A_286 = tpu.memref_slice %arg9[%add3A_284, %dma_start3A_285] : memref<1280x64xf32, #tpu.memory_space<vmem>> -> memref<128x64xf32, #tpu.memory_space<vmem>>
      %dma_start3A_287 = tpu.memref_slice %arg8[%mul3A_282] : memref<12800xi32, #tpu.memory_space<vmem>> -> memref<128xi32, #tpu.memory_space<vmem>>
      %dma_start3A_288 = arith.constant 0 : i32
      %dma_start3A_289 = arith.constant 0 : i32
      %dma_start3A_290 = tpu.memref_slice %arg2[%dma_start3A_288, %dma_start3A_289] : memref<1000000x64xf32, #tpu.memory_space<hbm>> -> memref<1000000x64xf32, #tpu.memory_space<hbm>>
      tpu.enqueue_indirect_dma source(%dma_start3A_290 : memref<1000000x64xf32, #tpu.memory_space<hbm>>) target(%dma_start3A_286 : memref<128x64xf32, #tpu.memory_space<vmem>>) offsets(%dma_start3A_287 : memref<128xi32, #tpu.memory_space<vmem>>) semaphore(%arg10 : memref<!tpu.dma_semaphore, #tpu.memory_space<semaphore_mem>>)
      %dma_wait3A_291 = arith.constant 0 : i32
      %dma_wait3A_292 = tpu.memref_slice %arg9[%add3A_244, %dma_wait3A_291] : memref<1280x64xf32, #tpu.memory_space<vmem>> -> memref<128x64xf32, #tpu.memory_space<vmem>>
      %dma_wait3A_293 = tpu.memref_slice %arg8[%mul3A_242] : memref<12800xi32, #tpu.memory_space<vmem>> -> memref<128xi32, #tpu.memory_space<vmem>>
      %dma_wait3A_294 = arith.constant 0 : i32
      %dma_wait3A_295 = arith.constant 0 : i32
      %dma_wait3A_296 = tpu.memref_slice %arg2[%dma_wait3A_294, %dma_wait3A_295] : memref<1000000x64xf32, #tpu.memory_space<hbm>> -> memref<1000000x64xf32, #tpu.memory_space<hbm>>
      tpu.wait_indirect_dma semaphore(%arg10 : memref<!tpu.dma_semaphore, #tpu.memory_space<semaphore_mem>>) src(%dma_wait3A_296 : memref<1000000x64xf32, #tpu.memory_space<hbm>>) dst(%dma_wait3A_292 : memref<128x64xf32, #tpu.memory_space<vmem>>)
      %dma_wait3A_297 = arith.constant 0 : i32
      %dma_wait3A_298 = tpu.memref_slice %arg9[%add3A_254, %dma_wait3A_297] : memref<1280x64xf32, #tpu.memory_space<vmem>> -> memref<128x64xf32, #tpu.memory_space<vmem>>
      %dma_wait3A_299 = tpu.memref_slice %arg8[%mul3A_252] : memref<12800xi32, #tpu.memory_space<vmem>> -> memref<128xi32, #tpu.memory_space<vmem>>
      %dma_wait3A_300 = arith.constant 0 : i32
      %dma_wait3A_301 = arith.constant 0 : i32
      %dma_wait3A_302 = tpu.memref_slice %arg2[%dma_wait3A_300, %dma_wait3A_301] : memref<1000000x64xf32, #tpu.memory_space<hbm>> -> memref<1000000x64xf32, #tpu.memory_space<hbm>>
      tpu.wait_indirect_dma semaphore(%arg10 : memref<!tpu.dma_semaphore, #tpu.memory_space<semaphore_mem>>) src(%dma_wait3A_302 : memref<1000000x64xf32, #tpu.memory_space<hbm>>) dst(%dma_wait3A_298 : memref<128x64xf32, #tpu.memory_space<vmem>>)
      %dma_wait3A_303 = arith.constant 0 : i32
      %dma_wait3A_304 = tpu.memref_slice %arg9[%add3A_264, %dma_wait3A_303] : memref<1280x64xf32, #tpu.memory_space<vmem>> -> memref<128x64xf32, #tpu.memory_space<vmem>>
      %dma_wait3A_305 = tpu.memref_slice %arg8[%mul3A_262] : memref<12800xi32, #tpu.memory_space<vmem>> -> memref<128xi32, #tpu.memory_space<vmem>>
      %dma_wait3A_306 = arith.constant 0 : i32
      %dma_wait3A_307 = arith.constant 0 : i32
      %dma_wait3A_308 = tpu.memref_slice %arg2[%dma_wait3A_306, %dma_wait3A_307] : memref<1000000x64xf32, #tpu.memory_space<hbm>> -> memref<1000000x64xf32, #tpu.memory_space<hbm>>
      tpu.wait_indirect_dma semaphore(%arg10 : memref<!tpu.dma_semaphore, #tpu.memory_space<semaphore_mem>>) src(%dma_wait3A_308 : memref<1000000x64xf32, #tpu.memory_space<hbm>>) dst(%dma_wait3A_304 : memref<128x64xf32, #tpu.memory_space<vmem>>)
      %dma_wait3A_309 = arith.constant 0 : i32
      %dma_wait3A_310 = tpu.memref_slice %arg9[%add3A_274, %dma_wait3A_309] : memref<1280x64xf32, #tpu.memory_space<vmem>> -> memref<128x64xf32, #tpu.memory_space<vmem>>
      %dma_wait3A_311 = tpu.memref_slice %arg8[%mul3A_272] : memref<12800xi32, #tpu.memory_space<vmem>> -> memref<128xi32, #tpu.memory_space<vmem>>
      %dma_wait3A_312 = arith.constant 0 : i32
      %dma_wait3A_313 = arith.constant 0 : i32
      %dma_wait3A_314 = tpu.memref_slice %arg2[%dma_wait3A_312, %dma_wait3A_313] : memref<1000000x64xf32, #tpu.memory_space<hbm>> -> memref<1000000x64xf32, #tpu.memory_space<hbm>>
      tpu.wait_indirect_dma semaphore(%arg10 : memref<!tpu.dma_semaphore, #tpu.memory_space<semaphore_mem>>) src(%dma_wait3A_314 : memref<1000000x64xf32, #tpu.memory_space<hbm>>) dst(%dma_wait3A_310 : memref<128x64xf32, #tpu.memory_space<vmem>>)
      %dma_wait3A_315 = arith.constant 0 : i32
      %dma_wait3A_316 = tpu.memref_slice %arg9[%add3A_284, %dma_wait3A_315] : memref<1280x64xf32, #tpu.memory_space<vmem>> -> memref<128x64xf32, #tpu.memory_space<vmem>>
      %dma_wait3A_317 = tpu.memref_slice %arg8[%mul3A_282] : memref<12800xi32, #tpu.memory_space<vmem>> -> memref<128xi32, #tpu.memory_space<vmem>>
      %dma_wait3A_318 = arith.constant 0 : i32
      %dma_wait3A_319 = arith.constant 0 : i32
      %dma_wait3A_320 = tpu.memref_slice %arg2[%dma_wait3A_318, %dma_wait3A_319] : memref<1000000x64xf32, #tpu.memory_space<hbm>> -> memref<1000000x64xf32, #tpu.memory_space<hbm>>
      tpu.wait_indirect_dma semaphore(%arg10 : memref<!tpu.dma_semaphore, #tpu.memory_space<semaphore_mem>>) src(%dma_wait3A_320 : memref<1000000x64xf32, #tpu.memory_space<hbm>>) dst(%dma_wait3A_316 : memref<128x64xf32, #tpu.memory_space<vmem>>)
      %add3A_321 = arith.constant 0 : i32
      %add3A_322 = arith.addi %mul3A_218, %add3A_321 : i32
      %jit3A_323 = arith.constant 10 : i32
      %eq3A_324 = arith.constant 0 : i32
      %eq3A_325 = arith.cmpi eq, %jit3A_323, %eq3A_324 : i32
      %jit3A_326 = arith.constant 1 : i32
      %select_n3A_327 = arith.select %eq3A_325, %jit3A_326, %jit3A_323 : i32
      %rem3A_328 = arith.remsi %add3A_224, %select_n3A_327 : i32
      %ne3A_329 = arith.constant 0 : i32
      %ne3A_330 = arith.cmpi ne, %rem3A_328, %ne3A_329 : i32
      %lt3A_331 = arith.constant 0 : i32
      %lt3A_332 = arith.cmpi slt, %rem3A_328, %lt3A_331 : i32
      %lt3A_333 = arith.constant 0 : i32
      %lt3A_334 = arith.cmpi slt, %select_n3A_327, %lt3A_333 : i32
      %ne3A_335 = arith.xori %lt3A_332, %lt3A_334 : i1
      %and3A_336 = arith.andi %ne3A_335, %ne3A_330 : i1
      %add3A_337 = arith.addi %rem3A_328, %select_n3A_327 : i32
      %select_n3A_338 = arith.select %and3A_336, %add3A_337, %rem3A_328 : i32
      %mul3A_339 = arith.constant 40960 : i32
      %mul3A_340 = arith.muli %select_n3A_338, %mul3A_339 : i32
      %jit3A_341 = arith.constant 10 : i32
      %div3A = arith.divsi %add3A_224, %jit3A_341 : i32
      %sign3A = arith.constant 0 : i32
      %sign3A_342 = arith.cmpi sgt, %add3A_224, %sign3A : i32
      %sign3A_343 = arith.extui %sign3A_342 : i1 to i32
      %sign3A_344 = arith.constant 0 : i32
      %sign3A_345 = arith.cmpi slt, %add3A_224, %sign3A_344 : i32
      %sign3A_346 = arith.extui %sign3A_345 : i1 to i32
      %sign3A_347 = arith.subi %sign3A_343, %sign3A_346 : i32
      %sign3A_348 = arith.constant 0 : i32
      %sign3A_349 = arith.cmpi sgt, %jit3A_341, %sign3A_348 : i32
      %sign3A_350 = arith.extui %sign3A_349 : i1 to i32
      %sign3A_351 = arith.constant 0 : i32
      %sign3A_352 = arith.cmpi slt, %jit3A_341, %sign3A_351 : i32
      %sign3A_353 = arith.extui %sign3A_352 : i1 to i32
      %sign3A_354 = arith.subi %sign3A_350, %sign3A_353 : i32
      %ne3A_355 = arith.cmpi ne, %sign3A_347, %sign3A_354 : i32
      %rem3A_356 = arith.remsi %add3A_224, %jit3A_341 : i32
      %ne3A_357 = arith.constant 0 : i32
      %ne3A_358 = arith.cmpi ne, %rem3A_356, %ne3A_357 : i32
      %and3A_359 = arith.andi %ne3A_355, %ne3A_358 : i1
      %sub3A = arith.constant 1 : i32
      %sub3A_360 = arith.subi %div3A, %sub3A : i32
      %select_n3A_361 = arith.select %and3A_359, %sub3A_360, %div3A : i32
      %mul3A_362 = arith.constant 4096 : i32
      %mul3A_363 = arith.muli %select_n3A_361, %mul3A_362 : i32
      %add3A_364 = arith.addi %mul3A_340, %mul3A_363 : i32
      %add3A_365 = arith.addi %add3A_364, %mul3A_2 : i32
      %dma_start3A_366 = arith.constant 0 : i32
      %dma_start3A_367 = tpu.memref_slice %arg9[%add3A_322, %dma_start3A_366] : memref<1280x64xf32, #tpu.memory_space<vmem>> -> memref<128x64xf32, #tpu.memory_space<vmem>>
      %dma_start3A_368 = arith.constant 0 : i32
      %dma_start3A_369 = tpu.memref_slice %arg6[%add3A_365, %dma_start3A_368] : memref<454656x64xf32, #tpu.memory_space<hbm>> -> memref<128x64xf32, #tpu.memory_space<hbm>>
      %dma_start3A_370 = arith.constant 0 : i32
      %dma_start3A_371 = tpu.memref_slice %arg6[%add3A_365, %dma_start3A_370] : memref<454656x64xf32, #tpu.memory_space<hbm>> -> memref<128x64xf32, #tpu.memory_space<hbm>>
      %dma_start3A_372 = arith.constant 0 : i32
      %dma_start3A_373 = tpu.memref_slice %arg9[%add3A_322, %dma_start3A_372] : memref<1280x64xf32, #tpu.memory_space<vmem>> -> memref<128x64xf32, #tpu.memory_space<vmem>>
      tpu.enqueue_dma source(%dma_start3A_373 : memref<128x64xf32, #tpu.memory_space<vmem>>) target(%dma_start3A_371 : memref<128x64xf32, #tpu.memory_space<hbm>>) target_semaphore(%arg11 : memref<!tpu.dma_semaphore, #tpu.memory_space<semaphore_mem>>)
      %add3A_374 = arith.constant 128 : i32
      %add3A_375 = arith.addi %mul3A_218, %add3A_374 : i32
      %jit3A_376 = arith.constant 10 : i32
      %eq3A_377 = arith.constant 0 : i32
      %eq3A_378 = arith.cmpi eq, %jit3A_376, %eq3A_377 : i32
      %jit3A_379 = arith.constant 1 : i32
      %select_n3A_380 = arith.select %eq3A_378, %jit3A_379, %jit3A_376 : i32
      %rem3A_381 = arith.remsi %add3A_228, %select_n3A_380 : i32
      %ne3A_382 = arith.constant 0 : i32
      %ne3A_383 = arith.cmpi ne, %rem3A_381, %ne3A_382 : i32
      %lt3A_384 = arith.constant 0 : i32
      %lt3A_385 = arith.cmpi slt, %rem3A_381, %lt3A_384 : i32
      %lt3A_386 = arith.constant 0 : i32
      %lt3A_387 = arith.cmpi slt, %select_n3A_380, %lt3A_386 : i32
      %ne3A_388 = arith.xori %lt3A_385, %lt3A_387 : i1
      %and3A_389 = arith.andi %ne3A_388, %ne3A_383 : i1
      %add3A_390 = arith.addi %rem3A_381, %select_n3A_380 : i32
      %select_n3A_391 = arith.select %and3A_389, %add3A_390, %rem3A_381 : i32
      %mul3A_392 = arith.constant 40960 : i32
      %mul3A_393 = arith.muli %select_n3A_391, %mul3A_392 : i32
      %jit3A_394 = arith.constant 10 : i32
      %div3A_395 = arith.divsi %add3A_228, %jit3A_394 : i32
      %sign3A_396 = arith.constant 0 : i32
      %sign3A_397 = arith.cmpi sgt, %add3A_228, %sign3A_396 : i32
      %sign3A_398 = arith.extui %sign3A_397 : i1 to i32
      %sign3A_399 = arith.constant 0 : i32
      %sign3A_400 = arith.cmpi slt, %add3A_228, %sign3A_399 : i32
      %sign3A_401 = arith.extui %sign3A_400 : i1 to i32
      %sign3A_402 = arith.subi %sign3A_398, %sign3A_401 : i32
      %sign3A_403 = arith.constant 0 : i32
      %sign3A_404 = arith.cmpi sgt, %jit3A_394, %sign3A_403 : i32
      %sign3A_405 = arith.extui %sign3A_404 : i1 to i32
      %sign3A_406 = arith.constant 0 : i32
      %sign3A_407 = arith.cmpi slt, %jit3A_394, %sign3A_406 : i32
      %sign3A_408 = arith.extui %sign3A_407 : i1 to i32
      %sign3A_409 = arith.subi %sign3A_405, %sign3A_408 : i32
      %ne3A_410 = arith.cmpi ne, %sign3A_402, %sign3A_409 : i32
      %rem3A_411 = arith.remsi %add3A_228, %jit3A_394 : i32
      %ne3A_412 = arith.constant 0 : i32
      %ne3A_413 = arith.cmpi ne, %rem3A_411, %ne3A_412 : i32
      %and3A_414 = arith.andi %ne3A_410, %ne3A_413 : i1
      %sub3A_415 = arith.constant 1 : i32
      %sub3A_416 = arith.subi %div3A_395, %sub3A_415 : i32
      %select_n3A_417 = arith.select %and3A_414, %sub3A_416, %div3A_395 : i32
      %mul3A_418 = arith.constant 4096 : i32
      %mul3A_419 = arith.muli %select_n3A_417, %mul3A_418 : i32
      %add3A_420 = arith.addi %mul3A_393, %mul3A_419 : i32
      %add3A_421 = arith.addi %add3A_420, %mul3A_2 : i32
      %dma_start3A_422 = arith.constant 0 : i32
      %dma_start3A_423 = tpu.memref_slice %arg9[%add3A_375, %dma_start3A_422] : memref<1280x64xf32, #tpu.memory_space<vmem>> -> memref<128x64xf32, #tpu.memory_space<vmem>>
      %dma_start3A_424 = arith.constant 0 : i32
      %dma_start3A_425 = tpu.memref_slice %arg6[%add3A_421, %dma_start3A_424] : memref<454656x64xf32, #tpu.memory_space<hbm>> -> memref<128x64xf32, #tpu.memory_space<hbm>>
      %dma_start3A_426 = arith.constant 0 : i32
      %dma_start3A_427 = tpu.memref_slice %arg6[%add3A_421, %dma_start3A_426] : memref<454656x64xf32, #tpu.memory_space<hbm>> -> memref<128x64xf32, #tpu.memory_space<hbm>>
      %dma_start3A_428 = arith.constant 0 : i32
      %dma_start3A_429 = tpu.memref_slice %arg9[%add3A_375, %dma_start3A_428] : memref<1280x64xf32, #tpu.memory_space<vmem>> -> memref<128x64xf32, #tpu.memory_space<vmem>>
      tpu.enqueue_dma source(%dma_start3A_429 : memref<128x64xf32, #tpu.memory_space<vmem>>) target(%dma_start3A_427 : memref<128x64xf32, #tpu.memory_space<hbm>>) target_semaphore(%arg11 : memref<!tpu.dma_semaphore, #tpu.memory_space<semaphore_mem>>)
      %add3A_430 = arith.constant 256 : i32
      %add3A_431 = arith.addi %mul3A_218, %add3A_430 : i32
      %jit3A_432 = arith.constant 10 : i32
      %eq3A_433 = arith.constant 0 : i32
      %eq3A_434 = arith.cmpi eq, %jit3A_432, %eq3A_433 : i32
      %jit3A_435 = arith.constant 1 : i32
      %select_n3A_436 = arith.select %eq3A_434, %jit3A_435, %jit3A_432 : i32
      %rem3A_437 = arith.remsi %add3A_232, %select_n3A_436 : i32
      %ne3A_438 = arith.constant 0 : i32
      %ne3A_439 = arith.cmpi ne, %rem3A_437, %ne3A_438 : i32
      %lt3A_440 = arith.constant 0 : i32
      %lt3A_441 = arith.cmpi slt, %rem3A_437, %lt3A_440 : i32
      %lt3A_442 = arith.constant 0 : i32
      %lt3A_443 = arith.cmpi slt, %select_n3A_436, %lt3A_442 : i32
      %ne3A_444 = arith.xori %lt3A_441, %lt3A_443 : i1
      %and3A_445 = arith.andi %ne3A_444, %ne3A_439 : i1
      %add3A_446 = arith.addi %rem3A_437, %select_n3A_436 : i32
      %select_n3A_447 = arith.select %and3A_445, %add3A_446, %rem3A_437 : i32
      %mul3A_448 = arith.constant 40960 : i32
      %mul3A_449 = arith.muli %select_n3A_447, %mul3A_448 : i32
      %jit3A_450 = arith.constant 10 : i32
      %div3A_451 = arith.divsi %add3A_232, %jit3A_450 : i32
      %sign3A_452 = arith.constant 0 : i32
      %sign3A_453 = arith.cmpi sgt, %add3A_232, %sign3A_452 : i32
      %sign3A_454 = arith.extui %sign3A_453 : i1 to i32
      %sign3A_455 = arith.constant 0 : i32
      %sign3A_456 = arith.cmpi slt, %add3A_232, %sign3A_455 : i32
      %sign3A_457 = arith.extui %sign3A_456 : i1 to i32
      %sign3A_458 = arith.subi %sign3A_454, %sign3A_457 : i32
      %sign3A_459 = arith.constant 0 : i32
      %sign3A_460 = arith.cmpi sgt, %jit3A_450, %sign3A_459 : i32
      %sign3A_461 = arith.extui %sign3A_460 : i1 to i32
      %sign3A_462 = arith.constant 0 : i32
      %sign3A_463 = arith.cmpi slt, %jit3A_450, %sign3A_462 : i32
      %sign3A_464 = arith.extui %sign3A_463 : i1 to i32
      %sign3A_465 = arith.subi %sign3A_461, %sign3A_464 : i32
      %ne3A_466 = arith.cmpi ne, %sign3A_458, %sign3A_465 : i32
      %rem3A_467 = arith.remsi %add3A_232, %jit3A_450 : i32
      %ne3A_468 = arith.constant 0 : i32
      %ne3A_469 = arith.cmpi ne, %rem3A_467, %ne3A_468 : i32
      %and3A_470 = arith.andi %ne3A_466, %ne3A_469 : i1
      %sub3A_471 = arith.constant 1 : i32
      %sub3A_472 = arith.subi %div3A_451, %sub3A_471 : i32
      %select_n3A_473 = arith.select %and3A_470, %sub3A_472, %div3A_451 : i32
      %mul3A_474 = arith.constant 4096 : i32
      %mul3A_475 = arith.muli %select_n3A_473, %mul3A_474 : i32
      %add3A_476 = arith.addi %mul3A_449, %mul3A_475 : i32
      %add3A_477 = arith.addi %add3A_476, %mul3A_2 : i32
      %dma_start3A_478 = arith.constant 0 : i32
      %dma_start3A_479 = tpu.memref_slice %arg9[%add3A_431, %dma_start3A_478] : memref<1280x64xf32, #tpu.memory_space<vmem>> -> memref<128x64xf32, #tpu.memory_space<vmem>>
      %dma_start3A_480 = arith.constant 0 : i32
      %dma_start3A_481 = tpu.memref_slice %arg6[%add3A_477, %dma_start3A_480] : memref<454656x64xf32, #tpu.memory_space<hbm>> -> memref<128x64xf32, #tpu.memory_space<hbm>>
      %dma_start3A_482 = arith.constant 0 : i32
      %dma_start3A_483 = tpu.memref_slice %arg6[%add3A_477, %dma_start3A_482] : memref<454656x64xf32, #tpu.memory_space<hbm>> -> memref<128x64xf32, #tpu.memory_space<hbm>>
      %dma_start3A_484 = arith.constant 0 : i32
      %dma_start3A_485 = tpu.memref_slice %arg9[%add3A_431, %dma_start3A_484] : memref<1280x64xf32, #tpu.memory_space<vmem>> -> memref<128x64xf32, #tpu.memory_space<vmem>>
      tpu.enqueue_dma source(%dma_start3A_485 : memref<128x64xf32, #tpu.memory_space<vmem>>) target(%dma_start3A_483 : memref<128x64xf32, #tpu.memory_space<hbm>>) target_semaphore(%arg11 : memref<!tpu.dma_semaphore, #tpu.memory_space<semaphore_mem>>)
      %add3A_486 = arith.constant 384 : i32
      %add3A_487 = arith.addi %mul3A_218, %add3A_486 : i32
      %jit3A_488 = arith.constant 10 : i32
      %eq3A_489 = arith.constant 0 : i32
      %eq3A_490 = arith.cmpi eq, %jit3A_488, %eq3A_489 : i32
      %jit3A_491 = arith.constant 1 : i32
      %select_n3A_492 = arith.select %eq3A_490, %jit3A_491, %jit3A_488 : i32
      %rem3A_493 = arith.remsi %add3A_236, %select_n3A_492 : i32
      %ne3A_494 = arith.constant 0 : i32
      %ne3A_495 = arith.cmpi ne, %rem3A_493, %ne3A_494 : i32
      %lt3A_496 = arith.constant 0 : i32
      %lt3A_497 = arith.cmpi slt, %rem3A_493, %lt3A_496 : i32
      %lt3A_498 = arith.constant 0 : i32
      %lt3A_499 = arith.cmpi slt, %select_n3A_492, %lt3A_498 : i32
      %ne3A_500 = arith.xori %lt3A_497, %lt3A_499 : i1
      %and3A_501 = arith.andi %ne3A_500, %ne3A_495 : i1
      %add3A_502 = arith.addi %rem3A_493, %select_n3A_492 : i32
      %select_n3A_503 = arith.select %and3A_501, %add3A_502, %rem3A_493 : i32
      %mul3A_504 = arith.constant 40960 : i32
      %mul3A_505 = arith.muli %select_n3A_503, %mul3A_504 : i32
      %jit3A_506 = arith.constant 10 : i32
      %div3A_507 = arith.divsi %add3A_236, %jit3A_506 : i32
      %sign3A_508 = arith.constant 0 : i32
      %sign3A_509 = arith.cmpi sgt, %add3A_236, %sign3A_508 : i32
      %sign3A_510 = arith.extui %sign3A_509 : i1 to i32
      %sign3A_511 = arith.constant 0 : i32
      %sign3A_512 = arith.cmpi slt, %add3A_236, %sign3A_511 : i32
      %sign3A_513 = arith.extui %sign3A_512 : i1 to i32
      %sign3A_514 = arith.subi %sign3A_510, %sign3A_513 : i32
      %sign3A_515 = arith.constant 0 : i32
      %sign3A_516 = arith.cmpi sgt, %jit3A_506, %sign3A_515 : i32
      %sign3A_517 = arith.extui %sign3A_516 : i1 to i32
      %sign3A_518 = arith.constant 0 : i32
      %sign3A_519 = arith.cmpi slt, %jit3A_506, %sign3A_518 : i32
      %sign3A_520 = arith.extui %sign3A_519 : i1 to i32
      %sign3A_521 = arith.subi %sign3A_517, %sign3A_520 : i32
      %ne3A_522 = arith.cmpi ne, %sign3A_514, %sign3A_521 : i32
      %rem3A_523 = arith.remsi %add3A_236, %jit3A_506 : i32
      %ne3A_524 = arith.constant 0 : i32
      %ne3A_525 = arith.cmpi ne, %rem3A_523, %ne3A_524 : i32
      %and3A_526 = arith.andi %ne3A_522, %ne3A_525 : i1
      %sub3A_527 = arith.constant 1 : i32
      %sub3A_528 = arith.subi %div3A_507, %sub3A_527 : i32
      %select_n3A_529 = arith.select %and3A_526, %sub3A_528, %div3A_507 : i32
      %mul3A_530 = arith.constant 4096 : i32
      %mul3A_531 = arith.muli %select_n3A_529, %mul3A_530 : i32
      %add3A_532 = arith.addi %mul3A_505, %mul3A_531 : i32
      %add3A_533 = arith.addi %add3A_532, %mul3A_2 : i32
      %dma_start3A_534 = arith.constant 0 : i32
      %dma_start3A_535 = tpu.memref_slice %arg9[%add3A_487, %dma_start3A_534] : memref<1280x64xf32, #tpu.memory_space<vmem>> -> memref<128x64xf32, #tpu.memory_space<vmem>>
      %dma_start3A_536 = arith.constant 0 : i32
      %dma_start3A_537 = tpu.memref_slice %arg6[%add3A_533, %dma_start3A_536] : memref<454656x64xf32, #tpu.memory_space<hbm>> -> memref<128x64xf32, #tpu.memory_space<hbm>>
      %dma_start3A_538 = arith.constant 0 : i32
      %dma_start3A_539 = tpu.memref_slice %arg6[%add3A_533, %dma_start3A_538] : memref<454656x64xf32, #tpu.memory_space<hbm>> -> memref<128x64xf32, #tpu.memory_space<hbm>>
      %dma_start3A_540 = arith.constant 0 : i32
      %dma_start3A_541 = tpu.memref_slice %arg9[%add3A_487, %dma_start3A_540] : memref<1280x64xf32, #tpu.memory_space<vmem>> -> memref<128x64xf32, #tpu.memory_space<vmem>>
      tpu.enqueue_dma source(%dma_start3A_541 : memref<128x64xf32, #tpu.memory_space<vmem>>) target(%dma_start3A_539 : memref<128x64xf32, #tpu.memory_space<hbm>>) target_semaphore(%arg11 : memref<!tpu.dma_semaphore, #tpu.memory_space<semaphore_mem>>)
      %add3A_542 = arith.constant 512 : i32
      %add3A_543 = arith.addi %mul3A_218, %add3A_542 : i32
      %jit3A_544 = arith.constant 10 : i32
      %eq3A_545 = arith.constant 0 : i32
      %eq3A_546 = arith.cmpi eq, %jit3A_544, %eq3A_545 : i32
      %jit3A_547 = arith.constant 1 : i32
      %select_n3A_548 = arith.select %eq3A_546, %jit3A_547, %jit3A_544 : i32
      %rem3A_549 = arith.remsi %add3A_240, %select_n3A_548 : i32
      %ne3A_550 = arith.constant 0 : i32
      %ne3A_551 = arith.cmpi ne, %rem3A_549, %ne3A_550 : i32
      %lt3A_552 = arith.constant 0 : i32
      %lt3A_553 = arith.cmpi slt, %rem3A_549, %lt3A_552 : i32
      %lt3A_554 = arith.constant 0 : i32
      %lt3A_555 = arith.cmpi slt, %select_n3A_548, %lt3A_554 : i32
      %ne3A_556 = arith.xori %lt3A_553, %lt3A_555 : i1
      %and3A_557 = arith.andi %ne3A_556, %ne3A_551 : i1
      %add3A_558 = arith.addi %rem3A_549, %select_n3A_548 : i32
      %select_n3A_559 = arith.select %and3A_557, %add3A_558, %rem3A_549 : i32
      %mul3A_560 = arith.constant 40960 : i32
      %mul3A_561 = arith.muli %select_n3A_559, %mul3A_560 : i32
      %jit3A_562 = arith.constant 10 : i32
      %div3A_563 = arith.divsi %add3A_240, %jit3A_562 : i32
      %sign3A_564 = arith.constant 0 : i32
      %sign3A_565 = arith.cmpi sgt, %add3A_240, %sign3A_564 : i32
      %sign3A_566 = arith.extui %sign3A_565 : i1 to i32
      %sign3A_567 = arith.constant 0 : i32
      %sign3A_568 = arith.cmpi slt, %add3A_240, %sign3A_567 : i32
      %sign3A_569 = arith.extui %sign3A_568 : i1 to i32
      %sign3A_570 = arith.subi %sign3A_566, %sign3A_569 : i32
      %sign3A_571 = arith.constant 0 : i32
      %sign3A_572 = arith.cmpi sgt, %jit3A_562, %sign3A_571 : i32
      %sign3A_573 = arith.extui %sign3A_572 : i1 to i32
      %sign3A_574 = arith.constant 0 : i32
      %sign3A_575 = arith.cmpi slt, %jit3A_562, %sign3A_574 : i32
      %sign3A_576 = arith.extui %sign3A_575 : i1 to i32
      %sign3A_577 = arith.subi %sign3A_573, %sign3A_576 : i32
      %ne3A_578 = arith.cmpi ne, %sign3A_570, %sign3A_577 : i32
      %rem3A_579 = arith.remsi %add3A_240, %jit3A_562 : i32
      %ne3A_580 = arith.constant 0 : i32
      %ne3A_581 = arith.cmpi ne, %rem3A_579, %ne3A_580 : i32
      %and3A_582 = arith.andi %ne3A_578, %ne3A_581 : i1
      %sub3A_583 = arith.constant 1 : i32
      %sub3A_584 = arith.subi %div3A_563, %sub3A_583 : i32
      %select_n3A_585 = arith.select %and3A_582, %sub3A_584, %div3A_563 : i32
      %mul3A_586 = arith.constant 4096 : i32
      %mul3A_587 = arith.muli %select_n3A_585, %mul3A_586 : i32
      %add3A_588 = arith.addi %mul3A_561, %mul3A_587 : i32
      %add3A_589 = arith.addi %add3A_588, %mul3A_2 : i32
      %dma_start3A_590 = arith.constant 0 : i32
      %dma_start3A_591 = tpu.memref_slice %arg9[%add3A_543, %dma_start3A_590] : memref<1280x64xf32, #tpu.memory_space<vmem>> -> memref<128x64xf32, #tpu.memory_space<vmem>>
      %dma_start3A_592 = arith.constant 0 : i32
      %dma_start3A_593 = tpu.memref_slice %arg6[%add3A_589, %dma_start3A_592] : memref<454656x64xf32, #tpu.memory_space<hbm>> -> memref<128x64xf32, #tpu.memory_space<hbm>>
      %dma_start3A_594 = arith.constant 0 : i32
      %dma_start3A_595 = tpu.memref_slice %arg6[%add3A_589, %dma_start3A_594] : memref<454656x64xf32, #tpu.memory_space<hbm>> -> memref<128x64xf32, #tpu.memory_space<hbm>>
      %dma_start3A_596 = arith.constant 0 : i32
      %dma_start3A_597 = tpu.memref_slice %arg9[%add3A_543, %dma_start3A_596] : memref<1280x64xf32, #tpu.memory_space<vmem>> -> memref<128x64xf32, #tpu.memory_space<vmem>>
      tpu.enqueue_dma source(%dma_start3A_597 : memref<128x64xf32, #tpu.memory_space<vmem>>) target(%dma_start3A_595 : memref<128x64xf32, #tpu.memory_space<hbm>>) target_semaphore(%arg11 : memref<!tpu.dma_semaphore, #tpu.memory_space<semaphore_mem>>)
    }
    %scan3A_15 = arith.constant 20 : i32
    %dma_wait3A = arith.constant 0 : i32
    %dma_wait3A_16 = arith.constant 0 : i32
    %dma_wait3A_17 = tpu.memref_slice %arg9[%dma_wait3A, %dma_wait3A_16] : memref<1280x64xf32, #tpu.memory_space<vmem>> -> memref<640x64xf32, #tpu.memory_space<vmem>>
    %dma_wait3A_18 = arith.constant 0 : i32
    %dma_wait3A_19 = arith.constant 0 : i32
    %dma_wait3A_20 = tpu.memref_slice %arg6[%dma_wait3A_18, %dma_wait3A_19] : memref<454656x64xf32, #tpu.memory_space<hbm>> -> memref<640x64xf32, #tpu.memory_space<hbm>>
    %dma_wait3A_21 = arith.constant 0 : i32
    %dma_wait3A_22 = arith.constant 0 : i32
    %dma_wait3A_23 = tpu.memref_slice %arg9[%dma_wait3A_21, %dma_wait3A_22] : memref<1280x64xf32, #tpu.memory_space<vmem>> -> memref<640x64xf32, #tpu.memory_space<vmem>>
    %dma_wait3A_24 = arith.constant 0 : i32
    %dma_wait3A_25 = arith.constant 0 : i32
    %dma_wait3A_26 = tpu.memref_slice %arg6[%dma_wait3A_24, %dma_wait3A_25] : memref<454656x64xf32, #tpu.memory_space<hbm>> -> memref<640x64xf32, #tpu.memory_space<hbm>>
    tpu.wait_dma2 semaphore(%arg11 : memref<!tpu.dma_semaphore, #tpu.memory_space<semaphore_mem>>) src(%dma_wait3A_26 : memref<640x64xf32, #tpu.memory_space<hbm>>) dst(%dma_wait3A_23 : memref<640x64xf32, #tpu.memory_space<vmem>>)
    %dma_wait3A_27 = arith.constant 0 : i32
    %dma_wait3A_28 = arith.constant 0 : i32
    %dma_wait3A_29 = tpu.memref_slice %arg9[%dma_wait3A_27, %dma_wait3A_28] : memref<1280x64xf32, #tpu.memory_space<vmem>> -> memref<640x64xf32, #tpu.memory_space<vmem>>
    %dma_wait3A_30 = arith.constant 0 : i32
    %dma_wait3A_31 = arith.constant 0 : i32
    %dma_wait3A_32 = tpu.memref_slice %arg6[%dma_wait3A_30, %dma_wait3A_31] : memref<454656x64xf32, #tpu.memory_space<hbm>> -> memref<640x64xf32, #tpu.memory_space<hbm>>
    %dma_wait3A_33 = arith.constant 0 : i32
    %dma_wait3A_34 = arith.constant 0 : i32
    %dma_wait3A_35 = tpu.memref_slice %arg9[%dma_wait3A_33, %dma_wait3A_34] : memref<1280x64xf32, #tpu.memory_space<vmem>> -> memref<640x64xf32, #tpu.memory_space<vmem>>
    %dma_wait3A_36 = arith.constant 0 : i32
    %dma_wait3A_37 = arith.constant 0 : i32
    %dma_wait3A_38 = tpu.memref_slice %arg6[%dma_wait3A_36, %dma_wait3A_37] : memref<454656x64xf32, #tpu.memory_space<hbm>> -> memref<640x64xf32, #tpu.memory_space<hbm>>
    tpu.wait_dma2 semaphore(%arg11 : memref<!tpu.dma_semaphore, #tpu.memory_space<semaphore_mem>>) src(%dma_wait3A_38 : memref<640x64xf32, #tpu.memory_space<hbm>>) dst(%dma_wait3A_35 : memref<640x64xf32, #tpu.memory_space<vmem>>)
    %mul3A_39 = arith.constant 1280 : i32
    %mul3A_40 = arith.muli %add3A, %mul3A_39 : i32
    "tpu.region"() ({
      %run_scoped3A = tpu.sem_alloc : memref<!tpu.dma_semaphore, #tpu.memory_space<semaphore_mem>>
      %dma_start3A_207 = arith.constant 0 : i32
      %dma_start3A_208 = tpu.memref_slice %arg7[%dma_start3A_207] : memref<12800xi32, #tpu.memory_space<vmem>> -> memref<1280xi32, #tpu.memory_space<vmem>>
      %dma_start3A_209 = tpu.memref_slice %arg4[%mul3A_40] : memref<40960xi32, #tpu.memory_space<hbm>> -> memref<1280xi32, #tpu.memory_space<hbm>>
      %dma_start3A_210 = arith.constant 0 : i32
      %dma_start3A_211 = tpu.memref_slice %arg7[%dma_start3A_210] : memref<12800xi32, #tpu.memory_space<vmem>> -> memref<1280xi32, #tpu.memory_space<vmem>>
      %dma_start3A_212 = tpu.memref_slice %arg4[%mul3A_40] : memref<40960xi32, #tpu.memory_space<hbm>> -> memref<1280xi32, #tpu.memory_space<hbm>>
      tpu.enqueue_dma source(%dma_start3A_212 : memref<1280xi32, #tpu.memory_space<hbm>>) target(%dma_start3A_211 : memref<1280xi32, #tpu.memory_space<vmem>>) target_semaphore(%run_scoped3A : memref<!tpu.dma_semaphore, #tpu.memory_space<semaphore_mem>>)
      %dma_wait3A_213 = arith.constant 0 : i32
      %dma_wait3A_214 = tpu.memref_slice %arg7[%dma_wait3A_213] : memref<12800xi32, #tpu.memory_space<vmem>> -> memref<1280xi32, #tpu.memory_space<vmem>>
      %dma_wait3A_215 = tpu.memref_slice %arg4[%mul3A_40] : memref<40960xi32, #tpu.memory_space<hbm>> -> memref<1280xi32, #tpu.memory_space<hbm>>
      %dma_wait3A_216 = arith.constant 0 : i32
      %dma_wait3A_217 = tpu.memref_slice %arg7[%dma_wait3A_216] : memref<12800xi32, #tpu.memory_space<vmem>> -> memref<1280xi32, #tpu.memory_space<vmem>>
      %dma_wait3A_218 = tpu.memref_slice %arg4[%mul3A_40] : memref<40960xi32, #tpu.memory_space<hbm>> -> memref<1280xi32, #tpu.memory_space<hbm>>
      tpu.wait_dma2 semaphore(%run_scoped3A : memref<!tpu.dma_semaphore, #tpu.memory_space<semaphore_mem>>) src(%dma_wait3A_218 : memref<1280xi32, #tpu.memory_space<hbm>>) dst(%dma_wait3A_217 : memref<1280xi32, #tpu.memory_space<vmem>>)
      tpu.yield
    }) : () -> ()
    %scan3A_41 = arith.constant 0 : i32
    %scan3A_42 = arith.constant 0 : i32
    %scan3A_43 = arith.constant 10 : i32
    %scan3A_44 = arith.addi %scan3A_42, %scan3A_43 : i32
    %scan3A_45 = arith.constant 1 : i32
    scf.for %scan3A_207 = %scan3A_42 to %scan3A_44 step %scan3A_45  : i32 {
      %mul3A_208 = arith.constant 10 : i32
      %mul3A_209 = vector.broadcast %mul3A_208 : i32 to vector<16xi32>
      %mul3A_210 = arith.muli %iota3A, %mul3A_209 : vector<16xi32>
      %add3A_211 = arith.constant 0 : i32
      %add3A_212 = arith.addi %add3A_211, %scan3A_207 : i32
      %add3A_213 = vector.broadcast %add3A_212 : i32 to vector<16xi32>
      %add3A_214 = arith.addi %mul3A_210, %add3A_213 : vector<16xi32>
      %gather3A_215 = tpu.vector_load_idx %arg7[%add3A_214] : memref<12800xi32, #tpu.memory_space<vmem>>[vector<16xi32>], vector<16xi32>,
      %mul3A_216 = arith.constant 128 : i32
      %mul3A_217 = arith.muli %scan3A_207, %mul3A_216 : i32
      %add3A_218 = arith.constant 0 : i32
      %add3A_219 = arith.addi %mul3A_217, %add3A_218 : i32
      %swap3A_220 = arith.index_cast %add3A_219 : i32 to index
      %swap3A_221 = tpu.vector_load %arg8[%swap3A_220] {strides = array<i32>} : memref<12800xi32, #tpu.memory_space<vmem>>, vector<16xi32>,
      tpu.vector_store %arg8[%swap3A_220], %gather3A_215 {strides = array<i32>} : memref<12800xi32, #tpu.memory_space<vmem>>, vector<16xi32>,
      %mul3A_222 = arith.constant 10 : i32
      %mul3A_223 = vector.broadcast %mul3A_222 : i32 to vector<16xi32>
      %mul3A_224 = arith.muli %iota3A, %mul3A_223 : vector<16xi32>
      %add3A_225 = arith.constant 160 : i32
      %add3A_226 = arith.addi %add3A_225, %scan3A_207 : i32
      %add3A_227 = vector.broadcast %add3A_226 : i32 to vector<16xi32>
      %add3A_228 = arith.addi %mul3A_224, %add3A_227 : vector<16xi32>
      %gather3A_229 = tpu.vector_load_idx %arg7[%add3A_228] : memref<12800xi32, #tpu.memory_space<vmem>>[vector<16xi32>], vector<16xi32>,
      %mul3A_230 = arith.constant 128 : i32
      %mul3A_231 = arith.muli %scan3A_207, %mul3A_230 : i32
      %add3A_232 = arith.constant 16 : i32
      %add3A_233 = arith.addi %mul3A_231, %add3A_232 : i32
      %swap3A_234 = arith.index_cast %add3A_233 : i32 to index
      %swap3A_235 = tpu.vector_load %arg8[%swap3A_234] {strides = array<i32>} : memref<12800xi32, #tpu.memory_space<vmem>>, vector<16xi32>,
      tpu.vector_store %arg8[%swap3A_234], %gather3A_229 {strides = array<i32>} : memref<12800xi32, #tpu.memory_space<vmem>>, vector<16xi32>,
      %mul3A_236 = arith.constant 10 : i32
      %mul3A_237 = vector.broadcast %mul3A_236 : i32 to vector<16xi32>
      %mul3A_238 = arith.muli %iota3A, %mul3A_237 : vector<16xi32>
      %add3A_239 = arith.constant 320 : i32
      %add3A_240 = arith.addi %add3A_239, %scan3A_207 : i32
      %add3A_241 = vector.broadcast %add3A_240 : i32 to vector<16xi32>
      %add3A_242 = arith.addi %mul3A_238, %add3A_241 : vector<16xi32>
      %gather3A_243 = tpu.vector_load_idx %arg7[%add3A_242] : memref<12800xi32, #tpu.memory_space<vmem>>[vector<16xi32>], vector<16xi32>,
      %mul3A_244 = arith.constant 128 : i32
      %mul3A_245 = arith.muli %scan3A_207, %mul3A_244 : i32
      %add3A_246 = arith.constant 32 : i32
      %add3A_247 = arith.addi %mul3A_245, %add3A_246 : i32
      %swap3A_248 = arith.index_cast %add3A_247 : i32 to index
      %swap3A_249 = tpu.vector_load %arg8[%swap3A_248] {strides = array<i32>} : memref<12800xi32, #tpu.memory_space<vmem>>, vector<16xi32>,
      tpu.vector_store %arg8[%swap3A_248], %gather3A_243 {strides = array<i32>} : memref<12800xi32, #tpu.memory_space<vmem>>, vector<16xi32>,
      %mul3A_250 = arith.constant 10 : i32
      %mul3A_251 = vector.broadcast %mul3A_250 : i32 to vector<16xi32>
      %mul3A_252 = arith.muli %iota3A, %mul3A_251 : vector<16xi32>
      %add3A_253 = arith.constant 480 : i32
      %add3A_254 = arith.addi %add3A_253, %scan3A_207 : i32
      %add3A_255 = vector.broadcast %add3A_254 : i32 to vector<16xi32>
      %add3A_256 = arith.addi %mul3A_252, %add3A_255 : vector<16xi32>
      %gather3A_257 = tpu.vector_load_idx %arg7[%add3A_256] : memref<12800xi32, #tpu.memory_space<vmem>>[vector<16xi32>], vector<16xi32>,
      %mul3A_258 = arith.constant 128 : i32
      %mul3A_259 = arith.muli %scan3A_207, %mul3A_258 : i32
      %add3A_260 = arith.constant 48 : i32
      %add3A_261 = arith.addi %mul3A_259, %add3A_260 : i32
      %swap3A_262 = arith.index_cast %add3A_261 : i32 to index
      %swap3A_263 = tpu.vector_load %arg8[%swap3A_262] {strides = array<i32>} : memref<12800xi32, #tpu.memory_space<vmem>>, vector<16xi32>,
      tpu.vector_store %arg8[%swap3A_262], %gather3A_257 {strides = array<i32>} : memref<12800xi32, #tpu.memory_space<vmem>>, vector<16xi32>,
      %mul3A_264 = arith.constant 10 : i32
      %mul3A_265 = vector.broadcast %mul3A_264 : i32 to vector<16xi32>
      %mul3A_266 = arith.muli %iota3A, %mul3A_265 : vector<16xi32>
      %add3A_267 = arith.constant 640 : i32
      %add3A_268 = arith.addi %add3A_267, %scan3A_207 : i32
      %add3A_269 = vector.broadcast %add3A_268 : i32 to vector<16xi32>
      %add3A_270 = arith.addi %mul3A_266, %add3A_269 : vector<16xi32>
      %gather3A_271 = tpu.vector_load_idx %arg7[%add3A_270] : memref<12800xi32, #tpu.memory_space<vmem>>[vector<16xi32>], vector<16xi32>,
      %mul3A_272 = arith.constant 128 : i32
      %mul3A_273 = arith.muli %scan3A_207, %mul3A_272 : i32
      %add3A_274 = arith.constant 64 : i32
      %add3A_275 = arith.addi %mul3A_273, %add3A_274 : i32
      %swap3A_276 = arith.index_cast %add3A_275 : i32 to index
      %swap3A_277 = tpu.vector_load %arg8[%swap3A_276] {strides = array<i32>} : memref<12800xi32, #tpu.memory_space<vmem>>, vector<16xi32>,
      tpu.vector_store %arg8[%swap3A_276], %gather3A_271 {strides = array<i32>} : memref<12800xi32, #tpu.memory_space<vmem>>, vector<16xi32>,
      %mul3A_278 = arith.constant 10 : i32
      %mul3A_279 = vector.broadcast %mul3A_278 : i32 to vector<16xi32>
      %mul3A_280 = arith.muli %iota3A, %mul3A_279 : vector<16xi32>
      %add3A_281 = arith.constant 800 : i32
      %add3A_282 = arith.addi %add3A_281, %scan3A_207 : i32
      %add3A_283 = vector.broadcast %add3A_282 : i32 to vector<16xi32>
      %add3A_284 = arith.addi %mul3A_280, %add3A_283 : vector<16xi32>
      %gather3A_285 = tpu.vector_load_idx %arg7[%add3A_284] : memref<12800xi32, #tpu.memory_space<vmem>>[vector<16xi32>], vector<16xi32>,
      %mul3A_286 = arith.constant 128 : i32
      %mul3A_287 = arith.muli %scan3A_207, %mul3A_286 : i32
      %add3A_288 = arith.constant 80 : i32
      %add3A_289 = arith.addi %mul3A_287, %add3A_288 : i32
      %swap3A_290 = arith.index_cast %add3A_289 : i32 to index
      %swap3A_291 = tpu.vector_load %arg8[%swap3A_290] {strides = array<i32>} : memref<12800xi32, #tpu.memory_space<vmem>>, vector<16xi32>,
      tpu.vector_store %arg8[%swap3A_290], %gather3A_285 {strides = array<i32>} : memref<12800xi32, #tpu.memory_space<vmem>>, vector<16xi32>,
      %mul3A_292 = arith.constant 10 : i32
      %mul3A_293 = vector.broadcast %mul3A_292 : i32 to vector<16xi32>
      %mul3A_294 = arith.muli %iota3A, %mul3A_293 : vector<16xi32>
      %add3A_295 = arith.constant 960 : i32
      %add3A_296 = arith.addi %add3A_295, %scan3A_207 : i32
      %add3A_297 = vector.broadcast %add3A_296 : i32 to vector<16xi32>
      %add3A_298 = arith.addi %mul3A_294, %add3A_297 : vector<16xi32>
      %gather3A_299 = tpu.vector_load_idx %arg7[%add3A_298] : memref<12800xi32, #tpu.memory_space<vmem>>[vector<16xi32>], vector<16xi32>,
      %mul3A_300 = arith.constant 128 : i32
      %mul3A_301 = arith.muli %scan3A_207, %mul3A_300 : i32
      %add3A_302 = arith.constant 96 : i32
      %add3A_303 = arith.addi %mul3A_301, %add3A_302 : i32
      %swap3A_304 = arith.index_cast %add3A_303 : i32 to index
      %swap3A_305 = tpu.vector_load %arg8[%swap3A_304] {strides = array<i32>} : memref<12800xi32, #tpu.memory_space<vmem>>, vector<16xi32>,
      tpu.vector_store %arg8[%swap3A_304], %gather3A_299 {strides = array<i32>} : memref<12800xi32, #tpu.memory_space<vmem>>, vector<16xi32>,
      %mul3A_306 = arith.constant 10 : i32
      %mul3A_307 = vector.broadcast %mul3A_306 : i32 to vector<16xi32>
      %mul3A_308 = arith.muli %iota3A, %mul3A_307 : vector<16xi32>
      %add3A_309 = arith.constant 1120 : i32
      %add3A_310 = arith.addi %add3A_309, %scan3A_207 : i32
      %add3A_311 = vector.broadcast %add3A_310 : i32 to vector<16xi32>
      %add3A_312 = arith.addi %mul3A_308, %add3A_311 : vector<16xi32>
      %gather3A_313 = tpu.vector_load_idx %arg7[%add3A_312] : memref<12800xi32, #tpu.memory_space<vmem>>[vector<16xi32>], vector<16xi32>,
      %mul3A_314 = arith.constant 128 : i32
      %mul3A_315 = arith.muli %scan3A_207, %mul3A_314 : i32
      %add3A_316 = arith.constant 112 : i32
      %add3A_317 = arith.addi %mul3A_315, %add3A_316 : i32
      %swap3A_318 = arith.index_cast %add3A_317 : i32 to index
      %swap3A_319 = tpu.vector_load %arg8[%swap3A_318] {strides = array<i32>} : memref<12800xi32, #tpu.memory_space<vmem>>, vector<16xi32>,
      tpu.vector_store %arg8[%swap3A_318], %gather3A_313 {strides = array<i32>} : memref<12800xi32, #tpu.memory_space<vmem>>, vector<16xi32>,
    }
    %scan3A_46 = arith.constant 10 : i32
    %scan3A_47 = arith.constant 0 : i32
    %scan3A_48 = arith.constant 0 : i32
    %scan3A_49 = arith.constant 2 : i32
    %scan3A_50 = arith.addi %scan3A_48, %scan3A_49 : i32
    %scan3A_51 = arith.constant 1 : i32
    scf.for %scan3A_207 = %scan3A_48 to %scan3A_50 step %scan3A_51  : i32 {
      %jit3A = arith.constant 2 : i32
      %eq3A = arith.constant 0 : i32
      %eq3A_208 = arith.cmpi eq, %jit3A, %eq3A : i32
      %jit3A_209 = arith.constant 1 : i32
      %select_n3A = arith.select %eq3A_208, %jit3A_209, %jit3A : i32
      %rem3A = arith.remsi %scan3A_207, %select_n3A : i32
      %ne3A = arith.constant 0 : i32
      %ne3A_210 = arith.cmpi ne, %rem3A, %ne3A : i32
      %lt3A = arith.constant 0 : i32
      %lt3A_211 = arith.cmpi slt, %rem3A, %lt3A : i32
      %lt3A_212 = arith.constant 0 : i32
      %lt3A_213 = arith.cmpi slt, %select_n3A, %lt3A_212 : i32
      %ne3A_214 = arith.xori %lt3A_211, %lt3A_213 : i1
      %and3A = arith.andi %ne3A_214, %ne3A_210 : i1
      %add3A_215 = arith.addi %rem3A, %select_n3A : i32
      %select_n3A_216 = arith.select %and3A, %add3A_215, %rem3A : i32
      %mul3A_217 = arith.constant 640 : i32
      %mul3A_218 = arith.muli %select_n3A_216, %mul3A_217 : i32
      %ge3A = arith.constant 2 : i32
      %ge3A_219 = arith.cmpi sge, %scan3A_207, %ge3A : i32
      %convert_element_type3A = arith.extui %ge3A_219 : i1 to i32
      %cond3A = arith.constant 0 : i32
      %cond3A_220 = arith.cmpi ne, %convert_element_type3A, %cond3A : i32
      scf.if %cond3A_220 {
        %dma_wait3A_396 = arith.constant 0 : i32
        %dma_wait3A_397 = arith.constant 0 : i32
        %dma_wait3A_398 = tpu.memref_slice %arg9[%dma_wait3A_396, %dma_wait3A_397] : memref<1280x64xf32, #tpu.memory_space<vmem>> -> memref<640x64xf32, #tpu.memory_space<vmem>>
        %dma_wait3A_399 = arith.constant 0 : i32
        %dma_wait3A_400 = arith.constant 0 : i32
        %dma_wait3A_401 = tpu.memref_slice %arg6[%dma_wait3A_399, %dma_wait3A_400] : memref<454656x64xf32, #tpu.memory_space<hbm>> -> memref<640x64xf32, #tpu.memory_space<hbm>>
        %dma_wait3A_402 = arith.constant 0 : i32
        %dma_wait3A_403 = arith.constant 0 : i32
        %dma_wait3A_404 = tpu.memref_slice %arg9[%dma_wait3A_402, %dma_wait3A_403] : memref<1280x64xf32, #tpu.memory_space<vmem>> -> memref<640x64xf32, #tpu.memory_space<vmem>>
        %dma_wait3A_405 = arith.constant 0 : i32
        %dma_wait3A_406 = arith.constant 0 : i32
        %dma_wait3A_407 = tpu.memref_slice %arg6[%dma_wait3A_405, %dma_wait3A_406] : memref<454656x64xf32, #tpu.memory_space<hbm>> -> memref<640x64xf32, #tpu.memory_space<hbm>>
        tpu.wait_dma2 semaphore(%arg11 : memref<!tpu.dma_semaphore, #tpu.memory_space<semaphore_mem>>) src(%dma_wait3A_407 : memref<640x64xf32, #tpu.memory_space<hbm>>) dst(%dma_wait3A_404 : memref<640x64xf32, #tpu.memory_space<vmem>>)
      } else {
      }
      %mul3A_221 = arith.constant 5 : i32
      %mul3A_222 = arith.muli %scan3A_207, %mul3A_221 : i32
      %add3A_223 = arith.constant 0 : i32
      %add3A_224 = arith.addi %mul3A_222, %add3A_223 : i32
      %mul3A_225 = arith.constant 5 : i32
      %mul3A_226 = arith.muli %scan3A_207, %mul3A_225 : i32
      %add3A_227 = arith.constant 1 : i32
      %add3A_228 = arith.addi %mul3A_226, %add3A_227 : i32
      %mul3A_229 = arith.constant 5 : i32
      %mul3A_230 = arith.muli %scan3A_207, %mul3A_229 : i32
      %add3A_231 = arith.constant 2 : i32
      %add3A_232 = arith.addi %mul3A_230, %add3A_231 : i32
      %mul3A_233 = arith.constant 5 : i32
      %mul3A_234 = arith.muli %scan3A_207, %mul3A_233 : i32
      %add3A_235 = arith.constant 3 : i32
      %add3A_236 = arith.addi %mul3A_234, %add3A_235 : i32
      %mul3A_237 = arith.constant 5 : i32
      %mul3A_238 = arith.muli %scan3A_207, %mul3A_237 : i32
      %add3A_239 = arith.constant 4 : i32
      %add3A_240 = arith.addi %mul3A_238, %add3A_239 : i32
      %mul3A_241 = arith.constant 128 : i32
      %mul3A_242 = arith.muli %add3A_224, %mul3A_241 : i32
      %add3A_243 = arith.constant 0 : i32
      %add3A_244 = arith.addi %mul3A_218, %add3A_243 : i32
      %dma_start3A_245 = arith.constant 0 : i32
      %dma_start3A_246 = tpu.memref_slice %arg9[%add3A_244, %dma_start3A_245] : memref<1280x64xf32, #tpu.memory_space<vmem>> -> memref<128x64xf32, #tpu.memory_space<vmem>>
      %dma_start3A_247 = tpu.memref_slice %arg8[%mul3A_242] : memref<12800xi32, #tpu.memory_space<vmem>> -> memref<128xi32, #tpu.memory_space<vmem>>
      %dma_start3A_248 = arith.constant 0 : i32
      %dma_start3A_249 = arith.constant 0 : i32
      %dma_start3A_250 = tpu.memref_slice %arg2[%dma_start3A_248, %dma_start3A_249] : memref<1000000x64xf32, #tpu.memory_space<hbm>> -> memref<1000000x64xf32, #tpu.memory_space<hbm>>
      tpu.enqueue_indirect_dma source(%dma_start3A_250 : memref<1000000x64xf32, #tpu.memory_space<hbm>>) target(%dma_start3A_246 : memref<128x64xf32, #tpu.memory_space<vmem>>) offsets(%dma_start3A_247 : memref<128xi32, #tpu.memory_space<vmem>>) semaphore(%arg10 : memref<!tpu.dma_semaphore, #tpu.memory_space<semaphore_mem>>)
      %mul3A_251 = arith.constant 128 : i32
      %mul3A_252 = arith.muli %add3A_228, %mul3A_251 : i32
      %add3A_253 = arith.constant 128 : i32
      %add3A_254 = arith.addi %mul3A_218, %add3A_253 : i32
      %dma_start3A_255 = arith.constant 0 : i32
      %dma_start3A_256 = tpu.memref_slice %arg9[%add3A_254, %dma_start3A_255] : memref<1280x64xf32, #tpu.memory_space<vmem>> -> memref<128x64xf32, #tpu.memory_space<vmem>>
      %dma_start3A_257 = tpu.memref_slice %arg8[%mul3A_252] : memref<12800xi32, #tpu.memory_space<vmem>> -> memref<128xi32, #tpu.memory_space<vmem>>
      %dma_start3A_258 = arith.constant 0 : i32
      %dma_start3A_259 = arith.constant 0 : i32
      %dma_start3A_260 = tpu.memref_slice %arg2[%dma_start3A_258, %dma_start3A_259] : memref<1000000x64xf32, #tpu.memory_space<hbm>> -> memref<1000000x64xf32, #tpu.memory_space<hbm>>
      tpu.enqueue_indirect_dma source(%dma_start3A_260 : memref<1000000x64xf32, #tpu.memory_space<hbm>>) target(%dma_start3A_256 : memref<128x64xf32, #tpu.memory_space<vmem>>) offsets(%dma_start3A_257 : memref<128xi32, #tpu.memory_space<vmem>>) semaphore(%arg10 : memref<!tpu.dma_semaphore, #tpu.memory_space<semaphore_mem>>)
      %mul3A_261 = arith.constant 128 : i32
      %mul3A_262 = arith.muli %add3A_232, %mul3A_261 : i32
      %add3A_263 = arith.constant 256 : i32
      %add3A_264 = arith.addi %mul3A_218, %add3A_263 : i32
      %dma_start3A_265 = arith.constant 0 : i32
      %dma_start3A_266 = tpu.memref_slice %arg9[%add3A_264, %dma_start3A_265] : memref<1280x64xf32, #tpu.memory_space<vmem>> -> memref<128x64xf32, #tpu.memory_space<vmem>>
      %dma_start3A_267 = tpu.memref_slice %arg8[%mul3A_262] : memref<12800xi32, #tpu.memory_space<vmem>> -> memref<128xi32, #tpu.memory_space<vmem>>
      %dma_start3A_268 = arith.constant 0 : i32
      %dma_start3A_269 = arith.constant 0 : i32
      %dma_start3A_270 = tpu.memref_slice %arg2[%dma_start3A_268, %dma_start3A_269] : memref<1000000x64xf32, #tpu.memory_space<hbm>> -> memref<1000000x64xf32, #tpu.memory_space<hbm>>
      tpu.enqueue_indirect_dma source(%dma_start3A_270 : memref<1000000x64xf32, #tpu.memory_space<hbm>>) target(%dma_start3A_266 : memref<128x64xf32, #tpu.memory_space<vmem>>) offsets(%dma_start3A_267 : memref<128xi32, #tpu.memory_space<vmem>>) semaphore(%arg10 : memref<!tpu.dma_semaphore, #tpu.memory_space<semaphore_mem>>)
      %mul3A_271 = arith.constant 128 : i32
      %mul3A_272 = arith.muli %add3A_236, %mul3A_271 : i32
      %add3A_273 = arith.constant 384 : i32
      %add3A_274 = arith.addi %mul3A_218, %add3A_273 : i32
      %dma_start3A_275 = arith.constant 0 : i32
      %dma_start3A_276 = tpu.memref_slice %arg9[%add3A_274, %dma_start3A_275] : memref<1280x64xf32, #tpu.memory_space<vmem>> -> memref<128x64xf32, #tpu.memory_space<vmem>>
      %dma_start3A_277 = tpu.memref_slice %arg8[%mul3A_272] : memref<12800xi32, #tpu.memory_space<vmem>> -> memref<128xi32, #tpu.memory_space<vmem>>
      %dma_start3A_278 = arith.constant 0 : i32
      %dma_start3A_279 = arith.constant 0 : i32
      %dma_start3A_280 = tpu.memref_slice %arg2[%dma_start3A_278, %dma_start3A_279] : memref<1000000x64xf32, #tpu.memory_space<hbm>> -> memref<1000000x64xf32, #tpu.memory_space<hbm>>
      tpu.enqueue_indirect_dma source(%dma_start3A_280 : memref<1000000x64xf32, #tpu.memory_space<hbm>>) target(%dma_start3A_276 : memref<128x64xf32, #tpu.memory_space<vmem>>) offsets(%dma_start3A_277 : memref<128xi32, #tpu.memory_space<vmem>>) semaphore(%arg10 : memref<!tpu.dma_semaphore, #tpu.memory_space<semaphore_mem>>)
      %mul3A_281 = arith.constant 128 : i32
      %mul3A_282 = arith.muli %add3A_240, %mul3A_281 : i32
      %add3A_283 = arith.constant 512 : i32
      %add3A_284 = arith.addi %mul3A_218, %add3A_283 : i32
      %dma_start3A_285 = arith.constant 0 : i32
      %dma_start3A_286 = tpu.memref_slice %arg9[%add3A_284, %dma_start3A_285] : memref<1280x64xf32, #tpu.memory_space<vmem>> -> memref<128x64xf32, #tpu.memory_space<vmem>>
      %dma_start3A_287 = tpu.memref_slice %arg8[%mul3A_282] : memref<12800xi32, #tpu.memory_space<vmem>> -> memref<128xi32, #tpu.memory_space<vmem>>
      %dma_start3A_288 = arith.constant 0 : i32
      %dma_start3A_289 = arith.constant 0 : i32
      %dma_start3A_290 = tpu.memref_slice %arg2[%dma_start3A_288, %dma_start3A_289] : memref<1000000x64xf32, #tpu.memory_space<hbm>> -> memref<1000000x64xf32, #tpu.memory_space<hbm>>
      tpu.enqueue_indirect_dma source(%dma_start3A_290 : memref<1000000x64xf32, #tpu.memory_space<hbm>>) target(%dma_start3A_286 : memref<128x64xf32, #tpu.memory_space<vmem>>) offsets(%dma_start3A_287 : memref<128xi32, #tpu.memory_space<vmem>>) semaphore(%arg10 : memref<!tpu.dma_semaphore, #tpu.memory_space<semaphore_mem>>)
      %dma_wait3A_291 = arith.constant 0 : i32
      %dma_wait3A_292 = tpu.memref_slice %arg9[%add3A_244, %dma_wait3A_291] : memref<1280x64xf32, #tpu.memory_space<vmem>> -> memref<128x64xf32, #tpu.memory_space<vmem>>
      %dma_wait3A_293 = tpu.memref_slice %arg8[%mul3A_242] : memref<12800xi32, #tpu.memory_space<vmem>> -> memref<128xi32, #tpu.memory_space<vmem>>
      %dma_wait3A_294 = arith.constant 0 : i32
      %dma_wait3A_295 = arith.constant 0 : i32
      %dma_wait3A_296 = tpu.memref_slice %arg2[%dma_wait3A_294, %dma_wait3A_295] : memref<1000000x64xf32, #tpu.memory_space<hbm>> -> memref<1000000x64xf32, #tpu.memory_space<hbm>>
      tpu.wait_indirect_dma semaphore(%arg10 : memref<!tpu.dma_semaphore, #tpu.memory_space<semaphore_mem>>) src(%dma_wait3A_296 : memref<1000000x64xf32, #tpu.memory_space<hbm>>) dst(%dma_wait3A_292 : memref<128x64xf32, #tpu.memory_space<vmem>>)
      %dma_wait3A_297 = arith.constant 0 : i32
      %dma_wait3A_298 = tpu.memref_slice %arg9[%add3A_254, %dma_wait3A_297] : memref<1280x64xf32, #tpu.memory_space<vmem>> -> memref<128x64xf32, #tpu.memory_space<vmem>>
      %dma_wait3A_299 = tpu.memref_slice %arg8[%mul3A_252] : memref<12800xi32, #tpu.memory_space<vmem>> -> memref<128xi32, #tpu.memory_space<vmem>>
      %dma_wait3A_300 = arith.constant 0 : i32
      %dma_wait3A_301 = arith.constant 0 : i32
      %dma_wait3A_302 = tpu.memref_slice %arg2[%dma_wait3A_300, %dma_wait3A_301] : memref<1000000x64xf32, #tpu.memory_space<hbm>> -> memref<1000000x64xf32, #tpu.memory_space<hbm>>
      tpu.wait_indirect_dma semaphore(%arg10 : memref<!tpu.dma_semaphore, #tpu.memory_space<semaphore_mem>>) src(%dma_wait3A_302 : memref<1000000x64xf32, #tpu.memory_space<hbm>>) dst(%dma_wait3A_298 : memref<128x64xf32, #tpu.memory_space<vmem>>)
      %dma_wait3A_303 = arith.constant 0 : i32
      %dma_wait3A_304 = tpu.memref_slice %arg9[%add3A_264, %dma_wait3A_303] : memref<1280x64xf32, #tpu.memory_space<vmem>> -> memref<128x64xf32, #tpu.memory_space<vmem>>
      %dma_wait3A_305 = tpu.memref_slice %arg8[%mul3A_262] : memref<12800xi32, #tpu.memory_space<vmem>> -> memref<128xi32, #tpu.memory_space<vmem>>
      %dma_wait3A_306 = arith.constant 0 : i32
      %dma_wait3A_307 = arith.constant 0 : i32
      %dma_wait3A_308 = tpu.memref_slice %arg2[%dma_wait3A_306, %dma_wait3A_307] : memref<1000000x64xf32, #tpu.memory_space<hbm>> -> memref<1000000x64xf32, #tpu.memory_space<hbm>>
      tpu.wait_indirect_dma semaphore(%arg10 : memref<!tpu.dma_semaphore, #tpu.memory_space<semaphore_mem>>) src(%dma_wait3A_308 : memref<1000000x64xf32, #tpu.memory_space<hbm>>) dst(%dma_wait3A_304 : memref<128x64xf32, #tpu.memory_space<vmem>>)
      %dma_wait3A_309 = arith.constant 0 : i32
      %dma_wait3A_310 = tpu.memref_slice %arg9[%add3A_274, %dma_wait3A_309] : memref<1280x64xf32, #tpu.memory_space<vmem>> -> memref<128x64xf32, #tpu.memory_space<vmem>>
      %dma_wait3A_311 = tpu.memref_slice %arg8[%mul3A_272] : memref<12800xi32, #tpu.memory_space<vmem>> -> memref<128xi32, #tpu.memory_space<vmem>>
      %dma_wait3A_312 = arith.constant 0 : i32
      %dma_wait3A_313 = arith.constant 0 : i32
      %dma_wait3A_314 = tpu.memref_slice %arg2[%dma_wait3A_312, %dma_wait3A_313] : memref<1000000x64xf32, #tpu.memory_space<hbm>> -> memref<1000000x64xf32, #tpu.memory_space<hbm>>
      tpu.wait_indirect_dma semaphore(%arg10 : memref<!tpu.dma_semaphore, #tpu.memory_space<semaphore_mem>>) src(%dma_wait3A_314 : memref<1000000x64xf32, #tpu.memory_space<hbm>>) dst(%dma_wait3A_310 : memref<128x64xf32, #tpu.memory_space<vmem>>)
      %dma_wait3A_315 = arith.constant 0 : i32
      %dma_wait3A_316 = tpu.memref_slice %arg9[%add3A_284, %dma_wait3A_315] : memref<1280x64xf32, #tpu.memory_space<vmem>> -> memref<128x64xf32, #tpu.memory_space<vmem>>
      %dma_wait3A_317 = tpu.memref_slice %arg8[%mul3A_282] : memref<12800xi32, #tpu.memory_space<vmem>> -> memref<128xi32, #tpu.memory_space<vmem>>
      %dma_wait3A_318 = arith.constant 0 : i32
      %dma_wait3A_319 = arith.constant 0 : i32
      %dma_wait3A_320 = tpu.memref_slice %arg2[%dma_wait3A_318, %dma_wait3A_319] : memref<1000000x64xf32, #tpu.memory_space<hbm>> -> memref<1000000x64xf32, #tpu.memory_space<hbm>>
      tpu.wait_indirect_dma semaphore(%arg10 : memref<!tpu.dma_semaphore, #tpu.memory_space<semaphore_mem>>) src(%dma_wait3A_320 : memref<1000000x64xf32, #tpu.memory_space<hbm>>) dst(%dma_wait3A_316 : memref<128x64xf32, #tpu.memory_space<vmem>>)
      %add3A_321 = arith.constant 0 : i32
      %add3A_322 = arith.addi %mul3A_218, %add3A_321 : i32
      %mul3A_323 = arith.constant 4096 : i32
      %mul3A_324 = arith.muli %add3A_224, %mul3A_323 : i32
      %add3A_325 = arith.constant 409600 : i32
      %add3A_326 = arith.addi %add3A_325, %mul3A_324 : i32
      %add3A_327 = arith.addi %add3A_326, %mul3A_2 : i32
      %dma_start3A_328 = arith.constant 0 : i32
      %dma_start3A_329 = tpu.memref_slice %arg9[%add3A_322, %dma_start3A_328] : memref<1280x64xf32, #tpu.memory_space<vmem>> -> memref<128x64xf32, #tpu.memory_space<vmem>>
      %dma_start3A_330 = arith.constant 0 : i32
      %dma_start3A_331 = tpu.memref_slice %arg6[%add3A_327, %dma_start3A_330] : memref<454656x64xf32, #tpu.memory_space<hbm>> -> memref<128x64xf32, #tpu.memory_space<hbm>>
      %dma_start3A_332 = arith.constant 0 : i32
      %dma_start3A_333 = tpu.memref_slice %arg6[%add3A_327, %dma_start3A_332] : memref<454656x64xf32, #tpu.memory_space<hbm>> -> memref<128x64xf32, #tpu.memory_space<hbm>>
      %dma_start3A_334 = arith.constant 0 : i32
      %dma_start3A_335 = tpu.memref_slice %arg9[%add3A_322, %dma_start3A_334] : memref<1280x64xf32, #tpu.memory_space<vmem>> -> memref<128x64xf32, #tpu.memory_space<vmem>>
      tpu.enqueue_dma source(%dma_start3A_335 : memref<128x64xf32, #tpu.memory_space<vmem>>) target(%dma_start3A_333 : memref<128x64xf32, #tpu.memory_space<hbm>>) target_semaphore(%arg11 : memref<!tpu.dma_semaphore, #tpu.memory_space<semaphore_mem>>)
      %add3A_336 = arith.constant 128 : i32
      %add3A_337 = arith.addi %mul3A_218, %add3A_336 : i32
      %mul3A_338 = arith.constant 4096 : i32
      %mul3A_339 = arith.muli %add3A_228, %mul3A_338 : i32
      %add3A_340 = arith.constant 409600 : i32
      %add3A_341 = arith.addi %add3A_340, %mul3A_339 : i32
      %add3A_342 = arith.addi %add3A_341, %mul3A_2 : i32
      %dma_start3A_343 = arith.constant 0 : i32
      %dma_start3A_344 = tpu.memref_slice %arg9[%add3A_337, %dma_start3A_343] : memref<1280x64xf32, #tpu.memory_space<vmem>> -> memref<128x64xf32, #tpu.memory_space<vmem>>
      %dma_start3A_345 = arith.constant 0 : i32
      %dma_start3A_346 = tpu.memref_slice %arg6[%add3A_342, %dma_start3A_345] : memref<454656x64xf32, #tpu.memory_space<hbm>> -> memref<128x64xf32, #tpu.memory_space<hbm>>
      %dma_start3A_347 = arith.constant 0 : i32
      %dma_start3A_348 = tpu.memref_slice %arg6[%add3A_342, %dma_start3A_347] : memref<454656x64xf32, #tpu.memory_space<hbm>> -> memref<128x64xf32, #tpu.memory_space<hbm>>
      %dma_start3A_349 = arith.constant 0 : i32
      %dma_start3A_350 = tpu.memref_slice %arg9[%add3A_337, %dma_start3A_349] : memref<1280x64xf32, #tpu.memory_space<vmem>> -> memref<128x64xf32, #tpu.memory_space<vmem>>
      tpu.enqueue_dma source(%dma_start3A_350 : memref<128x64xf32, #tpu.memory_space<vmem>>) target(%dma_start3A_348 : memref<128x64xf32, #tpu.memory_space<hbm>>) target_semaphore(%arg11 : memref<!tpu.dma_semaphore, #tpu.memory_space<semaphore_mem>>)
      %add3A_351 = arith.constant 256 : i32
      %add3A_352 = arith.addi %mul3A_218, %add3A_351 : i32
      %mul3A_353 = arith.constant 4096 : i32
      %mul3A_354 = arith.muli %add3A_232, %mul3A_353 : i32
      %add3A_355 = arith.constant 409600 : i32
      %add3A_356 = arith.addi %add3A_355, %mul3A_354 : i32
      %add3A_357 = arith.addi %add3A_356, %mul3A_2 : i32
      %dma_start3A_358 = arith.constant 0 : i32
      %dma_start3A_359 = tpu.memref_slice %arg9[%add3A_352, %dma_start3A_358] : memref<1280x64xf32, #tpu.memory_space<vmem>> -> memref<128x64xf32, #tpu.memory_space<vmem>>
      %dma_start3A_360 = arith.constant 0 : i32
      %dma_start3A_361 = tpu.memref_slice %arg6[%add3A_357, %dma_start3A_360] : memref<454656x64xf32, #tpu.memory_space<hbm>> -> memref<128x64xf32, #tpu.memory_space<hbm>>
      %dma_start3A_362 = arith.constant 0 : i32
      %dma_start3A_363 = tpu.memref_slice %arg6[%add3A_357, %dma_start3A_362] : memref<454656x64xf32, #tpu.memory_space<hbm>> -> memref<128x64xf32, #tpu.memory_space<hbm>>
      %dma_start3A_364 = arith.constant 0 : i32
      %dma_start3A_365 = tpu.memref_slice %arg9[%add3A_352, %dma_start3A_364] : memref<1280x64xf32, #tpu.memory_space<vmem>> -> memref<128x64xf32, #tpu.memory_space<vmem>>
      tpu.enqueue_dma source(%dma_start3A_365 : memref<128x64xf32, #tpu.memory_space<vmem>>) target(%dma_start3A_363 : memref<128x64xf32, #tpu.memory_space<hbm>>) target_semaphore(%arg11 : memref<!tpu.dma_semaphore, #tpu.memory_space<semaphore_mem>>)
      %add3A_366 = arith.constant 384 : i32
      %add3A_367 = arith.addi %mul3A_218, %add3A_366 : i32
      %mul3A_368 = arith.constant 4096 : i32
      %mul3A_369 = arith.muli %add3A_236, %mul3A_368 : i32
      %add3A_370 = arith.constant 409600 : i32
      %add3A_371 = arith.addi %add3A_370, %mul3A_369 : i32
      %add3A_372 = arith.addi %add3A_371, %mul3A_2 : i32
      %dma_start3A_373 = arith.constant 0 : i32
      %dma_start3A_374 = tpu.memref_slice %arg9[%add3A_367, %dma_start3A_373] : memref<1280x64xf32, #tpu.memory_space<vmem>> -> memref<128x64xf32, #tpu.memory_space<vmem>>
      %dma_start3A_375 = arith.constant 0 : i32
      %dma_start3A_376 = tpu.memref_slice %arg6[%add3A_372, %dma_start3A_375] : memref<454656x64xf32, #tpu.memory_space<hbm>> -> memref<128x64xf32, #tpu.memory_space<hbm>>
      %dma_start3A_377 = arith.constant 0 : i32
      %dma_start3A_378 = tpu.memref_slice %arg6[%add3A_372, %dma_start3A_377] : memref<454656x64xf32, #tpu.memory_space<hbm>> -> memref<128x64xf32, #tpu.memory_space<hbm>>
      %dma_start3A_379 = arith.constant 0 : i32
      %dma_start3A_380 = tpu.memref_slice %arg9[%add3A_367, %dma_start3A_379] : memref<1280x64xf32, #tpu.memory_space<vmem>> -> memref<128x64xf32, #tpu.memory_space<vmem>>
      tpu.enqueue_dma source(%dma_start3A_380 : memref<128x64xf32, #tpu.memory_space<vmem>>) target(%dma_start3A_378 : memref<128x64xf32, #tpu.memory_space<hbm>>) target_semaphore(%arg11 : memref<!tpu.dma_semaphore, #tpu.memory_space<semaphore_mem>>)
      %add3A_381 = arith.constant 512 : i32
      %add3A_382 = arith.addi %mul3A_218, %add3A_381 : i32
      %mul3A_383 = arith.constant 4096 : i32
      %mul3A_384 = arith.muli %add3A_240, %mul3A_383 : i32
      %add3A_385 = arith.constant 409600 : i32
      %add3A_386 = arith.addi %add3A_385, %mul3A_384 : i32
      %add3A_387 = arith.addi %add3A_386, %mul3A_2 : i32
      %dma_start3A_388 = arith.constant 0 : i32
      %dma_start3A_389 = tpu.memref_slice %arg9[%add3A_382, %dma_start3A_388] : memref<1280x64xf32, #tpu.memory_space<vmem>> -> memref<128x64xf32, #tpu.memory_space<vmem>>
      %dma_start3A_390 = arith.constant 0 : i32
      %dma_start3A_391 = tpu.memref_slice %arg6[%add3A_387, %dma_start3A_390] : memref<454656x64xf32, #tpu.memory_space<hbm>> -> memref<128x64xf32, #tpu.memory_space<hbm>>
      %dma_start3A_392 = arith.constant 0 : i32
      %dma_start3A_393 = tpu.memref_slice %arg6[%add3A_387, %dma_start3A_392] : memref<454656x64xf32, #tpu.memory_space<hbm>> -> memref<128x64xf32, #tpu.memory_space<hbm>>
      %dma_start3A_394 = arith.constant 0 : i32
      %dma_start3A_395 = tpu.memref_slice %arg9[%add3A_382, %dma_start3A_394] : memref<1280x64xf32, #tpu.memory_space<vmem>> -> memref<128x64xf32, #tpu.memory_space<vmem>>
      tpu.enqueue_dma source(%dma_start3A_395 : memref<128x64xf32, #tpu.memory_space<vmem>>) target(%dma_start3A_393 : memref<128x64xf32, #tpu.memory_space<hbm>>) target_semaphore(%arg11 : memref<!tpu.dma_semaphore, #tpu.memory_space<semaphore_mem>>)
    }
    %scan3A_52 = arith.constant 2 : i32
    %dma_wait3A_53 = arith.constant 0 : i32
    %dma_wait3A_54 = arith.constant 0 : i32
    %dma_wait3A_55 = tpu.memref_slice %arg9[%dma_wait3A_53, %dma_wait3A_54] : memref<1280x64xf32, #tpu.memory_space<vmem>> -> memref<640x64xf32, #tpu.memory_space<vmem>>
    %dma_wait3A_56 = arith.constant 0 : i32
    %dma_wait3A_57 = arith.constant 0 : i32
    %dma_wait3A_58 = tpu.memref_slice %arg6[%dma_wait3A_56, %dma_wait3A_57] : memref<454656x64xf32, #tpu.memory_space<hbm>> -> memref<640x64xf32, #tpu.memory_space<hbm>>
    %dma_wait3A_59 = arith.constant 0 : i32
    %dma_wait3A_60 = arith.constant 0 : i32
    %dma_wait3A_61 = tpu.memref_slice %arg9[%dma_wait3A_59, %dma_wait3A_60] : memref<1280x64xf32, #tpu.memory_space<vmem>> -> memref<640x64xf32, #tpu.memory_space<vmem>>
    %dma_wait3A_62 = arith.constant 0 : i32
    %dma_wait3A_63 = arith.constant 0 : i32
    %dma_wait3A_64 = tpu.memref_slice %arg6[%dma_wait3A_62, %dma_wait3A_63] : memref<454656x64xf32, #tpu.memory_space<hbm>> -> memref<640x64xf32, #tpu.memory_space<hbm>>
    tpu.wait_dma2 semaphore(%arg11 : memref<!tpu.dma_semaphore, #tpu.memory_space<semaphore_mem>>) src(%dma_wait3A_64 : memref<640x64xf32, #tpu.memory_space<hbm>>) dst(%dma_wait3A_61 : memref<640x64xf32, #tpu.memory_space<vmem>>)
    %dma_wait3A_65 = arith.constant 0 : i32
    %dma_wait3A_66 = arith.constant 0 : i32
    %dma_wait3A_67 = tpu.memref_slice %arg9[%dma_wait3A_65, %dma_wait3A_66] : memref<1280x64xf32, #tpu.memory_space<vmem>> -> memref<640x64xf32, #tpu.memory_space<vmem>>
    %dma_wait3A_68 = arith.constant 0 : i32
    %dma_wait3A_69 = arith.constant 0 : i32
    %dma_wait3A_70 = tpu.memref_slice %arg6[%dma_wait3A_68, %dma_wait3A_69] : memref<454656x64xf32, #tpu.memory_space<hbm>> -> memref<640x64xf32, #tpu.memory_space<hbm>>
    %dma_wait3A_71 = arith.constant 0 : i32
    %dma_wait3A_72 = arith.constant 0 : i32
    %dma_wait3A_73 = tpu.memref_slice %arg9[%dma_wait3A_71, %dma_wait3A_72] : memref<1280x64xf32, #tpu.memory_space<vmem>> -> memref<640x64xf32, #tpu.memory_space<vmem>>
    %dma_wait3A_74 = arith.constant 0 : i32
    %dma_wait3A_75 = arith.constant 0 : i32
    %dma_wait3A_76 = tpu.memref_slice %arg6[%dma_wait3A_74, %dma_wait3A_75] : memref<454656x64xf32, #tpu.memory_space<hbm>> -> memref<640x64xf32, #tpu.memory_space<hbm>>
    tpu.wait_dma2 semaphore(%arg11 : memref<!tpu.dma_semaphore, #tpu.memory_space<semaphore_mem>>) src(%dma_wait3A_76 : memref<640x64xf32, #tpu.memory_space<hbm>>) dst(%dma_wait3A_73 : memref<640x64xf32, #tpu.memory_space<vmem>>)
    "tpu.region"() ({
      %run_scoped3A = tpu.sem_alloc : memref<!tpu.dma_semaphore, #tpu.memory_space<semaphore_mem>>
      %dma_start3A_207 = arith.constant 0 : i32
      %dma_start3A_208 = tpu.memref_slice %arg7[%dma_start3A_207] : memref<12800xi32, #tpu.memory_space<vmem>> -> memref<128xi32, #tpu.memory_space<vmem>>
      %dma_start3A_209 = tpu.memref_slice %arg3[%mul3A_2] : memref<4096xi32, #tpu.memory_space<hbm>> -> memref<128xi32, #tpu.memory_space<hbm>>
      %dma_start3A_210 = arith.constant 0 : i32
      %dma_start3A_211 = tpu.memref_slice %arg7[%dma_start3A_210] : memref<12800xi32, #tpu.memory_space<vmem>> -> memref<128xi32, #tpu.memory_space<vmem>>
      %dma_start3A_212 = tpu.memref_slice %arg3[%mul3A_2] : memref<4096xi32, #tpu.memory_space<hbm>> -> memref<128xi32, #tpu.memory_space<hbm>>
      tpu.enqueue_dma source(%dma_start3A_212 : memref<128xi32, #tpu.memory_space<hbm>>) target(%dma_start3A_211 : memref<128xi32, #tpu.memory_space<vmem>>) target_semaphore(%run_scoped3A : memref<!tpu.dma_semaphore, #tpu.memory_space<semaphore_mem>>)
      %dma_wait3A_213 = arith.constant 0 : i32
      %dma_wait3A_214 = tpu.memref_slice %arg7[%dma_wait3A_213] : memref<12800xi32, #tpu.memory_space<vmem>> -> memref<128xi32, #tpu.memory_space<vmem>>
      %dma_wait3A_215 = tpu.memref_slice %arg3[%mul3A_2] : memref<4096xi32, #tpu.memory_space<hbm>> -> memref<128xi32, #tpu.memory_space<hbm>>
      %dma_wait3A_216 = arith.constant 0 : i32
      %dma_wait3A_217 = tpu.memref_slice %arg7[%dma_wait3A_216] : memref<12800xi32, #tpu.memory_space<vmem>> -> memref<128xi32, #tpu.memory_space<vmem>>
      %dma_wait3A_218 = tpu.memref_slice %arg3[%mul3A_2] : memref<4096xi32, #tpu.memory_space<hbm>> -> memref<128xi32, #tpu.memory_space<hbm>>
      tpu.wait_dma2 semaphore(%run_scoped3A : memref<!tpu.dma_semaphore, #tpu.memory_space<semaphore_mem>>) src(%dma_wait3A_218 : memref<128xi32, #tpu.memory_space<hbm>>) dst(%dma_wait3A_217 : memref<128xi32, #tpu.memory_space<vmem>>)
      tpu.yield
    }) : () -> ()
    %scan3A_77 = arith.constant 0 : i32
    %scan3A_78 = arith.constant 0 : i32
    %mul3A_79 = arith.constant 1 : i32
    %mul3A_80 = vector.broadcast %mul3A_79 : i32 to vector<16xi32>
    %mul3A_81 = arith.muli %iota3A, %mul3A_80 : vector<16xi32>
    %add3A_82 = arith.constant 0 : i32
    %add3A_83 = arith.addi %add3A_82, %scan3A_78 : i32
    %add3A_84 = vector.broadcast %add3A_83 : i32 to vector<16xi32>
    %add3A_85 = arith.addi %mul3A_81, %add3A_84 : vector<16xi32>
    %gather3A = tpu.vector_load_idx %arg7[%add3A_85] : memref<12800xi32, #tpu.memory_space<vmem>>[vector<16xi32>], vector<16xi32>,
    %mul3A_86 = arith.constant 128 : i32
    %mul3A_87 = arith.muli %scan3A_78, %mul3A_86 : i32
    %add3A_88 = arith.constant 0 : i32
    %add3A_89 = arith.addi %mul3A_87, %add3A_88 : i32
    %swap3A = arith.index_cast %add3A_89 : i32 to index
    %swap3A_90 = tpu.vector_load %arg8[%swap3A] {strides = array<i32>} : memref<12800xi32, #tpu.memory_space<vmem>>, vector<16xi32>,
    tpu.vector_store %arg8[%swap3A], %gather3A {strides = array<i32>} : memref<12800xi32, #tpu.memory_space<vmem>>, vector<16xi32>,
    %mul3A_91 = arith.constant 1 : i32
    %mul3A_92 = vector.broadcast %mul3A_91 : i32 to vector<16xi32>
    %mul3A_93 = arith.muli %iota3A, %mul3A_92 : vector<16xi32>
    %add3A_94 = arith.constant 16 : i32
    %add3A_95 = arith.addi %add3A_94, %scan3A_78 : i32
    %add3A_96 = vector.broadcast %add3A_95 : i32 to vector<16xi32>
    %add3A_97 = arith.addi %mul3A_93, %add3A_96 : vector<16xi32>
    %gather3A_98 = tpu.vector_load_idx %arg7[%add3A_97] : memref<12800xi32, #tpu.memory_space<vmem>>[vector<16xi32>], vector<16xi32>,
    %mul3A_99 = arith.constant 128 : i32
    %mul3A_100 = arith.muli %scan3A_78, %mul3A_99 : i32
    %add3A_101 = arith.constant 16 : i32
    %add3A_102 = arith.addi %mul3A_100, %add3A_101 : i32
    %swap3A_103 = arith.index_cast %add3A_102 : i32 to index
    %swap3A_104 = tpu.vector_load %arg8[%swap3A_103] {strides = array<i32>} : memref<12800xi32, #tpu.memory_space<vmem>>, vector<16xi32>,
    tpu.vector_store %arg8[%swap3A_103], %gather3A_98 {strides = array<i32>} : memref<12800xi32, #tpu.memory_space<vmem>>, vector<16xi32>,
    %mul3A_105 = arith.constant 1 : i32
    %mul3A_106 = vector.broadcast %mul3A_105 : i32 to vector<16xi32>
    %mul3A_107 = arith.muli %iota3A, %mul3A_106 : vector<16xi32>
    %add3A_108 = arith.constant 32 : i32
    %add3A_109 = arith.addi %add3A_108, %scan3A_78 : i32
    %add3A_110 = vector.broadcast %add3A_109 : i32 to vector<16xi32>
    %add3A_111 = arith.addi %mul3A_107, %add3A_110 : vector<16xi32>
    %gather3A_112 = tpu.vector_load_idx %arg7[%add3A_111] : memref<12800xi32, #tpu.memory_space<vmem>>[vector<16xi32>], vector<16xi32>,
    %mul3A_113 = arith.constant 128 : i32
    %mul3A_114 = arith.muli %scan3A_78, %mul3A_113 : i32
    %add3A_115 = arith.constant 32 : i32
    %add3A_116 = arith.addi %mul3A_114, %add3A_115 : i32
    %swap3A_117 = arith.index_cast %add3A_116 : i32 to index
    %swap3A_118 = tpu.vector_load %arg8[%swap3A_117] {strides = array<i32>} : memref<12800xi32, #tpu.memory_space<vmem>>, vector<16xi32>,
    tpu.vector_store %arg8[%swap3A_117], %gather3A_112 {strides = array<i32>} : memref<12800xi32, #tpu.memory_space<vmem>>, vector<16xi32>,
    %mul3A_119 = arith.constant 1 : i32
    %mul3A_120 = vector.broadcast %mul3A_119 : i32 to vector<16xi32>
    %mul3A_121 = arith.muli %iota3A, %mul3A_120 : vector<16xi32>
    %add3A_122 = arith.constant 48 : i32
    %add3A_123 = arith.addi %add3A_122, %scan3A_78 : i32
    %add3A_124 = vector.broadcast %add3A_123 : i32 to vector<16xi32>
    %add3A_125 = arith.addi %mul3A_121, %add3A_124 : vector<16xi32>
    %gather3A_126 = tpu.vector_load_idx %arg7[%add3A_125] : memref<12800xi32, #tpu.memory_space<vmem>>[vector<16xi32>], vector<16xi32>,
    %mul3A_127 = arith.constant 128 : i32
    %mul3A_128 = arith.muli %scan3A_78, %mul3A_127 : i32
    %add3A_129 = arith.constant 48 : i32
    %add3A_130 = arith.addi %mul3A_128, %add3A_129 : i32
    %swap3A_131 = arith.index_cast %add3A_130 : i32 to index
    %swap3A_132 = tpu.vector_load %arg8[%swap3A_131] {strides = array<i32>} : memref<12800xi32, #tpu.memory_space<vmem>>, vector<16xi32>,
    tpu.vector_store %arg8[%swap3A_131], %gather3A_126 {strides = array<i32>} : memref<12800xi32, #tpu.memory_space<vmem>>, vector<16xi32>,
    %mul3A_133 = arith.constant 1 : i32
    %mul3A_134 = vector.broadcast %mul3A_133 : i32 to vector<16xi32>
    %mul3A_135 = arith.muli %iota3A, %mul3A_134 : vector<16xi32>
    %add3A_136 = arith.constant 64 : i32
    %add3A_137 = arith.addi %add3A_136, %scan3A_78 : i32
    %add3A_138 = vector.broadcast %add3A_137 : i32 to vector<16xi32>
    %add3A_139 = arith.addi %mul3A_135, %add3A_138 : vector<16xi32>
    %gather3A_140 = tpu.vector_load_idx %arg7[%add3A_139] : memref<12800xi32, #tpu.memory_space<vmem>>[vector<16xi32>], vector<16xi32>,
    %mul3A_141 = arith.constant 128 : i32
    %mul3A_142 = arith.muli %scan3A_78, %mul3A_141 : i32
    %add3A_143 = arith.constant 64 : i32
    %add3A_144 = arith.addi %mul3A_142, %add3A_143 : i32
    %swap3A_145 = arith.index_cast %add3A_144 : i32 to index
    %swap3A_146 = tpu.vector_load %arg8[%swap3A_145] {strides = array<i32>} : memref<12800xi32, #tpu.memory_space<vmem>>, vector<16xi32>,
    tpu.vector_store %arg8[%swap3A_145], %gather3A_140 {strides = array<i32>} : memref<12800xi32, #tpu.memory_space<vmem>>, vector<16xi32>,
    %mul3A_147 = arith.constant 1 : i32
    %mul3A_148 = vector.broadcast %mul3A_147 : i32 to vector<16xi32>
    %mul3A_149 = arith.muli %iota3A, %mul3A_148 : vector<16xi32>
    %add3A_150 = arith.constant 80 : i32
    %add3A_151 = arith.addi %add3A_150, %scan3A_78 : i32
    %add3A_152 = vector.broadcast %add3A_151 : i32 to vector<16xi32>
    %add3A_153 = arith.addi %mul3A_149, %add3A_152 : vector<16xi32>
    %gather3A_154 = tpu.vector_load_idx %arg7[%add3A_153] : memref<12800xi32, #tpu.memory_space<vmem>>[vector<16xi32>], vector<16xi32>,
    %mul3A_155 = arith.constant 128 : i32
    %mul3A_156 = arith.muli %scan3A_78, %mul3A_155 : i32
    %add3A_157 = arith.constant 80 : i32
    %add3A_158 = arith.addi %mul3A_156, %add3A_157 : i32
    %swap3A_159 = arith.index_cast %add3A_158 : i32 to index
    %swap3A_160 = tpu.vector_load %arg8[%swap3A_159] {strides = array<i32>} : memref<12800xi32, #tpu.memory_space<vmem>>, vector<16xi32>,
    tpu.vector_store %arg8[%swap3A_159], %gather3A_154 {strides = array<i32>} : memref<12800xi32, #tpu.memory_space<vmem>>, vector<16xi32>,
    %mul3A_161 = arith.constant 1 : i32
    %mul3A_162 = vector.broadcast %mul3A_161 : i32 to vector<16xi32>
    %mul3A_163 = arith.muli %iota3A, %mul3A_162 : vector<16xi32>
    %add3A_164 = arith.constant 96 : i32
    %add3A_165 = arith.addi %add3A_164, %scan3A_78 : i32
    %add3A_166 = vector.broadcast %add3A_165 : i32 to vector<16xi32>
    %add3A_167 = arith.addi %mul3A_163, %add3A_166 : vector<16xi32>
    %gather3A_168 = tpu.vector_load_idx %arg7[%add3A_167] : memref<12800xi32, #tpu.memory_space<vmem>>[vector<16xi32>], vector<16xi32>,
    %mul3A_169 = arith.constant 128 : i32
    %mul3A_170 = arith.muli %scan3A_78, %mul3A_169 : i32
    %add3A_171 = arith.constant 96 : i32
    %add3A_172 = arith.addi %mul3A_170, %add3A_171 : i32
    %swap3A_173 = arith.index_cast %add3A_172 : i32 to index
    %swap3A_174 = tpu.vector_load %arg8[%swap3A_173] {strides = array<i32>} : memref<12800xi32, #tpu.memory_space<vmem>>, vector<16xi32>,
    tpu.vector_store %arg8[%swap3A_173], %gather3A_168 {strides = array<i32>} : memref<12800xi32, #tpu.memory_space<vmem>>, vector<16xi32>,
    %mul3A_175 = arith.constant 1 : i32
    %mul3A_176 = vector.broadcast %mul3A_175 : i32 to vector<16xi32>
    %mul3A_177 = arith.muli %iota3A, %mul3A_176 : vector<16xi32>
    %add3A_178 = arith.constant 112 : i32
    %add3A_179 = arith.addi %add3A_178, %scan3A_78 : i32
    %add3A_180 = vector.broadcast %add3A_179 : i32 to vector<16xi32>
    %add3A_181 = arith.addi %mul3A_177, %add3A_180 : vector<16xi32>
    %gather3A_182 = tpu.vector_load_idx %arg7[%add3A_181] : memref<12800xi32, #tpu.memory_space<vmem>>[vector<16xi32>], vector<16xi32>,
    %mul3A_183 = arith.constant 128 : i32
    %mul3A_184 = arith.muli %scan3A_78, %mul3A_183 : i32
    %add3A_185 = arith.constant 112 : i32
    %add3A_186 = arith.addi %mul3A_184, %add3A_185 : i32
    %swap3A_187 = arith.index_cast %add3A_186 : i32 to index
    %swap3A_188 = tpu.vector_load %arg8[%swap3A_187] {strides = array<i32>} : memref<12800xi32, #tpu.memory_space<vmem>>, vector<16xi32>,
    tpu.vector_store %arg8[%swap3A_187], %gather3A_182 {strides = array<i32>} : memref<12800xi32, #tpu.memory_space<vmem>>, vector<16xi32>,
    %scan3A_189 = arith.constant 1 : i32
    %dma_start3A = arith.constant 0 : i32
    %dma_start3A_190 = arith.constant 0 : i32
    %dma_start3A_191 = tpu.memref_slice %arg9[%dma_start3A, %dma_start3A_190] : memref<1280x64xf32, #tpu.memory_space<vmem>> -> memref<128x64xf32, #tpu.memory_space<vmem>>
    %dma_start3A_192 = arith.constant 0 : i32
    %dma_start3A_193 = tpu.memref_slice %arg8[%dma_start3A_192] : memref<12800xi32, #tpu.memory_space<vmem>> -> memref<128xi32, #tpu.memory_space<vmem>>
    %dma_start3A_194 = arith.constant 0 : i32
    %dma_start3A_195 = arith.constant 0 : i32
    %dma_start3A_196 = tpu.memref_slice %arg2[%dma_start3A_194, %dma_start3A_195] : memref<1000000x64xf32, #tpu.memory_space<hbm>> -> memref<1000000x64xf32, #tpu.memory_space<hbm>>
    tpu.enqueue_indirect_dma source(%dma_start3A_196 : memref<1000000x64xf32, #tpu.memory_space<hbm>>) target(%dma_start3A_191 : memref<128x64xf32, #tpu.memory_space<vmem>>) offsets(%dma_start3A_193 : memref<128xi32, #tpu.memory_space<vmem>>) semaphore(%arg10 : memref<!tpu.dma_semaphore, #tpu.memory_space<semaphore_mem>>)
    %dma_wait3A_197 = arith.constant 0 : i32
    %dma_wait3A_198 = arith.constant 0 : i32
    %dma_wait3A_199 = tpu.memref_slice %arg9[%dma_wait3A_197, %dma_wait3A_198] : memref<1280x64xf32, #tpu.memory_space<vmem>> -> memref<128x64xf32, #tpu.memory_space<vmem>>
    %dma_wait3A_200 = arith.constant 0 : i32
    %dma_wait3A_201 = tpu.memref_slice %arg8[%dma_wait3A_200] : memref<12800xi32, #tpu.memory_space<vmem>> -> memref<128xi32, #tpu.memory_space<vmem>>
    %dma_wait3A_202 = arith.constant 0 : i32
    %dma_wait3A_203 = arith.constant 0 : i32
    %dma_wait3A_204 = tpu.memref_slice %arg2[%dma_wait3A_202, %dma_wait3A_203] : memref<1000000x64xf32, #tpu.memory_space<hbm>> -> memref<1000000x64xf32, #tpu.memory_space<hbm>>
    tpu.wait_indirect_dma semaphore(%arg10 : memref<!tpu.dma_semaphore, #tpu.memory_space<semaphore_mem>>) src(%dma_wait3A_204 : memref<1000000x64xf32, #tpu.memory_space<hbm>>) dst(%dma_wait3A_199 : memref<128x64xf32, #tpu.memory_space<vmem>>)
    %add3A_205 = arith.constant 450560 : i32
    %add3A_206 = arith.addi %add3A_205, %mul3A_2 : i32
    "tpu.region"() ({
      %run_scoped3A = tpu.sem_alloc : memref<!tpu.dma_semaphore, #tpu.memory_space<semaphore_mem>>
      %dma_start3A_207 = arith.constant 0 : i32
      %dma_start3A_208 = arith.constant 0 : i32
      %dma_start3A_209 = tpu.memref_slice %arg9[%dma_start3A_207, %dma_start3A_208] : memref<1280x64xf32, #tpu.memory_space<vmem>> -> memref<128x64xf32, #tpu.memory_space<vmem>>
      %dma_start3A_210 = arith.constant 0 : i32
      %dma_start3A_211 = tpu.memref_slice %arg6[%add3A_206, %dma_start3A_210] : memref<454656x64xf32, #tpu.memory_space<hbm>> -> memref<128x64xf32, #tpu.memory_space<hbm>>
      %dma_start3A_212 = arith.constant 0 : i32
      %dma_start3A_213 = tpu.memref_slice %arg6[%add3A_206, %dma_start3A_212] : memref<454656x64xf32, #tpu.memory_space<hbm>> -> memref<128x64xf32, #tpu.memory_space<hbm>>
      %dma_start3A_214 = arith.constant 0 : i32
      %dma_start3A_215 = arith.constant 0 : i32
      %dma_start3A_216 = tpu.memref_slice %arg9[%dma_start3A_214, %dma_start3A_215] : memref<1280x64xf32, #tpu.memory_space<vmem>> -> memref<128x64xf32, #tpu.memory_space<vmem>>
      tpu.enqueue_dma source(%dma_start3A_216 : memref<128x64xf32, #tpu.memory_space<vmem>>) target(%dma_start3A_213 : memref<128x64xf32, #tpu.memory_space<hbm>>) target_semaphore(%run_scoped3A : memref<!tpu.dma_semaphore, #tpu.memory_space<semaphore_mem>>)
      %dma_wait3A_217 = arith.constant 0 : i32
      %dma_wait3A_218 = arith.constant 0 : i32
      %dma_wait3A_219 = tpu.memref_slice %arg9[%dma_wait3A_217, %dma_wait3A_218] : memref<1280x64xf32, #tpu.memory_space<vmem>> -> memref<128x64xf32, #tpu.memory_space<vmem>>
      %dma_wait3A_220 = arith.constant 0 : i32
      %dma_wait3A_221 = tpu.memref_slice %arg6[%add3A_206, %dma_wait3A_220] : memref<454656x64xf32, #tpu.memory_space<hbm>> -> memref<128x64xf32, #tpu.memory_space<hbm>>
      %dma_wait3A_222 = arith.constant 0 : i32
      %dma_wait3A_223 = tpu.memref_slice %arg6[%add3A_206, %dma_wait3A_222] : memref<454656x64xf32, #tpu.memory_space<hbm>> -> memref<128x64xf32, #tpu.memory_space<hbm>>
      %dma_wait3A_224 = arith.constant 0 : i32
      %dma_wait3A_225 = arith.constant 0 : i32
      %dma_wait3A_226 = tpu.memref_slice %arg9[%dma_wait3A_224, %dma_wait3A_225] : memref<1280x64xf32, #tpu.memory_space<vmem>> -> memref<128x64xf32, #tpu.memory_space<vmem>>
      tpu.wait_dma2 semaphore(%run_scoped3A : memref<!tpu.dma_semaphore, #tpu.memory_space<semaphore_mem>>) src(%dma_wait3A_226 : memref<128x64xf32, #tpu.memory_space<vmem>>) dst(%dma_wait3A_223 : memref<128x64xf32, #tpu.memory_space<hbm>>)
      tpu.yield
    }) : () -> ()
    return
  }
}

module attributes {stable_mosaic.version = 14 : i64} {
  func.func @_tc_body(%arg0: i32, %arg1: i32, %arg2: memref<1024x128xf32, #tpu.memory_space<vmem>>, %arg3: memref<1024x128xf32, #tpu.memory_space<vmem>>, %arg4: memref<1024x128xf32, #tpu.memory_space<vmem>>, %arg5: memref<1024x128xf32, #tpu.memory_space<vmem>>, %arg6: memref<1024x128xf32, #tpu.memory_space<vmem>>, %arg7: memref<1024x128xf32, #tpu.memory_space<vmem>>, %arg8: memref<1024x128xf32, #tpu.memory_space<vmem>>, %arg9: memref<1024x128xf32, #tpu.memory_space<vmem>>, %arg10: memref<1024x128xf32, #tpu.memory_space<vmem>>, %arg11: memref<1024x128xf32, #tpu.memory_space<vmem>>, %arg12: memref<1024x128xf32, #tpu.memory_space<vmem>>, %arg13: memref<1024x128xf32, #tpu.memory_space<vmem>>, %arg14: memref<1024x200xf32, #tpu.memory_space<vmem>>, %arg15: memref<1024x20xf32, #tpu.memory_space<vmem>>, %arg16: memref<128x128xf32, #tpu.memory_space<vmem>>, %arg17: memref<1x128xf32, #tpu.memory_space<vmem>>, %arg18: memref<128x128xf32, #tpu.memory_space<vmem>>, %arg19: memref<1x128xf32, #tpu.memory_space<vmem>>, %arg20: memref<128x128xf32, #tpu.memory_space<vmem>>, %arg21: memref<1x128xf32, #tpu.memory_space<vmem>>, %arg22: memref<128x128xf32, #tpu.memory_space<vmem>>, %arg23: memref<128x128xf32, #tpu.memory_space<vmem>>, %arg24: memref<1x128xf32, #tpu.memory_space<vmem>>, %arg25: memref<128x128xf32, #tpu.memory_space<vmem>>, %arg26: memref<1x128xf32, #tpu.memory_space<vmem>>, %arg27: memref<128x128xf32, #tpu.memory_space<vmem>>, %arg28: memref<128x128xf32, #tpu.memory_space<vmem>>, %arg29: memref<1x128xf32, #tpu.memory_space<vmem>>, %arg30: memref<128x128xf32, #tpu.memory_space<vmem>>, %arg31: memref<1x128xf32, #tpu.memory_space<vmem>>, %arg32: memref<128x128xf32, #tpu.memory_space<vmem>>, %arg33: memref<128x128xf32, #tpu.memory_space<vmem>>, %arg34: memref<2x128xf32, #tpu.memory_space<vmem>>, %arg35: memref<1024x128xf32, #tpu.memory_space<vmem>>, %arg36: memref<1024x128xf32, #tpu.memory_space<vmem>>, %arg37: memref<1024x128xf32, #tpu.memory_space<vmem>>) attributes {dimension_semantics = [#tpu.dimension_semantics<arbitrary>, #tpu.dimension_semantics<arbitrary>], iteration_bounds = array<i64: 2, 10>, scalar_prefetch = 0 : i64, scratch_operands = 2 : i64, tpu.core_type = #tpu.core_type<tc>, window_params = [{transform_indices = @transform_0, window_bounds = array<i64: 1024, 128>}, {transform_indices = @transform_1, window_bounds = array<i64: 1024, 128>}, {transform_indices = @transform_2, window_bounds = array<i64: 1024, 128>}, {transform_indices = @transform_3, window_bounds = array<i64: 1024, 128>}, {transform_indices = @transform_4, window_bounds = array<i64: 1024, 128>}, {transform_indices = @transform_5, window_bounds = array<i64: 1024, 128>}, {transform_indices = @transform_6, window_bounds = array<i64: 1024, 128>}, {transform_indices = @transform_7, window_bounds = array<i64: 1024, 128>}, {transform_indices = @transform_8, window_bounds = array<i64: 1024, 128>}, {transform_indices = @transform_9, window_bounds = array<i64: 1024, 128>}, {transform_indices = @transform_10, window_bounds = array<i64: 1024, 128>}, {transform_indices = @transform_11, window_bounds = array<i64: 1024, 128>}, {transform_indices = @transform_12, window_bounds = array<i64: 1024, 200>}, {transform_indices = @transform_13, window_bounds = array<i64: 1024, 20>}, {pipeline_mode = #tpu.pipeline_mode<synchronous>, transform_indices = @transform_14, window_bounds = array<i64: 128, 128>}, {pipeline_mode = #tpu.pipeline_mode<synchronous>, transform_indices = @transform_15, window_bounds = array<i64: 1, 128>}, {pipeline_mode = #tpu.pipeline_mode<synchronous>, transform_indices = @transform_16, window_bounds = array<i64: 128, 128>}, {pipeline_mode = #tpu.pipeline_mode<synchronous>, transform_indices = @transform_17, window_bounds = array<i64: 1, 128>}, {pipeline_mode = #tpu.pipeline_mode<synchronous>, transform_indices = @transform_18, window_bounds = array<i64: 128, 128>}, {pipeline_mode = #tpu.pipeline_mode<synchronous>, transform_indices = @transform_19, window_bounds = array<i64: 1, 128>}, {pipeline_mode = #tpu.pipeline_mode<synchronous>, transform_indices = @transform_20, window_bounds = array<i64: 128, 128>}, {pipeline_mode = #tpu.pipeline_mode<synchronous>, transform_indices = @transform_21, window_bounds = array<i64: 128, 128>}, {pipeline_mode = #tpu.pipeline_mode<synchronous>, transform_indices = @transform_22, window_bounds = array<i64: 1, 128>}, {pipeline_mode = #tpu.pipeline_mode<synchronous>, transform_indices = @transform_23, window_bounds = array<i64: 128, 128>}, {pipeline_mode = #tpu.pipeline_mode<synchronous>, transform_indices = @transform_24, window_bounds = array<i64: 1, 128>}, {pipeline_mode = #tpu.pipeline_mode<synchronous>, transform_indices = @transform_25, window_bounds = array<i64: 128, 128>}, {pipeline_mode = #tpu.pipeline_mode<synchronous>, transform_indices = @transform_26, window_bounds = array<i64: 128, 128>}, {pipeline_mode = #tpu.pipeline_mode<synchronous>, transform_indices = @transform_27, window_bounds = array<i64: 1, 128>}, {pipeline_mode = #tpu.pipeline_mode<synchronous>, transform_indices = @transform_28, window_bounds = array<i64: 128, 128>}, {pipeline_mode = #tpu.pipeline_mode<synchronous>, transform_indices = @transform_29, window_bounds = array<i64: 1, 128>}, {pipeline_mode = #tpu.pipeline_mode<synchronous>, transform_indices = @transform_30, window_bounds = array<i64: 128, 128>}, {pipeline_mode = #tpu.pipeline_mode<synchronous>, transform_indices = @transform_31, window_bounds = array<i64: 128, 128>}, {pipeline_mode = #tpu.pipeline_mode<synchronous>, transform_indices = @transform_32, window_bounds = array<i64: 2, 128>}, {transform_indices = @transform_33, window_bounds = array<i64: 1024, 128>}]} {
    %get3A = arith.constant 0 : index
    %get3A_0 = arith.constant 0 : index
    %get3A_1 = vector.load %arg33[%get3A, %get3A_0] : memref<128x128xf32, #tpu.memory_space<vmem>>, vector<128x128xf32>
    %get3A_2 = arith.constant 0 : index
    %get3A_3 = arith.constant 0 : index
    %get3A_4 = vector.load %arg34[%get3A_2, %get3A_3] : memref<2x128xf32, #tpu.memory_space<vmem>>, vector<2x128xf32>
    %get3A_5 = arith.constant 0 : index
    %get3A_6 = arith.constant 0 : index
    %get3A_7 = vector.load %arg12[%get3A_5, %get3A_6] : memref<1024x128xf32, #tpu.memory_space<vmem>>, vector<1024x128xf32>
    %get3A_8 = arith.constant 0 : index
    %get3A_9 = arith.constant 0 : index
    %get3A_10 = vector.load %arg16[%get3A_8, %get3A_9] : memref<128x128xf32, #tpu.memory_space<vmem>>, vector<128x128xf32>
    %dot_general3A = arith.constant dense<0.000000e+00> : vector<1024x128xf32>
    %dot_general3A_11 = tpu.matmul %get3A_7, %get3A_10, %dot_general3A {dimension_numbers = #tpu.dot_dimension_numbers<[1], [0], [0], [1], [0, 0, 1, 1], [], []>, transpose_lhs_hint = false} : vector<1024x128xf32>, vector<128x128xf32>, vector<1024x128xf32> -> vector<1024x128xf32>
    %get3A_12 = arith.constant 0 : index
    %get3A_13 = arith.constant 0 : index
    %get3A_14 = vector.load %arg17[%get3A_12, %get3A_13] : memref<1x128xf32, #tpu.memory_space<vmem>>, vector<1x128xf32>
    %add3A = vector.broadcast %get3A_14 : vector<1x128xf32> to vector<1024x128xf32>
    %add3A_15 = arith.addf %dot_general3A_11, %add3A : vector<1024x128xf32>
    %get3A_16 = arith.constant 0 : index
    %get3A_17 = arith.constant 0 : index
    %get3A_18 = vector.load %arg14[%get3A_16, %get3A_17] : memref<1024x200xf32, #tpu.memory_space<vmem>>, vector<1024x200xf32>
    %get3A_19 = arith.constant 0 : index
    %get3A_20 = arith.constant 0 : index
    %get3A_21 = vector.load %arg2[%get3A_19, %get3A_20] : memref<1024x128xf32, #tpu.memory_space<vmem>>, vector<1024x128xf32>
    %get3A_22 = arith.constant 0 : index
    %get3A_23 = arith.constant 0 : index
    %get3A_24 = vector.load %arg18[%get3A_22, %get3A_23] : memref<128x128xf32, #tpu.memory_space<vmem>>, vector<128x128xf32>
    %dot_general3A_25 = arith.constant dense<0.000000e+00> : vector<1024x128xf32>
    %dot_general3A_26 = tpu.matmul %get3A_21, %get3A_24, %dot_general3A_25 {dimension_numbers = #tpu.dot_dimension_numbers<[1], [0], [0], [1], [0, 0, 1, 1], [], []>, transpose_lhs_hint = false} : vector<1024x128xf32>, vector<128x128xf32>, vector<1024x128xf32> -> vector<1024x128xf32>
    %get3A_27 = arith.constant 0 : index
    %get3A_28 = arith.constant 0 : index
    %get3A_29 = vector.load %arg19[%get3A_27, %get3A_28] : memref<1x128xf32, #tpu.memory_space<vmem>>, vector<1x128xf32>
    %add3A_30 = vector.broadcast %get3A_29 : vector<1x128xf32> to vector<1024x128xf32>
    %add3A_31 = arith.addf %dot_general3A_26, %add3A_30 : vector<1024x128xf32>
    %max3A = arith.constant 0.000000e+00 : f32
    %max3A_32 = vector.broadcast %max3A : f32 to vector<1024x128xf32>
    %max3A_33 = arith.maximumf %add3A_31, %max3A_32 : vector<1024x128xf32>
    %mul3A = arith.constant 10 : i32
    %mul3A_34 = arith.muli %arg1, %mul3A : i32
    %add3A_35 = arith.constant 0 : i32
    %add3A_36 = arith.addi %mul3A_34, %add3A_35 : i32
    %iota3A = tpu.iota {dimensions = array<i32: 0>} : vector<200x2xi32>
    %iota3A_37 = tpu.iota {dimensions = array<i32: 1>} : vector<200x2xi32>
    %mul3A_38 = arith.constant 100 : i32
    %mul3A_39 = vector.broadcast %mul3A_38 : i32 to vector<200x2xi32>
    %mul3A_40 = arith.muli %iota3A_37, %mul3A_39 : vector<200x2xi32>
    %add3A_41 = vector.broadcast %add3A_36 : i32 to vector<200x2xi32>
    %add3A_42 = arith.addi %add3A_41, %mul3A_40 : vector<200x2xi32>
    %eq3A = arith.cmpi eq, %iota3A, %add3A_42 : vector<200x2xi32>
    %jit3A = arith.constant 1.000000e+00 : f32
    %jit3A_43 = arith.constant 0.000000e+00 : f32
    %broadcast_in_dim3A = vector.broadcast %jit3A : f32 to vector<200x2xf32>
    %broadcast_in_dim3A_44 = vector.broadcast %jit3A_43 : f32 to vector<200x2xf32>
    %select_n3A = arith.select %eq3A, %broadcast_in_dim3A, %broadcast_in_dim3A_44 : vector<200x2xi1>, vector<200x2xf32>
    %dot_general3A_45 = arith.constant dense<0.000000e+00> : vector<1024x2xf32>
    %dot_general3A_46 = tpu.matmul %get3A_18, %select_n3A, %dot_general3A_45 {dimension_numbers = #tpu.dot_dimension_numbers<[1], [0], [0], [1], [0, 0, 1, 1], [], []>, transpose_lhs_hint = false} : vector<1024x200xf32>, vector<200x2xf32>, vector<1024x2xf32> -> vector<1024x2xf32>
    %dot_general3A_47 = arith.constant dense<0.000000e+00> : vector<1024x128xf32>
    %dot_general3A_48 = tpu.matmul %dot_general3A_46, %get3A_4, %dot_general3A_47 {dimension_numbers = #tpu.dot_dimension_numbers<[1], [0], [0], [1], [0, 0, 1, 1], [], []>, transpose_lhs_hint = false} : vector<1024x2xf32>, vector<2x128xf32>, vector<1024x128xf32> -> vector<1024x128xf32>
    %mul3A_49 = arith.mulf %dot_general3A_48, %max3A_33 : vector<1024x128xf32>
    %get3A_50 = arith.constant 0 : index
    %get3A_51 = arith.constant 0 : index
    %get3A_52 = vector.load %arg3[%get3A_50, %get3A_51] : memref<1024x128xf32, #tpu.memory_space<vmem>>, vector<1024x128xf32>
    %get3A_53 = arith.constant 0 : index
    %get3A_54 = arith.constant 0 : index
    %get3A_55 = vector.load %arg18[%get3A_53, %get3A_54] : memref<128x128xf32, #tpu.memory_space<vmem>>, vector<128x128xf32>
    %dot_general3A_56 = arith.constant dense<0.000000e+00> : vector<1024x128xf32>
    %dot_general3A_57 = tpu.matmul %get3A_52, %get3A_55, %dot_general3A_56 {dimension_numbers = #tpu.dot_dimension_numbers<[1], [0], [0], [1], [0, 0, 1, 1], [], []>, transpose_lhs_hint = false} : vector<1024x128xf32>, vector<128x128xf32>, vector<1024x128xf32> -> vector<1024x128xf32>
    %get3A_58 = arith.constant 0 : index
    %get3A_59 = arith.constant 0 : index
    %get3A_60 = vector.load %arg19[%get3A_58, %get3A_59] : memref<1x128xf32, #tpu.memory_space<vmem>>, vector<1x128xf32>
    %add3A_61 = vector.broadcast %get3A_60 : vector<1x128xf32> to vector<1024x128xf32>
    %add3A_62 = arith.addf %dot_general3A_57, %add3A_61 : vector<1024x128xf32>
    %max3A_63 = arith.constant 0.000000e+00 : f32
    %max3A_64 = vector.broadcast %max3A_63 : f32 to vector<1024x128xf32>
    %max3A_65 = arith.maximumf %add3A_62, %max3A_64 : vector<1024x128xf32>
    %mul3A_66 = arith.constant 10 : i32
    %mul3A_67 = arith.muli %arg1, %mul3A_66 : i32
    %add3A_68 = arith.constant 1 : i32
    %add3A_69 = arith.addi %mul3A_67, %add3A_68 : i32
    %iota3A_70 = tpu.iota {dimensions = array<i32: 0>} : vector<200x2xi32>
    %iota3A_71 = tpu.iota {dimensions = array<i32: 1>} : vector<200x2xi32>
    %mul3A_72 = arith.constant 100 : i32
    %mul3A_73 = vector.broadcast %mul3A_72 : i32 to vector<200x2xi32>
    %mul3A_74 = arith.muli %iota3A_71, %mul3A_73 : vector<200x2xi32>
    %add3A_75 = vector.broadcast %add3A_69 : i32 to vector<200x2xi32>
    %add3A_76 = arith.addi %add3A_75, %mul3A_74 : vector<200x2xi32>
    %eq3A_77 = arith.cmpi eq, %iota3A_70, %add3A_76 : vector<200x2xi32>
    %jit3A_78 = arith.constant 1.000000e+00 : f32
    %jit3A_79 = arith.constant 0.000000e+00 : f32
    %broadcast_in_dim3A_80 = vector.broadcast %jit3A_78 : f32 to vector<200x2xf32>
    %broadcast_in_dim3A_81 = vector.broadcast %jit3A_79 : f32 to vector<200x2xf32>
    %select_n3A_82 = arith.select %eq3A_77, %broadcast_in_dim3A_80, %broadcast_in_dim3A_81 : vector<200x2xi1>, vector<200x2xf32>
    %dot_general3A_83 = arith.constant dense<0.000000e+00> : vector<1024x2xf32>
    %dot_general3A_84 = tpu.matmul %get3A_18, %select_n3A_82, %dot_general3A_83 {dimension_numbers = #tpu.dot_dimension_numbers<[1], [0], [0], [1], [0, 0, 1, 1], [], []>, transpose_lhs_hint = false} : vector<1024x200xf32>, vector<200x2xf32>, vector<1024x2xf32> -> vector<1024x2xf32>
    %dot_general3A_85 = arith.constant dense<0.000000e+00> : vector<1024x128xf32>
    %dot_general3A_86 = tpu.matmul %dot_general3A_84, %get3A_4, %dot_general3A_85 {dimension_numbers = #tpu.dot_dimension_numbers<[1], [0], [0], [1], [0, 0, 1, 1], [], []>, transpose_lhs_hint = false} : vector<1024x2xf32>, vector<2x128xf32>, vector<1024x128xf32> -> vector<1024x128xf32>
    %mul3A_87 = arith.mulf %dot_general3A_86, %max3A_65 : vector<1024x128xf32>
    %add3A_88 = arith.addf %mul3A_49, %mul3A_87 : vector<1024x128xf32>
    %get3A_89 = arith.constant 0 : index
    %get3A_90 = arith.constant 0 : index
    %get3A_91 = vector.load %arg4[%get3A_89, %get3A_90] : memref<1024x128xf32, #tpu.memory_space<vmem>>, vector<1024x128xf32>
    %get3A_92 = arith.constant 0 : index
    %get3A_93 = arith.constant 0 : index
    %get3A_94 = vector.load %arg18[%get3A_92, %get3A_93] : memref<128x128xf32, #tpu.memory_space<vmem>>, vector<128x128xf32>
    %dot_general3A_95 = arith.constant dense<0.000000e+00> : vector<1024x128xf32>
    %dot_general3A_96 = tpu.matmul %get3A_91, %get3A_94, %dot_general3A_95 {dimension_numbers = #tpu.dot_dimension_numbers<[1], [0], [0], [1], [0, 0, 1, 1], [], []>, transpose_lhs_hint = false} : vector<1024x128xf32>, vector<128x128xf32>, vector<1024x128xf32> -> vector<1024x128xf32>
    %get3A_97 = arith.constant 0 : index
    %get3A_98 = arith.constant 0 : index
    %get3A_99 = vector.load %arg19[%get3A_97, %get3A_98] : memref<1x128xf32, #tpu.memory_space<vmem>>, vector<1x128xf32>
    %add3A_100 = vector.broadcast %get3A_99 : vector<1x128xf32> to vector<1024x128xf32>
    %add3A_101 = arith.addf %dot_general3A_96, %add3A_100 : vector<1024x128xf32>
    %max3A_102 = arith.constant 0.000000e+00 : f32
    %max3A_103 = vector.broadcast %max3A_102 : f32 to vector<1024x128xf32>
    %max3A_104 = arith.maximumf %add3A_101, %max3A_103 : vector<1024x128xf32>
    %mul3A_105 = arith.constant 10 : i32
    %mul3A_106 = arith.muli %arg1, %mul3A_105 : i32
    %add3A_107 = arith.constant 2 : i32
    %add3A_108 = arith.addi %mul3A_106, %add3A_107 : i32
    %iota3A_109 = tpu.iota {dimensions = array<i32: 0>} : vector<200x2xi32>
    %iota3A_110 = tpu.iota {dimensions = array<i32: 1>} : vector<200x2xi32>
    %mul3A_111 = arith.constant 100 : i32
    %mul3A_112 = vector.broadcast %mul3A_111 : i32 to vector<200x2xi32>
    %mul3A_113 = arith.muli %iota3A_110, %mul3A_112 : vector<200x2xi32>
    %add3A_114 = vector.broadcast %add3A_108 : i32 to vector<200x2xi32>
    %add3A_115 = arith.addi %add3A_114, %mul3A_113 : vector<200x2xi32>
    %eq3A_116 = arith.cmpi eq, %iota3A_109, %add3A_115 : vector<200x2xi32>
    %jit3A_117 = arith.constant 1.000000e+00 : f32
    %jit3A_118 = arith.constant 0.000000e+00 : f32
    %broadcast_in_dim3A_119 = vector.broadcast %jit3A_117 : f32 to vector<200x2xf32>
    %broadcast_in_dim3A_120 = vector.broadcast %jit3A_118 : f32 to vector<200x2xf32>
    %select_n3A_121 = arith.select %eq3A_116, %broadcast_in_dim3A_119, %broadcast_in_dim3A_120 : vector<200x2xi1>, vector<200x2xf32>
    %dot_general3A_122 = arith.constant dense<0.000000e+00> : vector<1024x2xf32>
    %dot_general3A_123 = tpu.matmul %get3A_18, %select_n3A_121, %dot_general3A_122 {dimension_numbers = #tpu.dot_dimension_numbers<[1], [0], [0], [1], [0, 0, 1, 1], [], []>, transpose_lhs_hint = false} : vector<1024x200xf32>, vector<200x2xf32>, vector<1024x2xf32> -> vector<1024x2xf32>
    %dot_general3A_124 = arith.constant dense<0.000000e+00> : vector<1024x128xf32>
    %dot_general3A_125 = tpu.matmul %dot_general3A_123, %get3A_4, %dot_general3A_124 {dimension_numbers = #tpu.dot_dimension_numbers<[1], [0], [0], [1], [0, 0, 1, 1], [], []>, transpose_lhs_hint = false} : vector<1024x2xf32>, vector<2x128xf32>, vector<1024x128xf32> -> vector<1024x128xf32>
    %mul3A_126 = arith.mulf %dot_general3A_125, %max3A_104 : vector<1024x128xf32>
    %add3A_127 = arith.addf %add3A_88, %mul3A_126 : vector<1024x128xf32>
    %get3A_128 = arith.constant 0 : index
    %get3A_129 = arith.constant 0 : index
    %get3A_130 = vector.load %arg5[%get3A_128, %get3A_129] : memref<1024x128xf32, #tpu.memory_space<vmem>>, vector<1024x128xf32>
    %get3A_131 = arith.constant 0 : index
    %get3A_132 = arith.constant 0 : index
    %get3A_133 = vector.load %arg18[%get3A_131, %get3A_132] : memref<128x128xf32, #tpu.memory_space<vmem>>, vector<128x128xf32>
    %dot_general3A_134 = arith.constant dense<0.000000e+00> : vector<1024x128xf32>
    %dot_general3A_135 = tpu.matmul %get3A_130, %get3A_133, %dot_general3A_134 {dimension_numbers = #tpu.dot_dimension_numbers<[1], [0], [0], [1], [0, 0, 1, 1], [], []>, transpose_lhs_hint = false} : vector<1024x128xf32>, vector<128x128xf32>, vector<1024x128xf32> -> vector<1024x128xf32>
    %get3A_136 = arith.constant 0 : index
    %get3A_137 = arith.constant 0 : index
    %get3A_138 = vector.load %arg19[%get3A_136, %get3A_137] : memref<1x128xf32, #tpu.memory_space<vmem>>, vector<1x128xf32>
    %add3A_139 = vector.broadcast %get3A_138 : vector<1x128xf32> to vector<1024x128xf32>
    %add3A_140 = arith.addf %dot_general3A_135, %add3A_139 : vector<1024x128xf32>
    %max3A_141 = arith.constant 0.000000e+00 : f32
    %max3A_142 = vector.broadcast %max3A_141 : f32 to vector<1024x128xf32>
    %max3A_143 = arith.maximumf %add3A_140, %max3A_142 : vector<1024x128xf32>
    %mul3A_144 = arith.constant 10 : i32
    %mul3A_145 = arith.muli %arg1, %mul3A_144 : i32
    %add3A_146 = arith.constant 3 : i32
    %add3A_147 = arith.addi %mul3A_145, %add3A_146 : i32
    %iota3A_148 = tpu.iota {dimensions = array<i32: 0>} : vector<200x2xi32>
    %iota3A_149 = tpu.iota {dimensions = array<i32: 1>} : vector<200x2xi32>
    %mul3A_150 = arith.constant 100 : i32
    %mul3A_151 = vector.broadcast %mul3A_150 : i32 to vector<200x2xi32>
    %mul3A_152 = arith.muli %iota3A_149, %mul3A_151 : vector<200x2xi32>
    %add3A_153 = vector.broadcast %add3A_147 : i32 to vector<200x2xi32>
    %add3A_154 = arith.addi %add3A_153, %mul3A_152 : vector<200x2xi32>
    %eq3A_155 = arith.cmpi eq, %iota3A_148, %add3A_154 : vector<200x2xi32>
    %jit3A_156 = arith.constant 1.000000e+00 : f32
    %jit3A_157 = arith.constant 0.000000e+00 : f32
    %broadcast_in_dim3A_158 = vector.broadcast %jit3A_156 : f32 to vector<200x2xf32>
    %broadcast_in_dim3A_159 = vector.broadcast %jit3A_157 : f32 to vector<200x2xf32>
    %select_n3A_160 = arith.select %eq3A_155, %broadcast_in_dim3A_158, %broadcast_in_dim3A_159 : vector<200x2xi1>, vector<200x2xf32>
    %dot_general3A_161 = arith.constant dense<0.000000e+00> : vector<1024x2xf32>
    %dot_general3A_162 = tpu.matmul %get3A_18, %select_n3A_160, %dot_general3A_161 {dimension_numbers = #tpu.dot_dimension_numbers<[1], [0], [0], [1], [0, 0, 1, 1], [], []>, transpose_lhs_hint = false} : vector<1024x200xf32>, vector<200x2xf32>, vector<1024x2xf32> -> vector<1024x2xf32>
    %dot_general3A_163 = arith.constant dense<0.000000e+00> : vector<1024x128xf32>
    %dot_general3A_164 = tpu.matmul %dot_general3A_162, %get3A_4, %dot_general3A_163 {dimension_numbers = #tpu.dot_dimension_numbers<[1], [0], [0], [1], [0, 0, 1, 1], [], []>, transpose_lhs_hint = false} : vector<1024x2xf32>, vector<2x128xf32>, vector<1024x128xf32> -> vector<1024x128xf32>
    %mul3A_165 = arith.mulf %dot_general3A_164, %max3A_143 : vector<1024x128xf32>
    %add3A_166 = arith.addf %add3A_127, %mul3A_165 : vector<1024x128xf32>
    %get3A_167 = arith.constant 0 : index
    %get3A_168 = arith.constant 0 : index
    %get3A_169 = vector.load %arg6[%get3A_167, %get3A_168] : memref<1024x128xf32, #tpu.memory_space<vmem>>, vector<1024x128xf32>
    %get3A_170 = arith.constant 0 : index
    %get3A_171 = arith.constant 0 : index
    %get3A_172 = vector.load %arg18[%get3A_170, %get3A_171] : memref<128x128xf32, #tpu.memory_space<vmem>>, vector<128x128xf32>
    %dot_general3A_173 = arith.constant dense<0.000000e+00> : vector<1024x128xf32>
    %dot_general3A_174 = tpu.matmul %get3A_169, %get3A_172, %dot_general3A_173 {dimension_numbers = #tpu.dot_dimension_numbers<[1], [0], [0], [1], [0, 0, 1, 1], [], []>, transpose_lhs_hint = false} : vector<1024x128xf32>, vector<128x128xf32>, vector<1024x128xf32> -> vector<1024x128xf32>
    %get3A_175 = arith.constant 0 : index
    %get3A_176 = arith.constant 0 : index
    %get3A_177 = vector.load %arg19[%get3A_175, %get3A_176] : memref<1x128xf32, #tpu.memory_space<vmem>>, vector<1x128xf32>
    %add3A_178 = vector.broadcast %get3A_177 : vector<1x128xf32> to vector<1024x128xf32>
    %add3A_179 = arith.addf %dot_general3A_174, %add3A_178 : vector<1024x128xf32>
    %max3A_180 = arith.constant 0.000000e+00 : f32
    %max3A_181 = vector.broadcast %max3A_180 : f32 to vector<1024x128xf32>
    %max3A_182 = arith.maximumf %add3A_179, %max3A_181 : vector<1024x128xf32>
    %mul3A_183 = arith.constant 10 : i32
    %mul3A_184 = arith.muli %arg1, %mul3A_183 : i32
    %add3A_185 = arith.constant 4 : i32
    %add3A_186 = arith.addi %mul3A_184, %add3A_185 : i32
    %iota3A_187 = tpu.iota {dimensions = array<i32: 0>} : vector<200x2xi32>
    %iota3A_188 = tpu.iota {dimensions = array<i32: 1>} : vector<200x2xi32>
    %mul3A_189 = arith.constant 100 : i32
    %mul3A_190 = vector.broadcast %mul3A_189 : i32 to vector<200x2xi32>
    %mul3A_191 = arith.muli %iota3A_188, %mul3A_190 : vector<200x2xi32>
    %add3A_192 = vector.broadcast %add3A_186 : i32 to vector<200x2xi32>
    %add3A_193 = arith.addi %add3A_192, %mul3A_191 : vector<200x2xi32>
    %eq3A_194 = arith.cmpi eq, %iota3A_187, %add3A_193 : vector<200x2xi32>
    %jit3A_195 = arith.constant 1.000000e+00 : f32
    %jit3A_196 = arith.constant 0.000000e+00 : f32
    %broadcast_in_dim3A_197 = vector.broadcast %jit3A_195 : f32 to vector<200x2xf32>
    %broadcast_in_dim3A_198 = vector.broadcast %jit3A_196 : f32 to vector<200x2xf32>
    %select_n3A_199 = arith.select %eq3A_194, %broadcast_in_dim3A_197, %broadcast_in_dim3A_198 : vector<200x2xi1>, vector<200x2xf32>
    %dot_general3A_200 = arith.constant dense<0.000000e+00> : vector<1024x2xf32>
    %dot_general3A_201 = tpu.matmul %get3A_18, %select_n3A_199, %dot_general3A_200 {dimension_numbers = #tpu.dot_dimension_numbers<[1], [0], [0], [1], [0, 0, 1, 1], [], []>, transpose_lhs_hint = false} : vector<1024x200xf32>, vector<200x2xf32>, vector<1024x2xf32> -> vector<1024x2xf32>
    %dot_general3A_202 = arith.constant dense<0.000000e+00> : vector<1024x128xf32>
    %dot_general3A_203 = tpu.matmul %dot_general3A_201, %get3A_4, %dot_general3A_202 {dimension_numbers = #tpu.dot_dimension_numbers<[1], [0], [0], [1], [0, 0, 1, 1], [], []>, transpose_lhs_hint = false} : vector<1024x2xf32>, vector<2x128xf32>, vector<1024x128xf32> -> vector<1024x128xf32>
    %mul3A_204 = arith.mulf %dot_general3A_203, %max3A_182 : vector<1024x128xf32>
    %add3A_205 = arith.addf %add3A_166, %mul3A_204 : vector<1024x128xf32>
    %get3A_206 = arith.constant 0 : index
    %get3A_207 = arith.constant 0 : index
    %get3A_208 = vector.load %arg7[%get3A_206, %get3A_207] : memref<1024x128xf32, #tpu.memory_space<vmem>>, vector<1024x128xf32>
    %get3A_209 = arith.constant 0 : index
    %get3A_210 = arith.constant 0 : index
    %get3A_211 = vector.load %arg18[%get3A_209, %get3A_210] : memref<128x128xf32, #tpu.memory_space<vmem>>, vector<128x128xf32>
    %dot_general3A_212 = arith.constant dense<0.000000e+00> : vector<1024x128xf32>
    %dot_general3A_213 = tpu.matmul %get3A_208, %get3A_211, %dot_general3A_212 {dimension_numbers = #tpu.dot_dimension_numbers<[1], [0], [0], [1], [0, 0, 1, 1], [], []>, transpose_lhs_hint = false} : vector<1024x128xf32>, vector<128x128xf32>, vector<1024x128xf32> -> vector<1024x128xf32>
    %get3A_214 = arith.constant 0 : index
    %get3A_215 = arith.constant 0 : index
    %get3A_216 = vector.load %arg19[%get3A_214, %get3A_215] : memref<1x128xf32, #tpu.memory_space<vmem>>, vector<1x128xf32>
    %add3A_217 = vector.broadcast %get3A_216 : vector<1x128xf32> to vector<1024x128xf32>
    %add3A_218 = arith.addf %dot_general3A_213, %add3A_217 : vector<1024x128xf32>
    %max3A_219 = arith.constant 0.000000e+00 : f32
    %max3A_220 = vector.broadcast %max3A_219 : f32 to vector<1024x128xf32>
    %max3A_221 = arith.maximumf %add3A_218, %max3A_220 : vector<1024x128xf32>
    %mul3A_222 = arith.constant 10 : i32
    %mul3A_223 = arith.muli %arg1, %mul3A_222 : i32
    %add3A_224 = arith.constant 5 : i32
    %add3A_225 = arith.addi %mul3A_223, %add3A_224 : i32
    %iota3A_226 = tpu.iota {dimensions = array<i32: 0>} : vector<200x2xi32>
    %iota3A_227 = tpu.iota {dimensions = array<i32: 1>} : vector<200x2xi32>
    %mul3A_228 = arith.constant 100 : i32
    %mul3A_229 = vector.broadcast %mul3A_228 : i32 to vector<200x2xi32>
    %mul3A_230 = arith.muli %iota3A_227, %mul3A_229 : vector<200x2xi32>
    %add3A_231 = vector.broadcast %add3A_225 : i32 to vector<200x2xi32>
    %add3A_232 = arith.addi %add3A_231, %mul3A_230 : vector<200x2xi32>
    %eq3A_233 = arith.cmpi eq, %iota3A_226, %add3A_232 : vector<200x2xi32>
    %jit3A_234 = arith.constant 1.000000e+00 : f32
    %jit3A_235 = arith.constant 0.000000e+00 : f32
    %broadcast_in_dim3A_236 = vector.broadcast %jit3A_234 : f32 to vector<200x2xf32>
    %broadcast_in_dim3A_237 = vector.broadcast %jit3A_235 : f32 to vector<200x2xf32>
    %select_n3A_238 = arith.select %eq3A_233, %broadcast_in_dim3A_236, %broadcast_in_dim3A_237 : vector<200x2xi1>, vector<200x2xf32>
    %dot_general3A_239 = arith.constant dense<0.000000e+00> : vector<1024x2xf32>
    %dot_general3A_240 = tpu.matmul %get3A_18, %select_n3A_238, %dot_general3A_239 {dimension_numbers = #tpu.dot_dimension_numbers<[1], [0], [0], [1], [0, 0, 1, 1], [], []>, transpose_lhs_hint = false} : vector<1024x200xf32>, vector<200x2xf32>, vector<1024x2xf32> -> vector<1024x2xf32>
    %dot_general3A_241 = arith.constant dense<0.000000e+00> : vector<1024x128xf32>
    %dot_general3A_242 = tpu.matmul %dot_general3A_240, %get3A_4, %dot_general3A_241 {dimension_numbers = #tpu.dot_dimension_numbers<[1], [0], [0], [1], [0, 0, 1, 1], [], []>, transpose_lhs_hint = false} : vector<1024x2xf32>, vector<2x128xf32>, vector<1024x128xf32> -> vector<1024x128xf32>
    %mul3A_243 = arith.mulf %dot_general3A_242, %max3A_221 : vector<1024x128xf32>
    %add3A_244 = arith.addf %add3A_205, %mul3A_243 : vector<1024x128xf32>
    %get3A_245 = arith.constant 0 : index
    %get3A_246 = arith.constant 0 : index
    %get3A_247 = vector.load %arg8[%get3A_245, %get3A_246] : memref<1024x128xf32, #tpu.memory_space<vmem>>, vector<1024x128xf32>
    %get3A_248 = arith.constant 0 : index
    %get3A_249 = arith.constant 0 : index
    %get3A_250 = vector.load %arg18[%get3A_248, %get3A_249] : memref<128x128xf32, #tpu.memory_space<vmem>>, vector<128x128xf32>
    %dot_general3A_251 = arith.constant dense<0.000000e+00> : vector<1024x128xf32>
    %dot_general3A_252 = tpu.matmul %get3A_247, %get3A_250, %dot_general3A_251 {dimension_numbers = #tpu.dot_dimension_numbers<[1], [0], [0], [1], [0, 0, 1, 1], [], []>, transpose_lhs_hint = false} : vector<1024x128xf32>, vector<128x128xf32>, vector<1024x128xf32> -> vector<1024x128xf32>
    %get3A_253 = arith.constant 0 : index
    %get3A_254 = arith.constant 0 : index
    %get3A_255 = vector.load %arg19[%get3A_253, %get3A_254] : memref<1x128xf32, #tpu.memory_space<vmem>>, vector<1x128xf32>
    %add3A_256 = vector.broadcast %get3A_255 : vector<1x128xf32> to vector<1024x128xf32>
    %add3A_257 = arith.addf %dot_general3A_252, %add3A_256 : vector<1024x128xf32>
    %max3A_258 = arith.constant 0.000000e+00 : f32
    %max3A_259 = vector.broadcast %max3A_258 : f32 to vector<1024x128xf32>
    %max3A_260 = arith.maximumf %add3A_257, %max3A_259 : vector<1024x128xf32>
    %mul3A_261 = arith.constant 10 : i32
    %mul3A_262 = arith.muli %arg1, %mul3A_261 : i32
    %add3A_263 = arith.constant 6 : i32
    %add3A_264 = arith.addi %mul3A_262, %add3A_263 : i32
    %iota3A_265 = tpu.iota {dimensions = array<i32: 0>} : vector<200x2xi32>
    %iota3A_266 = tpu.iota {dimensions = array<i32: 1>} : vector<200x2xi32>
    %mul3A_267 = arith.constant 100 : i32
    %mul3A_268 = vector.broadcast %mul3A_267 : i32 to vector<200x2xi32>
    %mul3A_269 = arith.muli %iota3A_266, %mul3A_268 : vector<200x2xi32>
    %add3A_270 = vector.broadcast %add3A_264 : i32 to vector<200x2xi32>
    %add3A_271 = arith.addi %add3A_270, %mul3A_269 : vector<200x2xi32>
    %eq3A_272 = arith.cmpi eq, %iota3A_265, %add3A_271 : vector<200x2xi32>
    %jit3A_273 = arith.constant 1.000000e+00 : f32
    %jit3A_274 = arith.constant 0.000000e+00 : f32
    %broadcast_in_dim3A_275 = vector.broadcast %jit3A_273 : f32 to vector<200x2xf32>
    %broadcast_in_dim3A_276 = vector.broadcast %jit3A_274 : f32 to vector<200x2xf32>
    %select_n3A_277 = arith.select %eq3A_272, %broadcast_in_dim3A_275, %broadcast_in_dim3A_276 : vector<200x2xi1>, vector<200x2xf32>
    %dot_general3A_278 = arith.constant dense<0.000000e+00> : vector<1024x2xf32>
    %dot_general3A_279 = tpu.matmul %get3A_18, %select_n3A_277, %dot_general3A_278 {dimension_numbers = #tpu.dot_dimension_numbers<[1], [0], [0], [1], [0, 0, 1, 1], [], []>, transpose_lhs_hint = false} : vector<1024x200xf32>, vector<200x2xf32>, vector<1024x2xf32> -> vector<1024x2xf32>
    %dot_general3A_280 = arith.constant dense<0.000000e+00> : vector<1024x128xf32>
    %dot_general3A_281 = tpu.matmul %dot_general3A_279, %get3A_4, %dot_general3A_280 {dimension_numbers = #tpu.dot_dimension_numbers<[1], [0], [0], [1], [0, 0, 1, 1], [], []>, transpose_lhs_hint = false} : vector<1024x2xf32>, vector<2x128xf32>, vector<1024x128xf32> -> vector<1024x128xf32>
    %mul3A_282 = arith.mulf %dot_general3A_281, %max3A_260 : vector<1024x128xf32>
    %add3A_283 = arith.addf %add3A_244, %mul3A_282 : vector<1024x128xf32>
    %get3A_284 = arith.constant 0 : index
    %get3A_285 = arith.constant 0 : index
    %get3A_286 = vector.load %arg9[%get3A_284, %get3A_285] : memref<1024x128xf32, #tpu.memory_space<vmem>>, vector<1024x128xf32>
    %get3A_287 = arith.constant 0 : index
    %get3A_288 = arith.constant 0 : index
    %get3A_289 = vector.load %arg18[%get3A_287, %get3A_288] : memref<128x128xf32, #tpu.memory_space<vmem>>, vector<128x128xf32>
    %dot_general3A_290 = arith.constant dense<0.000000e+00> : vector<1024x128xf32>
    %dot_general3A_291 = tpu.matmul %get3A_286, %get3A_289, %dot_general3A_290 {dimension_numbers = #tpu.dot_dimension_numbers<[1], [0], [0], [1], [0, 0, 1, 1], [], []>, transpose_lhs_hint = false} : vector<1024x128xf32>, vector<128x128xf32>, vector<1024x128xf32> -> vector<1024x128xf32>
    %get3A_292 = arith.constant 0 : index
    %get3A_293 = arith.constant 0 : index
    %get3A_294 = vector.load %arg19[%get3A_292, %get3A_293] : memref<1x128xf32, #tpu.memory_space<vmem>>, vector<1x128xf32>
    %add3A_295 = vector.broadcast %get3A_294 : vector<1x128xf32> to vector<1024x128xf32>
    %add3A_296 = arith.addf %dot_general3A_291, %add3A_295 : vector<1024x128xf32>
    %max3A_297 = arith.constant 0.000000e+00 : f32
    %max3A_298 = vector.broadcast %max3A_297 : f32 to vector<1024x128xf32>
    %max3A_299 = arith.maximumf %add3A_296, %max3A_298 : vector<1024x128xf32>
    %mul3A_300 = arith.constant 10 : i32
    %mul3A_301 = arith.muli %arg1, %mul3A_300 : i32
    %add3A_302 = arith.constant 7 : i32
    %add3A_303 = arith.addi %mul3A_301, %add3A_302 : i32
    %iota3A_304 = tpu.iota {dimensions = array<i32: 0>} : vector<200x2xi32>
    %iota3A_305 = tpu.iota {dimensions = array<i32: 1>} : vector<200x2xi32>
    %mul3A_306 = arith.constant 100 : i32
    %mul3A_307 = vector.broadcast %mul3A_306 : i32 to vector<200x2xi32>
    %mul3A_308 = arith.muli %iota3A_305, %mul3A_307 : vector<200x2xi32>
    %add3A_309 = vector.broadcast %add3A_303 : i32 to vector<200x2xi32>
    %add3A_310 = arith.addi %add3A_309, %mul3A_308 : vector<200x2xi32>
    %eq3A_311 = arith.cmpi eq, %iota3A_304, %add3A_310 : vector<200x2xi32>
    %jit3A_312 = arith.constant 1.000000e+00 : f32
    %jit3A_313 = arith.constant 0.000000e+00 : f32
    %broadcast_in_dim3A_314 = vector.broadcast %jit3A_312 : f32 to vector<200x2xf32>
    %broadcast_in_dim3A_315 = vector.broadcast %jit3A_313 : f32 to vector<200x2xf32>
    %select_n3A_316 = arith.select %eq3A_311, %broadcast_in_dim3A_314, %broadcast_in_dim3A_315 : vector<200x2xi1>, vector<200x2xf32>
    %dot_general3A_317 = arith.constant dense<0.000000e+00> : vector<1024x2xf32>
    %dot_general3A_318 = tpu.matmul %get3A_18, %select_n3A_316, %dot_general3A_317 {dimension_numbers = #tpu.dot_dimension_numbers<[1], [0], [0], [1], [0, 0, 1, 1], [], []>, transpose_lhs_hint = false} : vector<1024x200xf32>, vector<200x2xf32>, vector<1024x2xf32> -> vector<1024x2xf32>
    %dot_general3A_319 = arith.constant dense<0.000000e+00> : vector<1024x128xf32>
    %dot_general3A_320 = tpu.matmul %dot_general3A_318, %get3A_4, %dot_general3A_319 {dimension_numbers = #tpu.dot_dimension_numbers<[1], [0], [0], [1], [0, 0, 1, 1], [], []>, transpose_lhs_hint = false} : vector<1024x2xf32>, vector<2x128xf32>, vector<1024x128xf32> -> vector<1024x128xf32>
    %mul3A_321 = arith.mulf %dot_general3A_320, %max3A_299 : vector<1024x128xf32>
    %add3A_322 = arith.addf %add3A_283, %mul3A_321 : vector<1024x128xf32>
    %get3A_323 = arith.constant 0 : index
    %get3A_324 = arith.constant 0 : index
    %get3A_325 = vector.load %arg10[%get3A_323, %get3A_324] : memref<1024x128xf32, #tpu.memory_space<vmem>>, vector<1024x128xf32>
    %get3A_326 = arith.constant 0 : index
    %get3A_327 = arith.constant 0 : index
    %get3A_328 = vector.load %arg18[%get3A_326, %get3A_327] : memref<128x128xf32, #tpu.memory_space<vmem>>, vector<128x128xf32>
    %dot_general3A_329 = arith.constant dense<0.000000e+00> : vector<1024x128xf32>
    %dot_general3A_330 = tpu.matmul %get3A_325, %get3A_328, %dot_general3A_329 {dimension_numbers = #tpu.dot_dimension_numbers<[1], [0], [0], [1], [0, 0, 1, 1], [], []>, transpose_lhs_hint = false} : vector<1024x128xf32>, vector<128x128xf32>, vector<1024x128xf32> -> vector<1024x128xf32>
    %get3A_331 = arith.constant 0 : index
    %get3A_332 = arith.constant 0 : index
    %get3A_333 = vector.load %arg19[%get3A_331, %get3A_332] : memref<1x128xf32, #tpu.memory_space<vmem>>, vector<1x128xf32>
    %add3A_334 = vector.broadcast %get3A_333 : vector<1x128xf32> to vector<1024x128xf32>
    %add3A_335 = arith.addf %dot_general3A_330, %add3A_334 : vector<1024x128xf32>
    %max3A_336 = arith.constant 0.000000e+00 : f32
    %max3A_337 = vector.broadcast %max3A_336 : f32 to vector<1024x128xf32>
    %max3A_338 = arith.maximumf %add3A_335, %max3A_337 : vector<1024x128xf32>
    %mul3A_339 = arith.constant 10 : i32
    %mul3A_340 = arith.muli %arg1, %mul3A_339 : i32
    %add3A_341 = arith.constant 8 : i32
    %add3A_342 = arith.addi %mul3A_340, %add3A_341 : i32
    %iota3A_343 = tpu.iota {dimensions = array<i32: 0>} : vector<200x2xi32>
    %iota3A_344 = tpu.iota {dimensions = array<i32: 1>} : vector<200x2xi32>
    %mul3A_345 = arith.constant 100 : i32
    %mul3A_346 = vector.broadcast %mul3A_345 : i32 to vector<200x2xi32>
    %mul3A_347 = arith.muli %iota3A_344, %mul3A_346 : vector<200x2xi32>
    %add3A_348 = vector.broadcast %add3A_342 : i32 to vector<200x2xi32>
    %add3A_349 = arith.addi %add3A_348, %mul3A_347 : vector<200x2xi32>
    %eq3A_350 = arith.cmpi eq, %iota3A_343, %add3A_349 : vector<200x2xi32>
    %jit3A_351 = arith.constant 1.000000e+00 : f32
    %jit3A_352 = arith.constant 0.000000e+00 : f32
    %broadcast_in_dim3A_353 = vector.broadcast %jit3A_351 : f32 to vector<200x2xf32>
    %broadcast_in_dim3A_354 = vector.broadcast %jit3A_352 : f32 to vector<200x2xf32>
    %select_n3A_355 = arith.select %eq3A_350, %broadcast_in_dim3A_353, %broadcast_in_dim3A_354 : vector<200x2xi1>, vector<200x2xf32>
    %dot_general3A_356 = arith.constant dense<0.000000e+00> : vector<1024x2xf32>
    %dot_general3A_357 = tpu.matmul %get3A_18, %select_n3A_355, %dot_general3A_356 {dimension_numbers = #tpu.dot_dimension_numbers<[1], [0], [0], [1], [0, 0, 1, 1], [], []>, transpose_lhs_hint = false} : vector<1024x200xf32>, vector<200x2xf32>, vector<1024x2xf32> -> vector<1024x2xf32>
    %dot_general3A_358 = arith.constant dense<0.000000e+00> : vector<1024x128xf32>
    %dot_general3A_359 = tpu.matmul %dot_general3A_357, %get3A_4, %dot_general3A_358 {dimension_numbers = #tpu.dot_dimension_numbers<[1], [0], [0], [1], [0, 0, 1, 1], [], []>, transpose_lhs_hint = false} : vector<1024x2xf32>, vector<2x128xf32>, vector<1024x128xf32> -> vector<1024x128xf32>
    %mul3A_360 = arith.mulf %dot_general3A_359, %max3A_338 : vector<1024x128xf32>
    %add3A_361 = arith.addf %add3A_322, %mul3A_360 : vector<1024x128xf32>
    %get3A_362 = arith.constant 0 : index
    %get3A_363 = arith.constant 0 : index
    %get3A_364 = vector.load %arg11[%get3A_362, %get3A_363] : memref<1024x128xf32, #tpu.memory_space<vmem>>, vector<1024x128xf32>
    %get3A_365 = arith.constant 0 : index
    %get3A_366 = arith.constant 0 : index
    %get3A_367 = vector.load %arg18[%get3A_365, %get3A_366] : memref<128x128xf32, #tpu.memory_space<vmem>>, vector<128x128xf32>
    %dot_general3A_368 = arith.constant dense<0.000000e+00> : vector<1024x128xf32>
    %dot_general3A_369 = tpu.matmul %get3A_364, %get3A_367, %dot_general3A_368 {dimension_numbers = #tpu.dot_dimension_numbers<[1], [0], [0], [1], [0, 0, 1, 1], [], []>, transpose_lhs_hint = false} : vector<1024x128xf32>, vector<128x128xf32>, vector<1024x128xf32> -> vector<1024x128xf32>
    %get3A_370 = arith.constant 0 : index
    %get3A_371 = arith.constant 0 : index
    %get3A_372 = vector.load %arg19[%get3A_370, %get3A_371] : memref<1x128xf32, #tpu.memory_space<vmem>>, vector<1x128xf32>
    %add3A_373 = vector.broadcast %get3A_372 : vector<1x128xf32> to vector<1024x128xf32>
    %add3A_374 = arith.addf %dot_general3A_369, %add3A_373 : vector<1024x128xf32>
    %max3A_375 = arith.constant 0.000000e+00 : f32
    %max3A_376 = vector.broadcast %max3A_375 : f32 to vector<1024x128xf32>
    %max3A_377 = arith.maximumf %add3A_374, %max3A_376 : vector<1024x128xf32>
    %mul3A_378 = arith.constant 10 : i32
    %mul3A_379 = arith.muli %arg1, %mul3A_378 : i32
    %add3A_380 = arith.constant 9 : i32
    %add3A_381 = arith.addi %mul3A_379, %add3A_380 : i32
    %iota3A_382 = tpu.iota {dimensions = array<i32: 0>} : vector<200x2xi32>
    %iota3A_383 = tpu.iota {dimensions = array<i32: 1>} : vector<200x2xi32>
    %mul3A_384 = arith.constant 100 : i32
    %mul3A_385 = vector.broadcast %mul3A_384 : i32 to vector<200x2xi32>
    %mul3A_386 = arith.muli %iota3A_383, %mul3A_385 : vector<200x2xi32>
    %add3A_387 = vector.broadcast %add3A_381 : i32 to vector<200x2xi32>
    %add3A_388 = arith.addi %add3A_387, %mul3A_386 : vector<200x2xi32>
    %eq3A_389 = arith.cmpi eq, %iota3A_382, %add3A_388 : vector<200x2xi32>
    %jit3A_390 = arith.constant 1.000000e+00 : f32
    %jit3A_391 = arith.constant 0.000000e+00 : f32
    %broadcast_in_dim3A_392 = vector.broadcast %jit3A_390 : f32 to vector<200x2xf32>
    %broadcast_in_dim3A_393 = vector.broadcast %jit3A_391 : f32 to vector<200x2xf32>
    %select_n3A_394 = arith.select %eq3A_389, %broadcast_in_dim3A_392, %broadcast_in_dim3A_393 : vector<200x2xi1>, vector<200x2xf32>
    %dot_general3A_395 = arith.constant dense<0.000000e+00> : vector<1024x2xf32>
    %dot_general3A_396 = tpu.matmul %get3A_18, %select_n3A_394, %dot_general3A_395 {dimension_numbers = #tpu.dot_dimension_numbers<[1], [0], [0], [1], [0, 0, 1, 1], [], []>, transpose_lhs_hint = false} : vector<1024x200xf32>, vector<200x2xf32>, vector<1024x2xf32> -> vector<1024x2xf32>
    %dot_general3A_397 = arith.constant dense<0.000000e+00> : vector<1024x128xf32>
    %dot_general3A_398 = tpu.matmul %dot_general3A_396, %get3A_4, %dot_general3A_397 {dimension_numbers = #tpu.dot_dimension_numbers<[1], [0], [0], [1], [0, 0, 1, 1], [], []>, transpose_lhs_hint = false} : vector<1024x2xf32>, vector<2x128xf32>, vector<1024x128xf32> -> vector<1024x128xf32>
    %mul3A_399 = arith.mulf %dot_general3A_398, %max3A_377 : vector<1024x128xf32>
    %add3A_400 = arith.addf %add3A_361, %mul3A_399 : vector<1024x128xf32>
    %get3A_401 = arith.constant 0 : index
    %get3A_402 = arith.constant 0 : index
    %get3A_403 = vector.load %arg22[%get3A_401, %get3A_402] : memref<128x128xf32, #tpu.memory_space<vmem>>, vector<128x128xf32>
    %dot_general3A_404 = arith.constant dense<0.000000e+00> : vector<1024x128xf32>
    %dot_general3A_405 = tpu.matmul %add3A_15, %get3A_403, %dot_general3A_404 {dimension_numbers = #tpu.dot_dimension_numbers<[1], [0], [0], [1], [0, 0, 1, 1], [], []>, transpose_lhs_hint = false} : vector<1024x128xf32>, vector<128x128xf32>, vector<1024x128xf32> -> vector<1024x128xf32>
    %get3A_406 = arith.constant 0 : index
    %get3A_407 = arith.constant 0 : index
    %get3A_408 = vector.load %arg23[%get3A_406, %get3A_407] : memref<128x128xf32, #tpu.memory_space<vmem>>, vector<128x128xf32>
    %dot_general3A_409 = arith.constant dense<0.000000e+00> : vector<1024x128xf32>
    %dot_general3A_410 = tpu.matmul %add3A_400, %get3A_408, %dot_general3A_409 {dimension_numbers = #tpu.dot_dimension_numbers<[1], [0], [0], [1], [0, 0, 1, 1], [], []>, transpose_lhs_hint = false} : vector<1024x128xf32>, vector<128x128xf32>, vector<1024x128xf32> -> vector<1024x128xf32>
    %add3A_411 = arith.addf %dot_general3A_405, %dot_general3A_410 : vector<1024x128xf32>
    %get3A_412 = arith.constant 0 : index
    %get3A_413 = arith.constant 0 : index
    %get3A_414 = vector.load %arg24[%get3A_412, %get3A_413] : memref<1x128xf32, #tpu.memory_space<vmem>>, vector<1x128xf32>
    %add3A_415 = vector.broadcast %get3A_414 : vector<1x128xf32> to vector<1024x128xf32>
    %add3A_416 = arith.addf %add3A_411, %add3A_415 : vector<1024x128xf32>
    %max3A_417 = arith.constant 0.000000e+00 : f32
    %max3A_418 = vector.broadcast %max3A_417 : f32 to vector<1024x128xf32>
    %max3A_419 = arith.maximumf %add3A_416, %max3A_418 : vector<1024x128xf32>
    %mul3A_420 = arith.mulf %max3A_419, %max3A_419 : vector<1024x128xf32>
    %dot_general3A_421 = arith.constant dense<0.000000e+00> : vector<1024x128xf32>
    %dot_general3A_422 = tpu.matmul %mul3A_420, %get3A_1, %dot_general3A_421 {dimension_numbers = #tpu.dot_dimension_numbers<[1], [0], [0], [1], [0, 0, 1, 1], [], []>, transpose_lhs_hint = false} : vector<1024x128xf32>, vector<128x128xf32>, vector<1024x128xf32> -> vector<1024x128xf32>
    %sqrt3A = math.sqrt %dot_general3A_422 : vector<1024x128xf32>
    %eq3A_423 = arith.constant 0.000000e+00 : f32
    %eq3A_424 = vector.broadcast %eq3A_423 : f32 to vector<1024x128xf32>
    %eq3A_425 = arith.cmpf oeq, %sqrt3A, %eq3A_424 : vector<1024x128xf32>
    %jit3A_426 = arith.constant 1.000000e+00 : f32
    %broadcast_in_dim3A_427 = vector.broadcast %jit3A_426 : f32 to vector<1024x128xf32>
    %select_n3A_428 = arith.select %eq3A_425, %broadcast_in_dim3A_427, %sqrt3A : vector<1024x128xi1>, vector<1024x128xf32>
    %div3A = arith.divf %max3A_419, %select_n3A_428 : vector<1024x128xf32>
    %get3A_429 = arith.constant 0 : index
    %get3A_430 = arith.constant 0 : index
    %get3A_431 = vector.load %arg15[%get3A_429, %get3A_430] : memref<1024x20xf32, #tpu.memory_space<vmem>>, vector<1024x20xf32>
    %iota3A_432 = tpu.iota {dimensions = array<i32: 0>} : vector<20x2xi32>
    %iota3A_433 = tpu.iota {dimensions = array<i32: 1>} : vector<20x2xi32>
    %mul3A_434 = arith.constant 10 : i32
    %mul3A_435 = vector.broadcast %mul3A_434 : i32 to vector<20x2xi32>
    %mul3A_436 = arith.muli %iota3A_433, %mul3A_435 : vector<20x2xi32>
    %add3A_437 = vector.broadcast %arg1 : i32 to vector<20x2xi32>
    %add3A_438 = arith.addi %add3A_437, %mul3A_436 : vector<20x2xi32>
    %eq3A_439 = arith.cmpi eq, %iota3A_432, %add3A_438 : vector<20x2xi32>
    %jit3A_440 = arith.constant 1.000000e+00 : f32
    %jit3A_441 = arith.constant 0.000000e+00 : f32
    %broadcast_in_dim3A_442 = vector.broadcast %jit3A_440 : f32 to vector<20x2xf32>
    %broadcast_in_dim3A_443 = vector.broadcast %jit3A_441 : f32 to vector<20x2xf32>
    %select_n3A_444 = arith.select %eq3A_439, %broadcast_in_dim3A_442, %broadcast_in_dim3A_443 : vector<20x2xi1>, vector<20x2xf32>
    %dot_general3A_445 = arith.constant dense<0.000000e+00> : vector<1024x2xf32>
    %dot_general3A_446 = tpu.matmul %get3A_431, %select_n3A_444, %dot_general3A_445 {dimension_numbers = #tpu.dot_dimension_numbers<[1], [0], [0], [1], [0, 0, 1, 1], [], []>, transpose_lhs_hint = false} : vector<1024x20xf32>, vector<20x2xf32>, vector<1024x2xf32> -> vector<1024x2xf32>
    %dot_general3A_447 = arith.constant dense<0.000000e+00> : vector<1024x128xf32>
    %dot_general3A_448 = tpu.matmul %dot_general3A_446, %get3A_4, %dot_general3A_447 {dimension_numbers = #tpu.dot_dimension_numbers<[1], [0], [0], [1], [0, 0, 1, 1], [], []>, transpose_lhs_hint = false} : vector<1024x2xf32>, vector<2x128xf32>, vector<1024x128xf32> -> vector<1024x128xf32>
    %get3A_449 = arith.constant 0 : index
    %get3A_450 = arith.constant 0 : index
    %get3A_451 = vector.load %arg20[%get3A_449, %get3A_450] : memref<128x128xf32, #tpu.memory_space<vmem>>, vector<128x128xf32>
    %dot_general3A_452 = arith.constant dense<0.000000e+00> : vector<1024x128xf32>
    %dot_general3A_453 = tpu.matmul %add3A_15, %get3A_451, %dot_general3A_452 {dimension_numbers = #tpu.dot_dimension_numbers<[1], [0], [0], [1], [0, 0, 1, 1], [], []>, transpose_lhs_hint = false} : vector<1024x128xf32>, vector<128x128xf32>, vector<1024x128xf32> -> vector<1024x128xf32>
    %get3A_454 = arith.constant 0 : index
    %get3A_455 = arith.constant 0 : index
    %get3A_456 = vector.load %arg21[%get3A_454, %get3A_455] : memref<1x128xf32, #tpu.memory_space<vmem>>, vector<1x128xf32>
    %add3A_457 = vector.broadcast %get3A_456 : vector<1x128xf32> to vector<1024x128xf32>
    %add3A_458 = arith.addf %dot_general3A_453, %add3A_457 : vector<1024x128xf32>
    %max3A_459 = arith.constant 0.000000e+00 : f32
    %max3A_460 = vector.broadcast %max3A_459 : f32 to vector<1024x128xf32>
    %max3A_461 = arith.maximumf %add3A_458, %max3A_460 : vector<1024x128xf32>
    %mul3A_462 = arith.mulf %dot_general3A_448, %max3A_461 : vector<1024x128xf32>
    %get3A_463 = arith.constant 0 : index
    %get3A_464 = arith.constant 0 : index
    %get3A_465 = vector.load %arg25[%get3A_463, %get3A_464] : memref<128x128xf32, #tpu.memory_space<vmem>>, vector<128x128xf32>
    %dot_general3A_466 = arith.constant dense<0.000000e+00> : vector<1024x128xf32>
    %dot_general3A_467 = tpu.matmul %div3A, %get3A_465, %dot_general3A_466 {dimension_numbers = #tpu.dot_dimension_numbers<[1], [0], [0], [1], [0, 0, 1, 1], [], []>, transpose_lhs_hint = false} : vector<1024x128xf32>, vector<128x128xf32>, vector<1024x128xf32> -> vector<1024x128xf32>
    %get3A_468 = arith.constant 0 : index
    %get3A_469 = arith.constant 0 : index
    %get3A_470 = vector.load %arg26[%get3A_468, %get3A_469] : memref<1x128xf32, #tpu.memory_space<vmem>>, vector<1x128xf32>
    %add3A_471 = vector.broadcast %get3A_470 : vector<1x128xf32> to vector<1024x128xf32>
    %add3A_472 = arith.addf %dot_general3A_467, %add3A_471 : vector<1024x128xf32>
    %max3A_473 = arith.constant 0.000000e+00 : f32
    %max3A_474 = vector.broadcast %max3A_473 : f32 to vector<1024x128xf32>
    %max3A_475 = arith.maximumf %add3A_472, %max3A_474 : vector<1024x128xf32>
    %mul3A_476 = arith.mulf %dot_general3A_448, %max3A_475 : vector<1024x128xf32>
    %eq3A_477 = arith.constant 0 : i32
    %eq3A_478 = arith.cmpi eq, %arg1, %eq3A_477 : i32
    %convert_element_type3A = arith.extui %eq3A_478 : i1 to i32
    %cond3A = arith.constant 0 : i32
    %cond3A_479 = arith.cmpi ne, %convert_element_type3A, %cond3A : i32
    scf.if %cond3A_479 {
      %swap3A = arith.constant 0 : index
      %swap3A_489 = arith.constant 0 : index
      %swap3A_490 = vector.load %arg36[%swap3A, %swap3A_489] : memref<1024x128xf32, #tpu.memory_space<vmem>>, vector<1024x128xf32>
      tpu.vector_store %arg36[%swap3A, %swap3A_489], %mul3A_462 {strides = array<i32>} : memref<1024x128xf32, #tpu.memory_space<vmem>>, vector<1024x128xf32>,
      %swap3A_491 = arith.constant 0 : index
      %swap3A_492 = arith.constant 0 : index
      %swap3A_493 = vector.load %arg37[%swap3A_491, %swap3A_492] : memref<1024x128xf32, #tpu.memory_space<vmem>>, vector<1024x128xf32>
      tpu.vector_store %arg37[%swap3A_491, %swap3A_492], %mul3A_476 {strides = array<i32>} : memref<1024x128xf32, #tpu.memory_space<vmem>>, vector<1024x128xf32>,
    } else {
    }
    %ne3A = arith.constant 0 : i32
    %ne3A_480 = arith.cmpi ne, %arg1, %ne3A : i32
    %convert_element_type3A_481 = arith.extui %ne3A_480 : i1 to i32
    %cond3A_482 = arith.constant 0 : i32
    %cond3A_483 = arith.cmpi ne, %convert_element_type3A_481, %cond3A_482 : i32
    scf.if %cond3A_483 {
      %get3A_489 = arith.constant 0 : index
      %get3A_490 = arith.constant 0 : index
      %get3A_491 = vector.load %arg36[%get3A_489, %get3A_490] : memref<1024x128xf32, #tpu.memory_space<vmem>>, vector<1024x128xf32>
      %add3A_492 = arith.addf %get3A_491, %mul3A_462 : vector<1024x128xf32>
      %swap3A = arith.constant 0 : index
      %swap3A_493 = arith.constant 0 : index
      %swap3A_494 = vector.load %arg36[%swap3A, %swap3A_493] : memref<1024x128xf32, #tpu.memory_space<vmem>>, vector<1024x128xf32>
      tpu.vector_store %arg36[%swap3A, %swap3A_493], %add3A_492 {strides = array<i32>} : memref<1024x128xf32, #tpu.memory_space<vmem>>, vector<1024x128xf32>,
      %get3A_495 = arith.constant 0 : index
      %get3A_496 = arith.constant 0 : index
      %get3A_497 = vector.load %arg37[%get3A_495, %get3A_496] : memref<1024x128xf32, #tpu.memory_space<vmem>>, vector<1024x128xf32>
      %add3A_498 = arith.addf %get3A_497, %mul3A_476 : vector<1024x128xf32>
      %swap3A_499 = arith.constant 0 : index
      %swap3A_500 = arith.constant 0 : index
      %swap3A_501 = vector.load %arg37[%swap3A_499, %swap3A_500] : memref<1024x128xf32, #tpu.memory_space<vmem>>, vector<1024x128xf32>
      tpu.vector_store %arg37[%swap3A_499, %swap3A_500], %add3A_498 {strides = array<i32>} : memref<1024x128xf32, #tpu.memory_space<vmem>>, vector<1024x128xf32>,
    } else {
    }
    %eq3A_484 = arith.constant 9 : i32
    %eq3A_485 = arith.cmpi eq, %arg1, %eq3A_484 : i32
    %convert_element_type3A_486 = arith.extui %eq3A_485 : i1 to i32
    %cond3A_487 = arith.constant 0 : i32
    %cond3A_488 = arith.cmpi ne, %convert_element_type3A_486, %cond3A_487 : i32
    scf.if %cond3A_488 {
      %get3A_489 = arith.constant 0 : index
      %get3A_490 = arith.constant 0 : index
      %get3A_491 = vector.load %arg13[%get3A_489, %get3A_490] : memref<1024x128xf32, #tpu.memory_space<vmem>>, vector<1024x128xf32>
      %get3A_492 = arith.constant 0 : index
      %get3A_493 = arith.constant 0 : index
      %get3A_494 = vector.load %arg16[%get3A_492, %get3A_493] : memref<128x128xf32, #tpu.memory_space<vmem>>, vector<128x128xf32>
      %dot_general3A_495 = arith.constant dense<0.000000e+00> : vector<1024x128xf32>
      %dot_general3A_496 = tpu.matmul %get3A_491, %get3A_494, %dot_general3A_495 {dimension_numbers = #tpu.dot_dimension_numbers<[1], [0], [0], [1], [0, 0, 1, 1], [], []>, transpose_lhs_hint = false} : vector<1024x128xf32>, vector<128x128xf32>, vector<1024x128xf32> -> vector<1024x128xf32>
      %get3A_497 = arith.constant 0 : index
      %get3A_498 = arith.constant 0 : index
      %get3A_499 = vector.load %arg17[%get3A_497, %get3A_498] : memref<1x128xf32, #tpu.memory_space<vmem>>, vector<1x128xf32>
      %add3A_500 = vector.broadcast %get3A_499 : vector<1x128xf32> to vector<1024x128xf32>
      %add3A_501 = arith.addf %dot_general3A_496, %add3A_500 : vector<1024x128xf32>
      %get3A_502 = arith.constant 0 : index
      %get3A_503 = arith.constant 0 : index
      %get3A_504 = vector.load %arg22[%get3A_502, %get3A_503] : memref<128x128xf32, #tpu.memory_space<vmem>>, vector<128x128xf32>
      %dot_general3A_505 = arith.constant dense<0.000000e+00> : vector<1024x128xf32>
      %dot_general3A_506 = tpu.matmul %add3A_501, %get3A_504, %dot_general3A_505 {dimension_numbers = #tpu.dot_dimension_numbers<[1], [0], [0], [1], [0, 0, 1, 1], [], []>, transpose_lhs_hint = false} : vector<1024x128xf32>, vector<128x128xf32>, vector<1024x128xf32> -> vector<1024x128xf32>
      %get3A_507 = arith.constant 0 : index
      %get3A_508 = arith.constant 0 : index
      %get3A_509 = vector.load %arg36[%get3A_507, %get3A_508] : memref<1024x128xf32, #tpu.memory_space<vmem>>, vector<1024x128xf32>
      %get3A_510 = arith.constant 0 : index
      %get3A_511 = arith.constant 0 : index
      %get3A_512 = vector.load %arg23[%get3A_510, %get3A_511] : memref<128x128xf32, #tpu.memory_space<vmem>>, vector<128x128xf32>
      %dot_general3A_513 = arith.constant dense<0.000000e+00> : vector<1024x128xf32>
      %dot_general3A_514 = tpu.matmul %get3A_509, %get3A_512, %dot_general3A_513 {dimension_numbers = #tpu.dot_dimension_numbers<[1], [0], [0], [1], [0, 0, 1, 1], [], []>, transpose_lhs_hint = false} : vector<1024x128xf32>, vector<128x128xf32>, vector<1024x128xf32> -> vector<1024x128xf32>
      %add3A_515 = arith.addf %dot_general3A_506, %dot_general3A_514 : vector<1024x128xf32>
      %get3A_516 = arith.constant 0 : index
      %get3A_517 = arith.constant 0 : index
      %get3A_518 = vector.load %arg24[%get3A_516, %get3A_517] : memref<1x128xf32, #tpu.memory_space<vmem>>, vector<1x128xf32>
      %add3A_519 = vector.broadcast %get3A_518 : vector<1x128xf32> to vector<1024x128xf32>
      %add3A_520 = arith.addf %add3A_515, %add3A_519 : vector<1024x128xf32>
      %max3A_521 = arith.constant 0.000000e+00 : f32
      %max3A_522 = vector.broadcast %max3A_521 : f32 to vector<1024x128xf32>
      %max3A_523 = arith.maximumf %add3A_520, %max3A_522 : vector<1024x128xf32>
      %mul3A_524 = arith.mulf %max3A_523, %max3A_523 : vector<1024x128xf32>
      %dot_general3A_525 = arith.constant dense<0.000000e+00> : vector<1024x128xf32>
      %dot_general3A_526 = tpu.matmul %mul3A_524, %get3A_1, %dot_general3A_525 {dimension_numbers = #tpu.dot_dimension_numbers<[1], [0], [0], [1], [0, 0, 1, 1], [], []>, transpose_lhs_hint = false} : vector<1024x128xf32>, vector<128x128xf32>, vector<1024x128xf32> -> vector<1024x128xf32>
      %sqrt3A_527 = math.sqrt %dot_general3A_526 : vector<1024x128xf32>
      %eq3A_528 = arith.constant 0.000000e+00 : f32
      %eq3A_529 = vector.broadcast %eq3A_528 : f32 to vector<1024x128xf32>
      %eq3A_530 = arith.cmpf oeq, %sqrt3A_527, %eq3A_529 : vector<1024x128xf32>
      %jit3A_531 = arith.constant 1.000000e+00 : f32
      %broadcast_in_dim3A_532 = vector.broadcast %jit3A_531 : f32 to vector<1024x128xf32>
      %select_n3A_533 = arith.select %eq3A_530, %broadcast_in_dim3A_532, %sqrt3A_527 : vector<1024x128xi1>, vector<1024x128xf32>
      %div3A_534 = arith.divf %max3A_523, %select_n3A_533 : vector<1024x128xf32>
      %get3A_535 = arith.constant 0 : index
      %get3A_536 = arith.constant 0 : index
      %get3A_537 = vector.load %arg27[%get3A_535, %get3A_536] : memref<128x128xf32, #tpu.memory_space<vmem>>, vector<128x128xf32>
      %dot_general3A_538 = arith.constant dense<0.000000e+00> : vector<1024x128xf32>
      %dot_general3A_539 = tpu.matmul %div3A_534, %get3A_537, %dot_general3A_538 {dimension_numbers = #tpu.dot_dimension_numbers<[1], [0], [0], [1], [0, 0, 1, 1], [], []>, transpose_lhs_hint = false} : vector<1024x128xf32>, vector<128x128xf32>, vector<1024x128xf32> -> vector<1024x128xf32>
      %get3A_540 = arith.constant 0 : index
      %get3A_541 = arith.constant 0 : index
      %get3A_542 = vector.load %arg37[%get3A_540, %get3A_541] : memref<1024x128xf32, #tpu.memory_space<vmem>>, vector<1024x128xf32>
      %get3A_543 = arith.constant 0 : index
      %get3A_544 = arith.constant 0 : index
      %get3A_545 = vector.load %arg28[%get3A_543, %get3A_544] : memref<128x128xf32, #tpu.memory_space<vmem>>, vector<128x128xf32>
      %dot_general3A_546 = arith.constant dense<0.000000e+00> : vector<1024x128xf32>
      %dot_general3A_547 = tpu.matmul %get3A_542, %get3A_545, %dot_general3A_546 {dimension_numbers = #tpu.dot_dimension_numbers<[1], [0], [0], [1], [0, 0, 1, 1], [], []>, transpose_lhs_hint = false} : vector<1024x128xf32>, vector<128x128xf32>, vector<1024x128xf32> -> vector<1024x128xf32>
      %add3A_548 = arith.addf %dot_general3A_539, %dot_general3A_547 : vector<1024x128xf32>
      %get3A_549 = arith.constant 0 : index
      %get3A_550 = arith.constant 0 : index
      %get3A_551 = vector.load %arg29[%get3A_549, %get3A_550] : memref<1x128xf32, #tpu.memory_space<vmem>>, vector<1x128xf32>
      %add3A_552 = vector.broadcast %get3A_551 : vector<1x128xf32> to vector<1024x128xf32>
      %add3A_553 = arith.addf %add3A_548, %add3A_552 : vector<1024x128xf32>
      %max3A_554 = arith.constant 0.000000e+00 : f32
      %max3A_555 = vector.broadcast %max3A_554 : f32 to vector<1024x128xf32>
      %max3A_556 = arith.maximumf %add3A_553, %max3A_555 : vector<1024x128xf32>
      %mul3A_557 = arith.mulf %max3A_556, %max3A_556 : vector<1024x128xf32>
      %dot_general3A_558 = arith.constant dense<0.000000e+00> : vector<1024x128xf32>
      %dot_general3A_559 = tpu.matmul %mul3A_557, %get3A_1, %dot_general3A_558 {dimension_numbers = #tpu.dot_dimension_numbers<[1], [0], [0], [1], [0, 0, 1, 1], [], []>, transpose_lhs_hint = false} : vector<1024x128xf32>, vector<128x128xf32>, vector<1024x128xf32> -> vector<1024x128xf32>
      %sqrt3A_560 = math.sqrt %dot_general3A_559 : vector<1024x128xf32>
      %eq3A_561 = arith.constant 0.000000e+00 : f32
      %eq3A_562 = vector.broadcast %eq3A_561 : f32 to vector<1024x128xf32>
      %eq3A_563 = arith.cmpf oeq, %sqrt3A_560, %eq3A_562 : vector<1024x128xf32>
      %jit3A_564 = arith.constant 1.000000e+00 : f32
      %broadcast_in_dim3A_565 = vector.broadcast %jit3A_564 : f32 to vector<1024x128xf32>
      %select_n3A_566 = arith.select %eq3A_563, %broadcast_in_dim3A_565, %sqrt3A_560 : vector<1024x128xi1>, vector<1024x128xf32>
      %div3A_567 = arith.divf %max3A_556, %select_n3A_566 : vector<1024x128xf32>
      %get3A_568 = arith.constant 0 : index
      %get3A_569 = arith.constant 0 : index
      %get3A_570 = vector.load %arg30[%get3A_568, %get3A_569] : memref<128x128xf32, #tpu.memory_space<vmem>>, vector<128x128xf32>
      %dot_general3A_571 = arith.constant dense<0.000000e+00> : vector<1024x128xf32>
      %dot_general3A_572 = tpu.matmul %div3A_567, %get3A_570, %dot_general3A_571 {dimension_numbers = #tpu.dot_dimension_numbers<[1], [0], [0], [1], [0, 0, 1, 1], [], []>, transpose_lhs_hint = false} : vector<1024x128xf32>, vector<128x128xf32>, vector<1024x128xf32> -> vector<1024x128xf32>
      %get3A_573 = arith.constant 0 : index
      %get3A_574 = arith.constant 0 : index
      %get3A_575 = vector.load %arg31[%get3A_573, %get3A_574] : memref<1x128xf32, #tpu.memory_space<vmem>>, vector<1x128xf32>
      %add3A_576 = vector.broadcast %get3A_575 : vector<1x128xf32> to vector<1024x128xf32>
      %add3A_577 = arith.addf %dot_general3A_572, %add3A_576 : vector<1024x128xf32>
      %max3A_578 = arith.constant 0.000000e+00 : f32
      %max3A_579 = vector.broadcast %max3A_578 : f32 to vector<1024x128xf32>
      %max3A_580 = arith.maximumf %add3A_577, %max3A_579 : vector<1024x128xf32>
      %get3A_581 = arith.constant 0 : index
      %get3A_582 = arith.constant 0 : index
      %get3A_583 = vector.load %arg32[%get3A_581, %get3A_582] : memref<128x128xf32, #tpu.memory_space<vmem>>, vector<128x128xf32>
      %dot_general3A_584 = arith.constant dense<0.000000e+00> : vector<1024x128xf32>
      %dot_general3A_585 = tpu.matmul %max3A_580, %get3A_583, %dot_general3A_584 {dimension_numbers = #tpu.dot_dimension_numbers<[1], [0], [0], [1], [0, 0, 1, 1], [], []>, transpose_lhs_hint = false} : vector<1024x128xf32>, vector<128x128xf32>, vector<1024x128xf32> -> vector<1024x128xf32>
      %swap3A = arith.constant 0 : index
      %swap3A_586 = arith.constant 0 : index
      %swap3A_587 = vector.load %arg35[%swap3A, %swap3A_586] : memref<1024x128xf32, #tpu.memory_space<vmem>>, vector<1024x128xf32>
      tpu.vector_store %arg35[%swap3A, %swap3A_586], %dot_general3A_585 {strides = array<i32>} : memref<1024x128xf32, #tpu.memory_space<vmem>>, vector<1024x128xf32>,
    } else {
    }
    return
  }
  func.func @transform_0(%arg0: i32, %arg1: i32) -> (i32, i32) {
    %mul3A = arith.constant 2 : i32
    %mul3A_0 = arith.muli %arg1, %mul3A : i32
    %add3A = arith.constant 0 : i32
    %add3A_1 = arith.addi %add3A, %mul3A_0 : i32
    %add3A_2 = arith.addi %add3A_1, %arg0 : i32
    %c0_i32 = arith.constant 0 : i32
    %c0_i32_3 = arith.constant 0 : i32
    return %add3A_2, %c0_i32 : i32, i32
  }
  func.func @transform_1(%arg0: i32, %arg1: i32) -> (i32, i32) {
    %mul3A = arith.constant 2 : i32
    %mul3A_0 = arith.muli %arg1, %mul3A : i32
    %add3A = arith.constant 20 : i32
    %add3A_1 = arith.addi %add3A, %mul3A_0 : i32
    %add3A_2 = arith.addi %add3A_1, %arg0 : i32
    %c0_i32 = arith.constant 0 : i32
    %c0_i32_3 = arith.constant 0 : i32
    return %add3A_2, %c0_i32 : i32, i32
  }
  func.func @transform_2(%arg0: i32, %arg1: i32) -> (i32, i32) {
    %mul3A = arith.constant 2 : i32
    %mul3A_0 = arith.muli %arg1, %mul3A : i32
    %add3A = arith.constant 40 : i32
    %add3A_1 = arith.addi %add3A, %mul3A_0 : i32
    %add3A_2 = arith.addi %add3A_1, %arg0 : i32
    %c0_i32 = arith.constant 0 : i32
    %c0_i32_3 = arith.constant 0 : i32
    return %add3A_2, %c0_i32 : i32, i32
  }
  func.func @transform_3(%arg0: i32, %arg1: i32) -> (i32, i32) {
    %mul3A = arith.constant 2 : i32
    %mul3A_0 = arith.muli %arg1, %mul3A : i32
    %add3A = arith.constant 60 : i32
    %add3A_1 = arith.addi %add3A, %mul3A_0 : i32
    %add3A_2 = arith.addi %add3A_1, %arg0 : i32
    %c0_i32 = arith.constant 0 : i32
    %c0_i32_3 = arith.constant 0 : i32
    return %add3A_2, %c0_i32 : i32, i32
  }
  func.func @transform_4(%arg0: i32, %arg1: i32) -> (i32, i32) {
    %mul3A = arith.constant 2 : i32
    %mul3A_0 = arith.muli %arg1, %mul3A : i32
    %add3A = arith.constant 80 : i32
    %add3A_1 = arith.addi %add3A, %mul3A_0 : i32
    %add3A_2 = arith.addi %add3A_1, %arg0 : i32
    %c0_i32 = arith.constant 0 : i32
    %c0_i32_3 = arith.constant 0 : i32
    return %add3A_2, %c0_i32 : i32, i32
  }
  func.func @transform_5(%arg0: i32, %arg1: i32) -> (i32, i32) {
    %mul3A = arith.constant 2 : i32
    %mul3A_0 = arith.muli %arg1, %mul3A : i32
    %add3A = arith.constant 100 : i32
    %add3A_1 = arith.addi %add3A, %mul3A_0 : i32
    %add3A_2 = arith.addi %add3A_1, %arg0 : i32
    %c0_i32 = arith.constant 0 : i32
    %c0_i32_3 = arith.constant 0 : i32
    return %add3A_2, %c0_i32 : i32, i32
  }
  func.func @transform_6(%arg0: i32, %arg1: i32) -> (i32, i32) {
    %mul3A = arith.constant 2 : i32
    %mul3A_0 = arith.muli %arg1, %mul3A : i32
    %add3A = arith.constant 120 : i32
    %add3A_1 = arith.addi %add3A, %mul3A_0 : i32
    %add3A_2 = arith.addi %add3A_1, %arg0 : i32
    %c0_i32 = arith.constant 0 : i32
    %c0_i32_3 = arith.constant 0 : i32
    return %add3A_2, %c0_i32 : i32, i32
  }
  func.func @transform_7(%arg0: i32, %arg1: i32) -> (i32, i32) {
    %mul3A = arith.constant 2 : i32
    %mul3A_0 = arith.muli %arg1, %mul3A : i32
    %add3A = arith.constant 140 : i32
    %add3A_1 = arith.addi %add3A, %mul3A_0 : i32
    %add3A_2 = arith.addi %add3A_1, %arg0 : i32
    %c0_i32 = arith.constant 0 : i32
    %c0_i32_3 = arith.constant 0 : i32
    return %add3A_2, %c0_i32 : i32, i32
  }
  func.func @transform_8(%arg0: i32, %arg1: i32) -> (i32, i32) {
    %mul3A = arith.constant 2 : i32
    %mul3A_0 = arith.muli %arg1, %mul3A : i32
    %add3A = arith.constant 160 : i32
    %add3A_1 = arith.addi %add3A, %mul3A_0 : i32
    %add3A_2 = arith.addi %add3A_1, %arg0 : i32
    %c0_i32 = arith.constant 0 : i32
    %c0_i32_3 = arith.constant 0 : i32
    return %add3A_2, %c0_i32 : i32, i32
  }
  func.func @transform_9(%arg0: i32, %arg1: i32) -> (i32, i32) {
    %mul3A = arith.constant 2 : i32
    %mul3A_0 = arith.muli %arg1, %mul3A : i32
    %add3A = arith.constant 180 : i32
    %add3A_1 = arith.addi %add3A, %mul3A_0 : i32
    %add3A_2 = arith.addi %add3A_1, %arg0 : i32
    %c0_i32 = arith.constant 0 : i32
    %c0_i32_3 = arith.constant 0 : i32
    return %add3A_2, %c0_i32 : i32, i32
  }
  func.func @transform_10(%arg0: i32, %arg1: i32) -> (i32, i32) {
    %mul3A = arith.constant 2 : i32
    %mul3A_0 = arith.muli %arg1, %mul3A : i32
    %add3A = arith.constant 200 : i32
    %add3A_1 = arith.addi %add3A, %mul3A_0 : i32
    %add3A_2 = arith.addi %add3A_1, %arg0 : i32
    %c0_i32 = arith.constant 0 : i32
    %c0_i32_3 = arith.constant 0 : i32
    return %add3A_2, %c0_i32 : i32, i32
  }
  func.func @transform_11(%arg0: i32, %arg1: i32) -> (i32, i32) {
    %add3A = arith.constant 220 : i32
    %add3A_0 = arith.addi %add3A, %arg0 : i32
    %c0_i32 = arith.constant 0 : i32
    %c0_i32_1 = arith.constant 0 : i32
    return %add3A_0, %c0_i32 : i32, i32
  }
  func.func @transform_12(%arg0: i32, %arg1: i32) -> (i32, i32) {
    %c0_i32 = arith.constant 0 : i32
    %c0_i32_0 = arith.constant 0 : i32
    return %arg0, %c0_i32 : i32, i32
  }
  func.func @transform_13(%arg0: i32, %arg1: i32) -> (i32, i32) {
    %c0_i32 = arith.constant 0 : i32
    %c0_i32_0 = arith.constant 0 : i32
    return %arg0, %c0_i32 : i32, i32
  }
  func.func @transform_14(%arg0: i32, %arg1: i32) -> (i32, i32) {
    %c0_i32 = arith.constant 0 : i32
    %c0_i32_0 = arith.constant 0 : i32
    %c0_i32_1 = arith.constant 0 : i32
    return %c0_i32, %c0_i32_0 : i32, i32
  }
  func.func @transform_15(%arg0: i32, %arg1: i32) -> (i32, i32) {
    %c0_i32 = arith.constant 0 : i32
    %c0_i32_0 = arith.constant 0 : i32
    %c0_i32_1 = arith.constant 0 : i32
    return %c0_i32, %c0_i32_0 : i32, i32
  }
  func.func @transform_16(%arg0: i32, %arg1: i32) -> (i32, i32) {
    %c0_i32 = arith.constant 0 : i32
    %c0_i32_0 = arith.constant 0 : i32
    %c0_i32_1 = arith.constant 0 : i32
    return %c0_i32, %c0_i32_0 : i32, i32
  }
  func.func @transform_17(%arg0: i32, %arg1: i32) -> (i32, i32) {
    %c0_i32 = arith.constant 0 : i32
    %c0_i32_0 = arith.constant 0 : i32
    %c0_i32_1 = arith.constant 0 : i32
    return %c0_i32, %c0_i32_0 : i32, i32
  }
  func.func @transform_18(%arg0: i32, %arg1: i32) -> (i32, i32) {
    %c0_i32 = arith.constant 0 : i32
    %c0_i32_0 = arith.constant 0 : i32
    %c0_i32_1 = arith.constant 0 : i32
    return %c0_i32, %c0_i32_0 : i32, i32
  }
  func.func @transform_19(%arg0: i32, %arg1: i32) -> (i32, i32) {
    %c0_i32 = arith.constant 0 : i32
    %c0_i32_0 = arith.constant 0 : i32
    %c0_i32_1 = arith.constant 0 : i32
    return %c0_i32, %c0_i32_0 : i32, i32
  }
  func.func @transform_20(%arg0: i32, %arg1: i32) -> (i32, i32) {
    %c0_i32 = arith.constant 0 : i32
    %c0_i32_0 = arith.constant 0 : i32
    %c0_i32_1 = arith.constant 0 : i32
    return %c0_i32, %c0_i32_0 : i32, i32
  }
  func.func @transform_21(%arg0: i32, %arg1: i32) -> (i32, i32) {
    %c0_i32 = arith.constant 0 : i32
    %c0_i32_0 = arith.constant 0 : i32
    %c0_i32_1 = arith.constant 0 : i32
    return %c0_i32, %c0_i32_0 : i32, i32
  }
  func.func @transform_22(%arg0: i32, %arg1: i32) -> (i32, i32) {
    %c0_i32 = arith.constant 0 : i32
    %c0_i32_0 = arith.constant 0 : i32
    %c0_i32_1 = arith.constant 0 : i32
    return %c0_i32, %c0_i32_0 : i32, i32
  }
  func.func @transform_23(%arg0: i32, %arg1: i32) -> (i32, i32) {
    %c0_i32 = arith.constant 0 : i32
    %c0_i32_0 = arith.constant 0 : i32
    %c0_i32_1 = arith.constant 0 : i32
    return %c0_i32, %c0_i32_0 : i32, i32
  }
  func.func @transform_24(%arg0: i32, %arg1: i32) -> (i32, i32) {
    %c0_i32 = arith.constant 0 : i32
    %c0_i32_0 = arith.constant 0 : i32
    %c0_i32_1 = arith.constant 0 : i32
    return %c0_i32, %c0_i32_0 : i32, i32
  }
  func.func @transform_25(%arg0: i32, %arg1: i32) -> (i32, i32) {
    %c0_i32 = arith.constant 0 : i32
    %c0_i32_0 = arith.constant 0 : i32
    %c0_i32_1 = arith.constant 0 : i32
    return %c0_i32, %c0_i32_0 : i32, i32
  }
  func.func @transform_26(%arg0: i32, %arg1: i32) -> (i32, i32) {
    %c0_i32 = arith.constant 0 : i32
    %c0_i32_0 = arith.constant 0 : i32
    %c0_i32_1 = arith.constant 0 : i32
    return %c0_i32, %c0_i32_0 : i32, i32
  }
  func.func @transform_27(%arg0: i32, %arg1: i32) -> (i32, i32) {
    %c0_i32 = arith.constant 0 : i32
    %c0_i32_0 = arith.constant 0 : i32
    %c0_i32_1 = arith.constant 0 : i32
    return %c0_i32, %c0_i32_0 : i32, i32
  }
  func.func @transform_28(%arg0: i32, %arg1: i32) -> (i32, i32) {
    %c0_i32 = arith.constant 0 : i32
    %c0_i32_0 = arith.constant 0 : i32
    %c0_i32_1 = arith.constant 0 : i32
    return %c0_i32, %c0_i32_0 : i32, i32
  }
  func.func @transform_29(%arg0: i32, %arg1: i32) -> (i32, i32) {
    %c0_i32 = arith.constant 0 : i32
    %c0_i32_0 = arith.constant 0 : i32
    %c0_i32_1 = arith.constant 0 : i32
    return %c0_i32, %c0_i32_0 : i32, i32
  }
  func.func @transform_30(%arg0: i32, %arg1: i32) -> (i32, i32) {
    %c0_i32 = arith.constant 0 : i32
    %c0_i32_0 = arith.constant 0 : i32
    %c0_i32_1 = arith.constant 0 : i32
    return %c0_i32, %c0_i32_0 : i32, i32
  }
  func.func @transform_31(%arg0: i32, %arg1: i32) -> (i32, i32) {
    %c0_i32 = arith.constant 0 : i32
    %c0_i32_0 = arith.constant 0 : i32
    %c0_i32_1 = arith.constant 0 : i32
    return %c0_i32, %c0_i32_0 : i32, i32
  }
  func.func @transform_32(%arg0: i32, %arg1: i32) -> (i32, i32) {
    %c0_i32 = arith.constant 0 : i32
    %c0_i32_0 = arith.constant 0 : i32
    %c0_i32_1 = arith.constant 0 : i32
    return %c0_i32, %c0_i32_0 : i32, i32
  }
  func.func @transform_33(%arg0: i32, %arg1: i32) -> (i32, i32) {
    %c0_i32 = arith.constant 0 : i32
    %c0_i32_0 = arith.constant 0 : i32
    return %arg0, %c0_i32 : i32, i32
  }
}

</mosaic_0001>

<sc_bundles>
// kernel: kernel.4.cloned.1.call-start
scs
__scs_entry_jumppad:
0x0: {  	(pc) =	sbr.rel $0x88, $3  }
0x1: {  	(tag) =	ssettag $0x0;
	lr =	simm.s32 $0x1  }
0x2: {  	[smem:$0x3F8E] =	sst lr;
	_ =	strace $0xD0000000  }
0x3: {  	_ = 	snop  }
0x4: {  	_ = 	snop  }
0x5: {  	_ = 	snop  }
0x6: {  	_ = 	snop  }
0x7: {  	_ = 	snop  }
__scs_overlays_trampoline_lowered:
0x8: {  	[smem:$0x3F9D] =	sst s0  }
0x9: {  	[smem:$0x3F9E] =	sst s1  }
0xa: {  	[smem:$0x3F9F] =	sst s2  }
0xb: {  	[smem:$0x3FA0] =	sst s3  }
0xc: {  	[smem:$0x3FA1] =	sst s4  }
0xd: {  	[smem:$0x3FA2] =	sst s5  }
0xe: {  	[smem:$0x3FA3] =	sst s6  }
0xf: {  	[smem:$0x3FA4] =	sst s7  }
0x10: {  	[smem:$0x3FA5] =	sst s8  }
0x11: {  	[smem:$0x3FA6] =	sst s9;
	s0 =	simm.s32 @!p0 $0x0  }
0x12: {  	s1 =	sld [smem:$0x3F8C];
	s0 =	simm.s32 @p0 $0x1  }
0x13: {  	[smem:$0x3FA7] =	sst s0;
	s0 =	simm.s32 @!p1 $0x0  }
0x14: {  	s2 =	sld [smem:$0x3F8B];
	s0 =	simm.s32 @p1 $0x1  }
0x15: {  	[smem:$0x3FA8] =	sst s0;
	s0 =	simm.s32 @!p2 $0x0  }
0x16: {  	s3 =	sld [smem:$0x3FDB];
	s0 =	simm.s32 @p2 $0x1  }
0x17: {  	s4 =	simm.s32 $0x1BF5;
	[smem:$0x3FAA] =	sst s0  }
0x18: {  	s0 =	sld [smem:$0x3F8D];
	_ =	swait.ge [sflag:s4], $0x0  }
0x19: {  	s7 =	sld [smem:$0x3F8E]  }
0x1a: {  	s8 =	sadd.s32 $0xFFFFE003, lr  }
0x1b: {  	s9 =	sadd.s32 $0xFFFFFEF7, lr;
	s5 =	simm.s32 $0xFFFFFFFF;
	p2 =	slt.u32 s8, $0xFFFFF086  }
0x1c: {  	p1 =	slt.u32 s9, $0xF7A;
	s5 =	simm.s32 @!p2 $0x0  }
0x1d: {  	s5 =	simm.s32 @p1 $0x1;
	p0 =	seq.s32 s7, s2  }
0x1e: {  	s7 =	smul.u32 @!p0 $0xF7A, s2;
	p2 =	seq.s32 @!p0 s5, $0x0  }
0x1f: {  	s9 =	smul.u32 $0xF7A, s1;
	s8 =	simm.s32 @!p0 $0x1BF5;
	p2 =	por !p2, p0  }
0x20: {  	[sflag:s8] =	ssyncset.s32 @!p0 $0xFFFFF086;
	s6 =	sadd.s32 @!p0 s3, s7;
	s7 =	simm.s32 @!p0 $0x108  }
0x21: {  	s3 =	sadd.s32 s3, s9;
	s6 =	sadd.s32 @!p0 $0x88, s6;
	s7 =	simm.s32 @p2 $0x1082  }
0x22: {  	[simem:s7], [sflag:s8] =	dma.local @!p0 [hbm:s6], $0xF7A  }
0x23: {  	s9 =	sor.u32 $0xD0000000, s2;
	s6 =	simm.s32 $0x108;
	_ =	swait.ge @!p0 [sflag:s8], $0x0  }
0x24: {  	s3 =	sadd.s32 $0x88, s3;
	s6 =	simm.s32 @!p1 $0x1082;
	[sflag:s4] =	ssyncset.s32 $0xFFFFF086  }
0x25: {  	[simem:s6], [sflag:s4] =	dma.local [hbm:s3], $0xF7A  }
0x26: {  	[smem:$0x3F8E] =	sst s1;
	(tag) =	ssettag s2;
	_ =	strace s9  }
0x27: {  	s1 =	sld [smem:$0x3F9E]  }
0x28: {  	s2 =	sld [smem:$0x3F9F]  }
0x29: {  	s4 =	sld [smem:$0x3FA1]  }
0x2a: {  	p0 =	seq.s32 s5, $0x0;
	s5 =	sld [smem:$0x3FA2]  }
0x2b: {  	s6 =	sld [smem:$0x3FA3]  }
0x2c: {  	s7 =	sld [smem:$0x3FA4]  }
0x2d: {  	s3 =	simm.s32 $0x108;
	s8 =	sld [smem:$0x3FA5]  }
0x2e: {  	s3 =	simm.s32 @!p0 $0x1082;
	s9 =	sld [smem:$0x3FA6]  }
0x2f: {  	lr =	sadd.s32 s0, s3;
	s0 =	sld [smem:$0x3F9D]  }
0x30: {  	s3 =	sld [smem:$0x3FA0]  }
0x31: {  	[smem:$0x3FA9] =	sst s10  }
0x32: {  	s10 =	sld [smem:$0x3FA7];
	_ =	sdelay $0x3  }
0x33: {  	p0 =	seq.s32 s10, $0x1;
	s10 =	sld [smem:$0x3FA9];
	_ =	sdelay $0x3  }
0x34: {  	[smem:$0x3FA9] =	sst s10  }
0x35: {  	s10 =	sld [smem:$0x3FA8];
	_ =	sdelay $0x3  }
0x36: {  	p1 =	seq.s32 s10, $0x1;
	s10 =	sld [smem:$0x3FA9];
	_ =	sdelay $0x3  }
0x37: {  	[smem:$0x3FA9] =	sst s10  }
0x38: {  	s10 =	sld [smem:$0x3FAA]  }
0x39: {  	_ = 	snop;
	(pc) =	sbr.ind lr, $3  }
0x3a: {  	_ = 	snop  }
0x3b: {  	_ = 	snop  }
0x3c: {  	p2 =	seq.s32 s10, $0x1;
	s10 =	sld [smem:$0x3FA9]  }
0x3d: {  	_ =	shalt  }
0x3e: {  	_ =	shalt  }
0x3f: {  	_ =	shalt  }
0x40: {  	_ =	shalt  }
0x41: {  	_ =	shalt  }
0x42: {  	_ =	shalt  }
0x43: {  	_ =	shalt  }
0x44: {  	_ =	shalt  }
0x45: {  	_ =	shalt  }
0x46: {  	_ =	shalt  }
0x47: {  	_ =	shalt  }
0x48: {  	_ =	shalt  }
0x49: {  	_ =	shalt  }
0x4a: {  	_ =	shalt  }
0x4b: {  	_ =	shalt  }
0x4c: {  	_ =	shalt  }
0x4d: {  	_ =	shalt  }
0x4e: {  	_ =	shalt  }
0x4f: {  	_ =	shalt  }
0x50: {  	_ =	shalt  }
0x51: {  	_ =	shalt  }
0x52: {  	_ =	shalt  }
0x53: {  	_ =	shalt  }
0x54: {  	_ =	shalt  }
0x55: {  	_ =	shalt  }
0x56: {  	_ =	shalt  }
0x57: {  	_ =	shalt  }
0x58: {  	_ =	shalt  }
0x59: {  	_ =	shalt  }
0x5a: {  	_ =	shalt  }
0x5b: {  	_ =	shalt  }
0x5c: {  	_ =	shalt  }
0x5d: {  	_ =	shalt  }
0x5e: {  	_ =	shalt  }
0x5f: {  	_ =	shalt  }
0x60: {  	_ =	shalt  }
0x61: {  	_ =	shalt  }
0x62: {  	_ =	shalt  }
0x63: {  	_ =	shalt  }
0x64: {  	_ =	shalt  }
0x65: {  	_ =	shalt  }
0x66: {  	_ =	shalt  }
0x67: {  	_ =	shalt  }
0x68: {  	_ =	shalt  }
0x69: {  	_ =	shalt  }
0x6a: {  	_ =	shalt  }
0x6b: {  	_ =	shalt  }
0x6c: {  	_ =	shalt  }
0x6d: {  	_ =	shalt  }
0x6e: {  	_ =	shalt  }
0x6f: {  	_ =	shalt  }
0x70: {  	_ =	shalt  }
0x71: {  	_ =	shalt  }
0x72: {  	_ =	shalt  }
0x73: {  	_ =	shalt  }
0x74: {  	_ =	shalt  }
0x75: {  	_ =	shalt  }
0x76: {  	_ =	shalt  }
0x77: {  	_ =	shalt  }
0x78: {  	_ =	shalt  }
0x79: {  	_ =	shalt  }
0x7a: {  	_ =	shalt  }
0x7b: {  	_ =	shalt  }
0x7c: {  	_ =	shalt  }
0x7d: {  	_ =	shalt  }
0x7e: {  	_ =	shalt  }
0x7f: {  	_ =	shalt  }
0x80: {  	_ =	shalt  }
0x81: {  	_ =	shalt  }
0x82: {  	_ =	shalt  }
0x83: {  	_ =	shalt  }
0x84: {  	_ =	shalt  }
0x85: {  	_ =	shalt  }
0x86: {  	_ =	shalt  }
0x87: {  	_ =	shalt  }
.Lfunc_end0:
.L_simem_size_0:
called_computation_lowered:
.L_overlay_start_0:
0x88: {  	s2 =	sld [smem:$0x3FD9]  }
0x89: {  	s3 =	sld [smem:$0x3FFE];
	_ =	sdelay $0x1  }
0x8a: {  	s1 =	srdreg.scid  }
0x8b: {  	s0 =	sand.u32 $0x1, s1  }
0x8c: {  	s17 =	sshll.u32 s0, $0xA;
	s2 =	sadd.s32 s3, s2  }
0x8d: {  	s2 =	sadd.s32 s2, s17  }
0x8e: {  	[smem:$0x3FB5] =	sst s2  }
0x8f: {  	_ = 	snop  }
0x90: {  	s2 =	sld [smem:$0x3FC9]  }
0x91: {  	s18 =	sld [smem:$0x3FC8]  }
0x92: {  	s4 =	sld [smem:$0x3FC7];
	(tm) =	ssettm $0x1  }
0x93: {  	s5 =	sld [smem:$0x3FFB];
	_ =	sdelay $0x3  }
0x94: {  	_ =	strace s5  }
0x95: {  	s5 =	sld [smem:$0x3FFC];
	_ =	sdelay $0x3  }
0x96: {  	_ =	strace s5  }
0x97: {  	s5 =	sld [smem:$0x3FFD];
	_ =	sdelay $0x3  }
0x98: {  	_ =	strace s5  }
0x99: {  	_ =	strace $0x8FFFFFFF  }
0x9a: {  	s19 =	sld [smem:$0x3FDB];
	_ =	sdelay $0x1  }
0x9b: {  	s6 =	simm.s32 $_scs_section_size  }
0x9c: {  	s7 =	simm.s32 $_size__tile_overlayer_lowered;
	s8 =	simm.s32 $_tile_overlayer_lowered  }
0x9d: {  	s22 =	simm.s32 $0x1BFF;
	s21 =	sshll.u32 s8, $0x1;
	s5 =	sadd.s32 s6, s19  }
0x9e: {  	s9 =	simm.s32 $0x0;
	s20 =	sshll.u32 s7, $0x1;
	s7 =	sadd.s32 s21, s5  }
0x9f: {  	[timem:s9], [sflag:s22] =	dma.local [hbm:s7], s20  }
0xa0: {  	_ =	swait.ge [sflag:s22], s20  }
0xa1: {  	s6 =	ssub.s32 $0x0, s20;
	[sflag:s22] =	ssyncset.done $0x0  }
0xa2: {  	[sflag:s22] =	ssyncadd.s32 s6;
	_ =	sdelay $0x1  }
0xa3: {  	s23 =	simm.s32 $0x1B8B  }
0xa4: {  	_ =	swait.ge [sflag:s23], $0x1  }
0xa5: {  	[sflag:s23] =	ssyncset.done $0x0  }
0xa6: {  	s25 =	simm.s32 $0x1B8E;
	s24 =	sld [smem:$0x3FFE];
	[sflag:s23] =	ssyncadd.s32 $0xFFFFFFFF  }
0xa7: {  	s26 =	simm.s32 $execute0_lowered;
	[smem:$0x3FD2] =	sst s25  }
0xa8: {  	s7 =	sshll.u32 s26, $0x1;
	_ =	strace $0x80000046;
	[dreg:$0x1] =	wrdreg $0xFFFFFFFF  }
0xa9: {  	s28 =	simm.s32 $_size_execute0_lowered;
	s5 =	sadd.s32 s5, s7;
	[dreg:$0x0] =	wrdreg $0x0  }
0xaa: {  	s7 =	sshll.u32 s28, $0x1;
	[dreg:$0x2] =	wrdreg s5  }
0xab: {  	[dreg:$0x3] =	wrdreg s7  }
0xac: {  	[dreg:$0x4] =	wrdreg $0xC0  }
0xad: {  	_ =	task [dreg:s9], $0x5FFFF  }
0xae: {  	[dreg:$0x1] =	wrdreg $0xFFFFFFFF  }
0xaf: {  	[dreg:$0x0] =	wrdreg $0x60  }
0xb0: {  	[dreg:$0x2] =	wrdreg s24  }
0xb1: {  	[dreg:$0x3] =	wrdreg s2  }
0xb2: {  	[dreg:$0x4] =	wrdreg s18  }
0xb3: {  	[dreg:$0x5] =	wrdreg s4  }
0xb4: {  	[dreg:$0x6] =	wrdreg $0x9  }
0xb5: {  	_ =	task.clear_ibuf [dreg:s9], $0x7FFFF;
	_ =	strace $0x90000046  }
0xb6: {  	s29 =	simm.s32 $0x9;
	_ =	strace $0x80000048  }
0xb7: {  	_ =	swait.ge [sflag:s29], $0x1  }
0xb8: {  	[sflag:s29] =	ssyncadd.s32 $0xFFFFFFFF  }
0xb9: {  	_ =	strace $0x90000048  }
0xba: {  	_ =	sfence  }
0xbb: {  	s30 =	sld [smem:$0x0];
	_ =	sdelay $0x2  }
0xbc: {  	s31 =	sshll.u32 s1, $0xD;
	s1 =	sshrl.u32 s1, $0x2  }
0xbd: {  	s3 =	sand.u32 $0x4000, s31;
	s1 =	sadd.s32 s1, s30  }
0xbe: {  	s0 =	sor.u32 s3, s0;
	s1 =	sshll.u32 s1, $0x11  }
0xbf: {  	s0 =	sor.u32 s1, s0  }
0xc0: {  	s0 =	sadd.s32 $0x8F2B, s0  }
0xc1: {  	[sflag:s0] =	ssyncadd.remote.s32 $0x1  }
0xc2: {  	_ =	sfence.sel $0xFFFF  }
0xc3: {  	[dreg:$0x0] =	wrdreg $0xFFFFFFFF;
	(pc) =	sbr.abs _section_cstart, $3  }
0xc4: {  	[dreg:$0x1] =	wrdreg $0xFFFFFFFF  }
0xc5: {  	_ =	task.clear_ibuf [dreg:s9], $0x2FFFF;
	_ =	strace $0x9FFFFFFF  }
0xc6: {  	(tm) =	ssettm $0x7FFFFFFF  }
0xc7: {  	_ =	shalt  }
tec
execute0_lowered:
.L_overlay_start_1:
0x0: {  	(tag) =	ssettag $0x1  }
0x1: {  	s0 =	rddreg [dreg:$0x0]  }
0x2: {  	s1 =	rddreg [dreg:$0x1]  }
0x3: {  	s6 =	rddreg [dreg:$0x2]  }
0x4: {  	s7 =	rddreg [dreg:$0x3];
	s2 =	simm.s32 $0x0  }
0x5: {  	s3 =	srdreg.scid;
	s5 =	stileid.u32;
	s31 =	simm.s32 $0x28000  }
0x6: {  	[smem:$0x7FF] =	sst s2;
	s4 =	sand.u32 $0x1, s3;
	s5 =	sshll.u32 s5, $0x1  }
0x7: {  	s3 =	sadd.s32 $0xF45200, s0;
	_ =	strace $0x80000047;
	s8 =	ssub.s32 $0x2, s4  }
0x8: {  	s9 =	sor.u32 s4, s5;
	s4 =	sadd.s32 $0x2E00, s0;
	[dreg:$0x5] =	wrdreg s31  }
0x9: {  	s16 =	sshrl.u32 s8, $0x1;
	s10 =	smul.u32 $0x640, s9;
	s18 =	sshll.u32 s9, $0x4  }
0xa: {  	s5 =	sshll.u32 s9, $0x7;
	s17 =	smul.u32 $0xA0, s9;
	s1 =	sadd.s32 s1, s18  }
0xb: {  	s9 =	sshll.u32 s9, $0xA;
	s7 =	sadd.s32 s7, s10;
	[dreg:$0x8] =	wrdreg s1  }
0xc: {  	s19 =	sadd.s32 s9, s4;
	s6 =	sadd.s32 s6, s17;
	[dreg:$0x6] =	wrdreg s7  }
0xd: {  	s0 =	ssub.s32 s8, s16;
	s20 =	sadd.s32 $0x370000, s19;
	[dreg:$0x7] =	wrdreg s6  }
0xe: {  	s0 =	smax.u32 s0, $0x1;
	[dreg:$0x9] =	wrdreg s20  }
0xf: {  	s21 =	sadd.s32 $0x320000, s19;
	[dreg:$0xa] =	wrdreg s0  }
0x10: {  	s22 =	sadd.s32 $0x328000, s19;
	[dreg:$0xb] =	wrdreg s21  }
0x11: {  	s23 =	sadd.s32 $0x330000, s19;
	[dreg:$0xc] =	wrdreg s22  }
0x12: {  	s24 =	sadd.s32 $0x338000, s19;
	[dreg:$0xd] =	wrdreg s23  }
0x13: {  	s25 =	sadd.s32 $0x340000, s19;
	[dreg:$0xe] =	wrdreg s24  }
0x14: {  	s26 =	sadd.s32 $0x348000, s19;
	[dreg:$0xf] =	wrdreg s25  }
0x15: {  	s28 =	sadd.s32 $0x350000, s19;
	[dreg:$0x10] =	wrdreg s26  }
0x16: {  	s29 =	sadd.s32 $0x358000, s19;
	[dreg:$0x11] =	wrdreg s28  }
0x17: {  	v0 =	vlaneseq.u32;
	s30 =	sadd.s32 $0x360000, s19;
	[dreg:$0x12] =	wrdreg s29  }
0x18: {  	v1 =	vmul.u32 $0x64, v0;
	v2 =	vmul.u32 $0xA, v0;
	v3 =	vor.u32 $0x10, v0;
	s9 =	simm.s32 $0x0;
	s1 =	sadd.s32 $0x368000, s19;
	[dreg:$0x13] =	wrdreg s30  }
0x19: {  	v4 =	vor.u32 $0x20, v0;
	v5 =	vor.u32 $0x30, v0;
	v6 =	vor.u32 $0x40, v0;
	[dreg:$0x14] =	wrdreg s1;
	s21 =	simm.s32 $0x3;
	s22 =	simm.s32 $0x80  }
0x1a: {  	v7 =	vor.u32 $0x50, v0;
	v8 =	vor.u32 $0x60, v0;
	v9 =	vor.u32 $0x70, v0;
	s23 =	simm.s32 $0x1;
	s24 =	simm.s32 $0x2;
	s26 =	simm.s32 $0x6400  }
.LBB2_1:
0x1b: {  	v10 =	vadd.s32 s2, v1;
	s0 =	rddreg [dreg:$0x6]  }
0x1c: {  	[tilespmem:s2], [sflag:$0x3] =	stream.linear.gather [hbm4b:s0+s2], $0x3200, $0x38;
	[tilespmem:$0x1A400] =	vst v63  }
0x1d: {  	_ =	swait.ge [sflag:s21], $0x3200  }
0x1e: {  	[sflag:s21] =	ssyncset.done $0x0  }
0x1f: {  	[sflag:s21] =	ssyncadd.s32 $0xFFFFCE00  }
0x20: {  	s1 =	simm.s32 $0x640;
	v10 =	vld.idx.msk [tilespmem:v10+s2+$0x0], $0xffff  }
0x21: {  	v11 =	vadd.s32 s1, v1;
	_ =	sdelay $0x2  }
0x22: {  	s10 =	simm.s32 $0x3240  }
0x23: {  	[tilespmem:s10+$0xFFFFFFC0] =	vst v10  }
0x24: {  	s20 =	simm.s32 $0xC80;
	v10 =	vld.idx.msk [tilespmem:v11+s2+$0x0], $0xffff  }
0x25: {  	v11 =	vadd.s32 s20, v1;
	_ =	sdelay $0x3  }
0x26: {  	[tilespmem:s10+$0xFFFFFFD0] =	vst v10  }
0x27: {  	s25 =	simm.s32 $0x12C0;
	v10 =	vld.idx.msk [tilespmem:v11+s2+$0x0], $0xffff  }
0x28: {  	v11 =	vadd.s32 s25, v1;
	_ =	sdelay $0x3  }
0x29: {  	[tilespmem:s10+$0xFFFFFFE0] =	vst v10  }
0x2a: {  	s28 =	simm.s32 $0x1900;
	v10 =	vld.idx.msk [tilespmem:v11+s2+$0x0], $0xffff  }
0x2b: {  	v11 =	vadd.s32 s28, v1;
	_ =	sdelay $0x3  }
0x2c: {  	[tilespmem:s10+$0xFFFFFFF0] =	vst v10  }
0x2d: {  	s29 =	simm.s32 $0x1F40;
	v10 =	vld.idx.msk [tilespmem:v11+s2+$0x0], $0xffff  }
0x2e: {  	v11 =	vadd.s32 s29, v1;
	_ =	sdelay $0x3  }
0x2f: {  	[tilespmem:s10+$0x0] =	vst v10  }
0x30: {  	s30 =	simm.s32 $0x2580;
	v10 =	vld.idx.msk [tilespmem:v11+s2+$0x0], $0xffff  }
0x31: {  	v11 =	vadd.s32 s30, v1;
	_ =	sdelay $0x3  }
0x32: {  	[tilespmem:s10+$0x10] =	vst v10  }
0x33: {  	s31 =	simm.s32 $0x2BC0;
	v10 =	vld.idx.msk [tilespmem:v11+s2+$0x0], $0xffff  }
0x34: {  	v11 =	vadd.s32 s31, v1;
	_ =	sdelay $0x3  }
0x35: {  	[tilespmem:s10+$0x20] =	vst v10  }
0x36: {  	s11 =	simm.s32 $0x1;
	v10 =	vld.idx.msk [tilespmem:v11+s2+$0x0], $0xffff  }
0x37: {  	s12 =	simm.s32 $0x2;
	v11 =	vadd.s32 s11, v1  }
.LBB2_2:
0x38: {  	p0 =	sne.s32 s12, $0x63;
	_ =	sdelay $0x2  }
0x39: {  	s15 =	simm.s32 $0x0;
	[tilespmem:s10+$0x30] =	vst v10  }
0x3a: {  	v10 =	vld.idx.msk [tilespmem:v11+s15+$0x0], $0xffff  }
0x3b: {  	s1 =	sadd.s32 $0x640, s11  }
0x3c: {  	v11 =	vadd.s32 s1, v1;
	_ =	sdelay $0x2  }
0x3d: {  	s10 =	sadd.s32 $0x80, s10  }
0x3e: {  	[tilespmem:s10+$0xFFFFFFC0] =	vst v10  }
0x3f: {  	v10 =	vld.idx.msk [tilespmem:v11+s15+$0x0], $0xffff  }
0x40: {  	s1 =	sadd.s32 $0xC80, s11  }
0x41: {  	v11 =	vadd.s32 s1, v1;
	_ =	sdelay $0x3  }
0x42: {  	[tilespmem:s10+$0xFFFFFFD0] =	vst v10  }
0x43: {  	v10 =	vld.idx.msk [tilespmem:v11+s15+$0x0], $0xffff  }
0x44: {  	s1 =	sadd.s32 $0x12C0, s11  }
0x45: {  	v11 =	vadd.s32 s1, v1;
	_ =	sdelay $0x3  }
0x46: {  	[tilespmem:s10+$0xFFFFFFE0] =	vst v10  }
0x47: {  	v10 =	vld.idx.msk [tilespmem:v11+s15+$0x0], $0xffff  }
0x48: {  	s1 =	sadd.s32 $0x1900, s11  }
0x49: {  	v11 =	vadd.s32 s1, v1;
	_ =	sdelay $0x3  }
0x4a: {  	[tilespmem:s10+$0xFFFFFFF0] =	vst v10  }
0x4b: {  	v10 =	vld.idx.msk [tilespmem:v11+s15+$0x0], $0xffff  }
0x4c: {  	s1 =	sadd.s32 $0x1F40, s11  }
0x4d: {  	v11 =	vadd.s32 s1, v1;
	_ =	sdelay $0x3  }
0x4e: {  	[tilespmem:s10+$0x0] =	vst v10  }
0x4f: {  	v10 =	vld.idx.msk [tilespmem:v11+s15+$0x0], $0xffff  }
0x50: {  	s1 =	sadd.s32 $0x2580, s11  }
0x51: {  	v11 =	vadd.s32 s1, v1;
	_ =	sdelay $0x3  }
0x52: {  	[tilespmem:s10+$0x10] =	vst v10  }
0x53: {  	v10 =	vld.idx.msk [tilespmem:v11+s15+$0x0], $0xffff  }
0x54: {  	s1 =	sadd.s32 $0x2BC0, s11;
	s11 =	smov.u32 s12  }
0x55: {  	v11 =	vadd.s32 s1, v1;
	_ =	sdelay $0x2  }
.Ltmp0:
0x56: {  	(pc) =	sbr.rel @p0 .LBB2_2-.Ltmp0, $3  }
0x57: {  	[tilespmem:s10+$0x20] =	vst v10  }
0x58: {  	v10 =	vld.idx.msk [tilespmem:v11+s15+$0x0], $0xffff;
	_ =	sdelay $0x1  }
0x59: {  	s12 =	sadd.s32 $0x1, s12;
	v11 =	vadd.s32 s11, v1  }
0x5a: {  	_ =	sdelay $0x2  }
0x5b: {  	[tilespmem:s10+$0x30] =	vst v10  }
0x5c: {  	s1 =	sadd.s32 $0x640, s11;
	v10 =	vld.idx.msk [tilespmem:v11+s15+$0x0], $0xffff  }
0x5d: {  	v11 =	vadd.s32 s1, v1;
	_ =	sdelay $0x2  }
0x5e: {  	s12 =	sadd.s32 $0x80, s10  }
0x5f: {  	[tilespmem:s12+$0xFFFFFFC0] =	vst v10  }
0x60: {  	s13 =	sadd.s32 $0xC80, s11;
	v10 =	vld.idx.msk [tilespmem:v11+s15+$0x0], $0xffff  }
0x61: {  	v11 =	vadd.s32 s13, v1;
	_ =	sdelay $0x3  }
0x62: {  	[tilespmem:s12+$0xFFFFFFD0] =	vst v10  }
0x63: {  	s14 =	sadd.s32 $0x12C0, s11;
	v10 =	vld.idx.msk [tilespmem:v11+s15+$0x0], $0xffff  }
0x64: {  	v11 =	vadd.s32 s14, v1;
	_ =	sdelay $0x3  }
0x65: {  	[tilespmem:s12+$0xFFFFFFE0] =	vst v10  }
0x66: {  	s16 =	sadd.s32 $0x1900, s11;
	v10 =	vld.idx.msk [tilespmem:v11+s15+$0x0], $0xffff  }
0x67: {  	v11 =	vadd.s32 s16, v1;
	_ =	sdelay $0x3  }
0x68: {  	[tilespmem:s12+$0xFFFFFFF0] =	vst v10  }
0x69: {  	s17 =	sadd.s32 $0x1F40, s11;
	v10 =	vld.idx.msk [tilespmem:v11+s15+$0x0], $0xffff  }
0x6a: {  	v11 =	vadd.s32 s17, v1;
	_ =	sdelay $0x3  }
0x6b: {  	[tilespmem:s12+$0x0] =	vst v10  }
0x6c: {  	s18 =	sadd.s32 $0x2580, s11;
	v10 =	vld.idx.msk [tilespmem:v11+s15+$0x0], $0xffff  }
0x6d: {  	v11 =	vadd.s32 s18, v1;
	_ =	sdelay $0x3  }
0x6e: {  	[tilespmem:s12+$0x10] =	vst v10  }
0x6f: {  	s19 =	sadd.s32 $0x2BC0, s11;
	v10 =	vld.idx.msk [tilespmem:v11+s15+$0x0], $0xffff  }
0x70: {  	v11 =	vadd.s32 s19, v1;
	_ =	sdelay $0x2  }
0x71: {  	s11 =	rddreg [dreg:$0x5];
	s20 =	sand.u32 $0x1, s15  }
0x72: {  	p1 =	por $0x1, $0x1;
	s30 =	sand.u32 $0xF000, s15;
	s0 =	simm.s32 $0x3300;
	[tilespmem:s12+$0x20] =	vst v10  }
0x73: {  	s6 =	simm.s32 $0x2;
	s8 =	simm.s32 $0x3;
	s29 =	simm.s32 $0x4;
	v10 =	vld.idx.msk [tilespmem:v11+s15+$0x0], $0xffff  }
0x74: {  	p0 =	seq.s32 s20, $0x1;
	s20 =	smul.u32 $0xCD, s15;
	s10 =	simm.s32 $0x5  }
0x75: {  	s11 =	simm.s32 @!p0 $0x0;
	p0 =	por $0x1, $0x1;
	s19 =	simm.s32 $0x1  }
0x76: {  	s1 =	simm.s32 @!p1 $0x2;
	s28 =	sand.u32 $0xFF, s19;
	s19 =	sand.u32 $0xFF, s6  }
0x77: {  	s25 =	sshrl.u32 s20, $0xB;
	s16 =	sshrl.u32 s11, $0x2;
	s19 =	smul.u32 $0xCD, s19  }
0x78: {  	s13 =	simm.s32 $0x3200;
	s11 =	sadd.s32 $0x8400, s16;
	s14 =	sadd.s32 $0x6400, s16;
	[tilespmem:s12+$0x30] =	vst v10  }
0x79: {  	s17 =	simm.s32 $0x3280;
	s19 =	sshrl.u32 s19, $0xB;
	_ =	swait.ge @!p1 [sflag:s1], $0xA000  }
0x7a: {  	s6 =	smul.u32 $0xA, s19;
	s15 =	sand.u32 $0x1F, s25;
	[sflag:s1] =	ssyncset.done @!p1 $0x0  }
0x7b: {  	s18 =	simm.s32 $0x3380;
	s7 =	smul.u32 $0xA, s15;
	[sflag:s1] =	ssyncadd.s32 @!p1 $0xFFFF6000  }
0x7c: {  	[tilespmem:s14], [sflag:$0x1] =	stream.indirect.gather [hbm4b:s3+s22], $0x40, s13, s22, $0xb8;
	[tilespmem:$0x1A400] =	vst v63  }
0x7d: {  	s15 =	sadd.s32 $0xE400, s16;
	s20 =	ssub.s32 $0x0, s7;
	s12 =	sadd.s32 $0xA400, s16  }
0x7e: {  	[tilespmem:s11], [sflag:$0x1] =	stream.indirect.gather [hbm4b:s3+s22], $0x40, s17, s22, $0xb8;
	[tilespmem:$0x1A400] =	vst v63  }
0x7f: {  	s13 =	sadd.s32 $0xC400, s16;
	s16 =	sand.u32 $0xFF, s20;
	s17 =	smul.u32 $0xCD, s28  }
0x80: {  	[tilespmem:s12], [sflag:$0x1] =	stream.indirect.gather [hbm4b:s3+s22], $0x40, s0, s22, $0xb8;
	[tilespmem:$0x1A400] =	vst v63  }
0x81: {  	s19 =	sshll.u32 s19, $0xC;
	s7 =	smul.u32 $0xA000, s16;
	s17 =	sshrl.u32 s17, $0xB  }
0x82: {  	s1 =	simm.s32 $0x3400;
	s16 =	simm.s32 $0x3480;
	s25 =	smul.u32 $0xA, s17  }
0x83: {  	s31 =	sshll.u32 s17, $0xC;
	s17 =	ssub.s32 $0x2, s6;
	s6 =	sand.u32 $0xFF, s29  }
0x84: {  	[tilespmem:s13], [sflag:$0x1] =	stream.indirect.gather [hbm4b:s3+s22], $0x40, s18, s22, $0xb8;
	[tilespmem:$0x1A400] =	vst v63  }
0x85: {  	s18 =	sand.u32 $0xFF, s8;
	s6 =	smul.u32 $0xCD, s6;
	s28 =	ssub.s32 $0x1, s25  }
0x86: {  	[tilespmem:s15], [sflag:$0x1] =	stream.indirect.gather [hbm4b:s3+s22], $0x40, s1, s22, $0xb8;
	[tilespmem:$0x1A400] =	vst v63  }
0x87: {  	s25 =	simm.s32 $0x800;
	s18 =	smul.u32 $0xCD, s18;
	_ =	swait.ge [sflag:s23], $0x2000  }
0x88: {  	s0 =	sand.u32 $0xFF, s28;
	s28 =	sand.u32 $0xFF, s17;
	[sflag:s23] =	ssyncset.done $0x0  }
0x89: {  	s17 =	simm.s32 $0x1;
	s1 =	smul.u32 $0xA000, s0;
	[sflag:s23] =	ssyncadd.s32 $0xFFFFE000  }
0x8a: {  	s28 =	smul.u32 $0xA000, s28;
	s0 =	sshrl.u32 s18, $0xB;
	_ =	swait.ge [sflag:s23], $0x2000  }
.Ltmp1:
0x8b: {  	s18 =	sadd.s32 s30, s7;
	[sflag:s23] =	ssyncset.done $0x0;
	(pc) =	sbr.rel @!p0 .LBB2_5-.Ltmp1, $4  }
0x8c: {  	s8 =	smul.u32 $0xA, s0;
	s19 =	sadd.s32 s19, s28;
	[sflag:s23] =	ssyncadd.s32 $0xFFFFE000  }
0x8d: {  	s30 =	sadd.s32 s31, s1;
	s31 =	sshrl.u32 s6, $0xB;
	_ =	swait.ge [sflag:s23], $0x2000  }
0x8e: {  	s20 =	sor.u32 s5, s19;
	s28 =	ssub.s32 $0x3, s8;
	[sflag:s23] =	ssyncset.done $0x0  }
0x8f: {  	s19 =	sshll.u32 s0, $0xC;
	s1 =	sand.u32 $0xFF, s28;
	[sflag:s23] =	ssyncadd.s32 $0xFFFFE000  }
.LBB2_4:
0x90: {  	_ =	swait.ge [sflag:s23], $0x2000;
	s0 =	sor.u32 s5, s18  }
0x91: {  	s6 =	smul.u32 $0xA, s31;
	s18 =	smov.u32 s10;
	s28 =	sor.u32 s5, s30  }
0x92: {  	s1 =	smul.u32 $0xA000, s1;
	s20 =	sshll.u32 s20, $0x3;
	s10 =	sadd.s32 $0x5, s10  }
0x93: {  	[sflag:s23] =	ssyncset.done $0x0;
	s0 =	sshll.u32 s0, $0x3;
	s28 =	sshll.u32 s28, $0x3  }
0x94: {  	s20 =	sand.u32 $0xFFFC00, s20;
	p0 =	sne.s32 s10, $0x64;
	s30 =	sadd.s32 $0x3, s18  }
0x95: {  	s6 =	ssub.s32 s29, s6;
	s28 =	sand.u32 $0xFFFC00, s28;
	[sflag:s23] =	ssyncadd.s32 $0xFFFFE000  }
0x96: {  	s0 =	sand.u32 $0xFFFC00, s0;
	s20 =	sadd.s32 s4, s20;
	s29 =	sshll.u32 s31, $0xC  }
0x97: {  	s1 =	sadd.s32 s19, s1;
	s19 =	sand.u32 $0xF000, s25;
	s25 =	sadd.s32 $0x800, s25  }
0x98: {  	s6 =	sand.u32 $0xFF, s6;
	_ =	swait.ge [sflag:s23], $0x2000;
	s0 =	sadd.s32 s4, s0  }
0x99: {  	s8 =	sadd.s32 s4, s28;
	s1 =	sor.u32 s5, s1;
	s6 =	smul.u32 $0xA000, s6  }
0x9a: {  	[sflag:s23] =	ssyncset.done $0x0;
	s28 =	rddreg [dreg:$0x5];
	s1 =	sshll.u32 s1, $0x3  }
0x9b: {  	[sflag:s23] =	ssyncadd.s32 $0xFFFFE000;
	s1 =	sand.u32 $0xFFFC00, s1;
	s6 =	sadd.s32 s29, s6  }
0x9c: {  	[hbm4b:s0+s2] =	stream.linear.scatter [tilespmem:s14], [sflag:$0x2], $0x2000, $0x38;
	[tilespmem:$0x1A400] =	vst v63  }
0x9d: {  	s14 =	sand.u32 $0x1, s17;
	s0 =	sadd.s32 s4, s1;
	s6 =	sor.u32 s5, s6  }
0x9e: {  	[hbm4b:s8+s2] =	stream.linear.scatter [tilespmem:s11], [sflag:$0x2], $0x2000, $0x38;
	[tilespmem:$0x1A400] =	vst v63  }
0x9f: {  	s29 =	sadd.s32 $0x100, s16;
	p1 =	seq.s32 s14, $0x1;
	s6 =	sshll.u32 s6, $0x3  }
0xa0: {  	[hbm4b:s20+s2] =	stream.linear.scatter [tilespmem:s12], [sflag:$0x2], $0x2000, $0x38;
	[tilespmem:$0x1A400] =	vst v63  }
0xa1: {  	s28 =	simm.s32 @!p1 $0x0;
	p1 =	slt.u32 s17, $0x2;
	s6 =	sand.u32 $0xFFFC00, s6  }
0xa2: {  	[hbm4b:s0+s2] =	stream.linear.scatter [tilespmem:s13], [sflag:$0x2], $0x2000, $0x38;
	[tilespmem:$0x1A400] =	vst v63  }
0xa3: {  	s8 =	sadd.s32 $0x80, s16;
	s7 =	sadd.s32 s4, s6;
	s0 =	simm.s32 @!p1 $0x2  }
0xa4: {  	[hbm4b:s7+s2] =	stream.linear.scatter [tilespmem:s15], [sflag:$0x2], $0x2000, $0x38;
	[tilespmem:$0x1A400] =	vst v63  }
0xa5: {  	s17 =	sadd.s32 $0x1, s17;
	s1 =	sshrl.u32 s28, $0x2;
	_ =	swait.ge @!p1 [sflag:s0], $0xA000  }
0xa6: {  	s11 =	sadd.s32 $0x8400, s1;
	s20 =	sadd.s32 $0x1, s18;
	[sflag:s0] =	ssyncset.done @!p1 $0x0  }
0xa7: {  	s14 =	sadd.s32 $0x6400, s1;
	s12 =	sadd.s32 $0xA400, s1;
	[sflag:s0] =	ssyncadd.s32 @!p1 $0xFFFF6000  }
0xa8: {  	[tilespmem:s14], [sflag:$0x1] =	stream.indirect.gather [hbm4b:s3+s22], $0x40, s16, s22, $0xb8;
	[tilespmem:$0x1A400] =	vst v63  }
0xa9: {  	s13 =	sadd.s32 $0xC400, s1;
	s15 =	sadd.s32 $0x180, s16;
	s7 =	smul.u32 $0xCD, s18  }
0xaa: {  	[tilespmem:s11], [sflag:$0x1] =	stream.indirect.gather [hbm4b:s3+s22], $0x40, s8, s22, $0xb8;
	[tilespmem:$0x1A400] =	vst v63  }
0xab: {  	s0 =	sadd.s32 $0x200, s16;
	s8 =	sshrl.u32 s7, $0xB;
	s7 =	sand.u32 $0xFF, s20  }
0xac: {  	s16 =	sadd.s32 $0x280, s16;
	s6 =	sand.u32 $0x1F, s8;
	s28 =	smul.u32 $0xCD, s7  }
0xad: {  	[tilespmem:s12], [sflag:$0x1] =	stream.indirect.gather [hbm4b:s3+s22], $0x40, s29, s22, $0xb8;
	[tilespmem:$0x1A400] =	vst v63  }
0xae: {  	s29 =	sadd.s32 $0x2, s18;
	s6 =	smul.u32 $0xA, s6;
	s28 =	sshrl.u32 s28, $0xB  }
0xaf: {  	[tilespmem:s13], [sflag:$0x1] =	stream.indirect.gather [hbm4b:s3+s22], $0x40, s15, s22, $0xb8;
	[tilespmem:$0x1A400] =	vst v63  }
0xb0: {  	s7 =	sand.u32 $0xFF, s29;
	s31 =	smul.u32 $0xA, s28;
	s8 =	ssub.s32 s18, s6  }
0xb1: {  	s15 =	sadd.s32 $0xE400, s1;
	s7 =	smul.u32 $0xCD, s7;
	s1 =	sand.u32 $0xFF, s8  }
0xb2: {  	[tilespmem:s15], [sflag:$0x1] =	stream.indirect.gather [hbm4b:s3+s22], $0x40, s0, s22, $0xb8;
	[tilespmem:$0x1A400] =	vst v63  }
0xb3: {  	s6 =	sshll.u32 s28, $0xC;
	s8 =	sand.u32 $0xFF, s30;
	s1 =	smul.u32 $0xA000, s1  }
0xb4: {  	s20 =	ssub.s32 s20, s31;
	s7 =	sshrl.u32 s7, $0xB;
	s28 =	smul.u32 $0xCD, s8  }
0xb5: {  	_ =	swait.ge [sflag:s23], $0x2000;
	s0 =	sand.u32 $0xFF, s20;
	s20 =	smul.u32 $0xA, s7  }
0xb6: {  	s7 =	sshll.u32 s7, $0xC;
	[sflag:s23] =	ssyncset.done $0x0;
	s0 =	smul.u32 $0xA000, s0  }
0xb7: {  	s28 =	sshrl.u32 s28, $0xB;
	[sflag:s23] =	ssyncadd.s32 $0xFFFFE000;
	s20 =	ssub.s32 s29, s20  }
0xb8: {  	s29 =	sadd.s32 $0x4, s18;
	s8 =	smul.u32 $0xA, s28;
	s20 =	sand.u32 $0xFF, s20  }
0xb9: {  	s18 =	sadd.s32 s19, s1;
	_ =	swait.ge [sflag:s23], $0x2000;
	s20 =	smul.u32 $0xA000, s20  }
.Ltmp2:
0xba: {  	s31 =	sand.u32 $0xFF, s29;
	[sflag:s23] =	ssyncset.done $0x0;
	(pc) =	sbr.rel @p0 .LBB2_4-.Ltmp2, $4  }
0xbb: {  	s19 =	sshll.u32 s28, $0xC;
	s31 =	smul.u32 $0xCD, s31;
	[sflag:s23] =	ssyncadd.s32 $0xFFFFE000  }
0xbc: {  	s8 =	ssub.s32 s30, s8;
	s30 =	sadd.s32 s6, s0;
	_ =	swait.ge [sflag:s23], $0x2000  }
0xbd: {  	s1 =	sand.u32 $0xFF, s8;
	s7 =	sadd.s32 s7, s20;
	[sflag:s23] =	ssyncset.done $0x0  }
0xbe: {  	s31 =	sshrl.u32 s31, $0xB;
	s20 =	sor.u32 s5, s7;
	[sflag:s23] =	ssyncadd.s32 $0xFFFFE000  }
.LBB2_5:
0xbf: {  	_ =	swait.ge [sflag:s23], $0x2000;
	s0 =	sor.u32 s5, s18;
	s6 =	smul.u32 $0xA, s31  }
0xc0: {  	s7 =	sor.u32 s5, s30;
	s1 =	smul.u32 $0xA000, s1;
	s8 =	sshll.u32 s20, $0x3  }
0xc1: {  	s10 =	sshll.u32 s31, $0xC;
	[sflag:s23] =	ssyncset.done $0x0;
	s0 =	sshll.u32 s0, $0x3  }
0xc2: {  	s7 =	sshll.u32 s7, $0x3;
	s8 =	sand.u32 $0xFFFC00, s8;
	s6 =	ssub.s32 s29, s6  }
0xc3: {  	s7 =	sand.u32 $0xFFFC00, s7;
	[sflag:s23] =	ssyncadd.s32 $0xFFFFE000;
	s6 =	sand.u32 $0xFF, s6  }
0xc4: {  	s0 =	sand.u32 $0xFFFC00, s0;
	_ =	swait.ge [sflag:s23], $0x2000;
	s6 =	smul.u32 $0xA000, s6  }
0xc5: {  	s1 =	sadd.s32 s19, s1;
	s0 =	sadd.s32 s4, s0;
	[sflag:s23] =	ssyncset.done $0x0  }
0xc6: {  	s1 =	sor.u32 s5, s1;
	[sflag:s23] =	ssyncadd.s32 $0xFFFFE000;
	s6 =	sadd.s32 s10, s6  }
0xc7: {  	[hbm4b:s0+s2] =	stream.linear.scatter [tilespmem:s14], [sflag:$0x2], $0x2000, $0x38;
	[tilespmem:$0x1A400] =	vst v63  }
0xc8: {  	s1 =	sshll.u32 s1, $0x3;
	s14 =	sadd.s32 s4, s7;
	s10 =	sor.u32 s5, s6  }
0xc9: {  	[hbm4b:s14+s2] =	stream.linear.scatter [tilespmem:s11], [sflag:$0x2], $0x2000, $0x38;
	[tilespmem:$0x1A400] =	vst v63  }
0xca: {  	s16 =	sadd.s32 s4, s8;
	s1 =	sand.u32 $0xFFFC00, s1;
	s0 =	sshll.u32 s10, $0x3  }
0xcb: {  	[hbm4b:s16+s2] =	stream.linear.scatter [tilespmem:s12], [sflag:$0x2], $0x2000, $0x38;
	[tilespmem:$0x1A400] =	vst v63  }
0xcc: {  	s1 =	sadd.s32 s4, s1;
	s0 =	sand.u32 $0xFFFC00, s0  }
0xcd: {  	[hbm4b:s1+s2] =	stream.linear.scatter [tilespmem:s13], [sflag:$0x2], $0x2000, $0x38;
	[tilespmem:$0x1A400] =	vst v63  }
0xce: {  	s0 =	sadd.s32 s4, s0  }
0xcf: {  	[hbm4b:s0+s2] =	stream.linear.scatter [tilespmem:s15], [sflag:$0x2], $0x2000, $0x38;
	[tilespmem:$0x1A400] =	vst v63  }
0xd0: {  	_ =	swait.ge [sflag:s24], $0xA000  }
0xd1: {  	[sflag:s24] =	ssyncset.done $0x0  }
0xd2: {  	[sflag:s24] =	ssyncadd.s32 $0xFFFF6000  }
0xd3: {  	_ =	swait.ge [sflag:s24], $0xA000  }
0xd4: {  	s17 =	simm.s32 $0x0;
	[sflag:s24] =	ssyncset.done $0x0  }
0xd5: {  	v10 =	vadd.s32 s17, v2;
	s18 =	rddreg [dreg:$0x7];
	[sflag:s24] =	ssyncadd.s32 $0xFFFF6000  }
0xd6: {  	[tilespmem:s17], [sflag:$0x3] =	stream.linear.gather [hbm4b:s18+s17], $0x500, $0x38;
	[tilespmem:$0x1A400] =	vst v63  }
0xd7: {  	_ =	swait.ge [sflag:s21], $0x500  }
0xd8: {  	[sflag:s21] =	ssyncset.done $0x0  }
0xd9: {  	[sflag:s21] =	ssyncadd.s32 $0xFFFFFB00  }
0xda: {  	s19 =	simm.s32 $0xA0;
	v10 =	vld.idx.msk [tilespmem:v10+s2+$0x0], $0xffff  }
0xdb: {  	v11 =	vadd.s32 s19, v2;
	_ =	sdelay $0x2  }
0xdc: {  	s10 =	simm.s32 $0x3240  }
0xdd: {  	[tilespmem:s10+$0xFFFFFFC0] =	vst v10  }
0xde: {  	s20 =	simm.s32 $0x140;
	v10 =	vld.idx.msk [tilespmem:v11+s2+$0x0], $0xffff  }
0xdf: {  	v11 =	vadd.s32 s20, v2;
	_ =	sdelay $0x3  }
0xe0: {  	[tilespmem:s10+$0xFFFFFFD0] =	vst v10  }
0xe1: {  	s25 =	simm.s32 $0x1E0;
	v10 =	vld.idx.msk [tilespmem:v11+s2+$0x0], $0xffff  }
0xe2: {  	v11 =	vadd.s32 s25, v2;
	_ =	sdelay $0x3  }
0xe3: {  	[tilespmem:s10+$0xFFFFFFE0] =	vst v10  }
0xe4: {  	s28 =	simm.s32 $0x280;
	v10 =	vld.idx.msk [tilespmem:v11+s2+$0x0], $0xffff  }
0xe5: {  	v11 =	vadd.s32 s28, v2;
	_ =	sdelay $0x3  }
0xe6: {  	[tilespmem:s10+$0xFFFFFFF0] =	vst v10  }
0xe7: {  	s29 =	simm.s32 $0x320;
	v10 =	vld.idx.msk [tilespmem:v11+s2+$0x0], $0xffff  }
0xe8: {  	v11 =	vadd.s32 s29, v2;
	_ =	sdelay $0x3  }
0xe9: {  	[tilespmem:s10+$0x0] =	vst v10  }
0xea: {  	s30 =	simm.s32 $0x3C0;
	v10 =	vld.idx.msk [tilespmem:v11+s2+$0x0], $0xffff  }
0xeb: {  	v11 =	vadd.s32 s30, v2;
	_ =	sdelay $0x3  }
0xec: {  	[tilespmem:s10+$0x10] =	vst v10  }
0xed: {  	s31 =	simm.s32 $0x460;
	v10 =	vld.idx.msk [tilespmem:v11+s2+$0x0], $0xffff  }
0xee: {  	v11 =	vadd.s32 s31, v2;
	_ =	sdelay $0x3  }
0xef: {  	[tilespmem:s10+$0x20] =	vst v10  }
0xf0: {  	s11 =	simm.s32 $0x1;
	v10 =	vld.idx.msk [tilespmem:v11+s2+$0x0], $0xffff  }
0xf1: {  	s12 =	simm.s32 $0x2;
	v11 =	vadd.s32 s11, v2  }
.LBB2_6:
0xf2: {  	p0 =	sne.s32 s12, $0x9;
	_ =	sdelay $0x2  }
0xf3: {  	[tilespmem:s10+$0x30] =	vst v10  }
0xf4: {  	v10 =	vld.idx.msk [tilespmem:v11+s2+$0x0], $0xffff  }
0xf5: {  	s0 =	sadd.s32 $0xA0, s11  }
0xf6: {  	v11 =	vadd.s32 s0, v2;
	_ =	sdelay $0x2  }
0xf7: {  	s10 =	sadd.s32 $0x80, s10  }
0xf8: {  	[tilespmem:s10+$0xFFFFFFC0] =	vst v10  }
0xf9: {  	v10 =	vld.idx.msk [tilespmem:v11+s2+$0x0], $0xffff  }
0xfa: {  	s0 =	sadd.s32 $0x140, s11  }
0xfb: {  	v11 =	vadd.s32 s0, v2;
	_ =	sdelay $0x3  }
0xfc: {  	[tilespmem:s10+$0xFFFFFFD0] =	vst v10  }
0xfd: {  	v10 =	vld.idx.msk [tilespmem:v11+s2+$0x0], $0xffff  }
0xfe: {  	s0 =	sadd.s32 $0x1E0, s11  }
0xff: {  	v11 =	vadd.s32 s0, v2;
	_ =	sdelay $0x3  }
0x100: {  	[tilespmem:s10+$0xFFFFFFE0] =	vst v10  }
0x101: {  	v10 =	vld.idx.msk [tilespmem:v11+s2+$0x0], $0xffff  }
0x102: {  	s0 =	sadd.s32 $0x280, s11  }
0x103: {  	v11 =	vadd.s32 s0, v2;
	_ =	sdelay $0x3  }
0x104: {  	[tilespmem:s10+$0xFFFFFFF0] =	vst v10  }
0x105: {  	v10 =	vld.idx.msk [tilespmem:v11+s2+$0x0], $0xffff  }
0x106: {  	s0 =	sadd.s32 $0x320, s11  }
0x107: {  	v11 =	vadd.s32 s0, v2;
	_ =	sdelay $0x3  }
0x108: {  	[tilespmem:s10+$0x0] =	vst v10  }
0x109: {  	v10 =	vld.idx.msk [tilespmem:v11+s2+$0x0], $0xffff  }
0x10a: {  	s0 =	sadd.s32 $0x3C0, s11  }
0x10b: {  	v11 =	vadd.s32 s0, v2;
	_ =	sdelay $0x3  }
0x10c: {  	[tilespmem:s10+$0x10] =	vst v10  }
0x10d: {  	v10 =	vld.idx.msk [tilespmem:v11+s2+$0x0], $0xffff  }
0x10e: {  	s0 =	sadd.s32 $0x460, s11;
	s11 =	smov.u32 s12  }
0x10f: {  	v11 =	vadd.s32 s0, v2;
	_ =	sdelay $0x2  }
.Ltmp3:
0x110: {  	(pc) =	sbr.rel @p0 .LBB2_6-.Ltmp3, $3  }
0x111: {  	[tilespmem:s10+$0x20] =	vst v10  }
0x112: {  	v10 =	vld.idx.msk [tilespmem:v11+s2+$0x0], $0xffff;
	_ =	sdelay $0x1  }
0x113: {  	s12 =	sadd.s32 $0x1, s12;
	v11 =	vadd.s32 s11, v2  }
0x114: {  	_ =	sdelay $0x2  }
0x115: {  	[tilespmem:s10+$0x30] =	vst v10  }
0x116: {  	s0 =	sadd.s32 $0xA0, s11;
	v10 =	vld.idx.msk [tilespmem:v11+s2+$0x0], $0xffff  }
0x117: {  	v11 =	vadd.s32 s0, v2;
	_ =	sdelay $0x2  }
0x118: {  	s10 =	sadd.s32 $0x80, s10  }
0x119: {  	[tilespmem:s10+$0xFFFFFFC0] =	vst v10  }
0x11a: {  	s1 =	sadd.s32 $0x140, s11;
	v10 =	vld.idx.msk [tilespmem:v11+s2+$0x0], $0xffff  }
0x11b: {  	v11 =	vadd.s32 s1, v2;
	_ =	sdelay $0x3  }
0x11c: {  	[tilespmem:s10+$0xFFFFFFD0] =	vst v10  }
0x11d: {  	s12 =	sadd.s32 $0x1E0, s11;
	v10 =	vld.idx.msk [tilespmem:v11+s2+$0x0], $0xffff  }
0x11e: {  	v11 =	vadd.s32 s12, v2;
	_ =	sdelay $0x3  }
0x11f: {  	[tilespmem:s10+$0xFFFFFFE0] =	vst v10  }
0x120: {  	s13 =	sadd.s32 $0x280, s11;
	v10 =	vld.idx.msk [tilespmem:v11+s2+$0x0], $0xffff  }
0x121: {  	v11 =	vadd.s32 s13, v2;
	_ =	sdelay $0x3  }
0x122: {  	[tilespmem:s10+$0xFFFFFFF0] =	vst v10  }
0x123: {  	s14 =	sadd.s32 $0x320, s11;
	v10 =	vld.idx.msk [tilespmem:v11+s2+$0x0], $0xffff  }
0x124: {  	v11 =	vadd.s32 s14, v2;
	_ =	sdelay $0x3  }
0x125: {  	[tilespmem:s10+$0x0] =	vst v10  }
0x126: {  	s15 =	sadd.s32 $0x3C0, s11;
	v10 =	vld.idx.msk [tilespmem:v11+s2+$0x0], $0xffff  }
0x127: {  	v11 =	vadd.s32 s15, v2;
	_ =	sdelay $0x3  }
0x128: {  	[tilespmem:s10+$0x10] =	vst v10  }
0x129: {  	s16 =	sadd.s32 $0x460, s11;
	v10 =	vld.idx.msk [tilespmem:v11+s2+$0x0], $0xffff  }
0x12a: {  	v11 =	vadd.s32 s16, v2;
	_ =	sdelay $0x3  }
0x12b: {  	[tilespmem:s10+$0x20] =	vst v10  }
0x12c: {  	v10 =	vld.idx.msk [tilespmem:v11+s2+$0x0], $0xffff;
	_ =	sdelay $0x4  }
0x12d: {  	s1 =	simm.s32 $0x3200;
	[tilespmem:s10+$0x30] =	vst v10  }
0x12e: {  	[tilespmem:s26], [sflag:$0x1] =	stream.indirect.gather [hbm4b:s3+s22], $0x40, s1, s22, $0xb8;
	[tilespmem:$0x1A400] =	vst v63  }
0x12f: {  	s17 =	simm.s32 $0x3280;
	s6 =	simm.s32 $0x8400  }
0x130: {  	[tilespmem:s6], [sflag:$0x1] =	stream.indirect.gather [hbm4b:s3+s22], $0x40, s17, s22, $0xb8;
	[tilespmem:$0x1A400] =	vst v63  }
0x131: {  	s18 =	simm.s32 $0x3300;
	s7 =	simm.s32 $0xA400  }
0x132: {  	[tilespmem:s7], [sflag:$0x1] =	stream.indirect.gather [hbm4b:s3+s22], $0x40, s18, s22, $0xb8;
	[tilespmem:$0x1A400] =	vst v63  }
0x133: {  	s19 =	simm.s32 $0x3380;
	s8 =	simm.s32 $0xC400  }
0x134: {  	[tilespmem:s8], [sflag:$0x1] =	stream.indirect.gather [hbm4b:s3+s22], $0x40, s19, s22, $0xb8;
	[tilespmem:$0x1A400] =	vst v63  }
0x135: {  	s20 =	simm.s32 $0x3400;
	s25 =	simm.s32 $0xE400  }
0x136: {  	[tilespmem:s25], [sflag:$0x1] =	stream.indirect.gather [hbm4b:s3+s22], $0x40, s20, s22, $0xb8;
	[tilespmem:$0x1A400] =	vst v63  }
0x137: {  	_ =	swait.ge [sflag:s23], $0x2000  }
0x138: {  	[sflag:s23] =	ssyncset.done $0x0  }
0x139: {  	[sflag:s23] =	ssyncadd.s32 $0xFFFFE000  }
0x13a: {  	_ =	swait.ge [sflag:s23], $0x2000  }
0x13b: {  	[sflag:s23] =	ssyncset.done $0x0  }
0x13c: {  	[sflag:s23] =	ssyncadd.s32 $0xFFFFE000  }
0x13d: {  	_ =	swait.ge [sflag:s23], $0x2000  }
0x13e: {  	[sflag:s23] =	ssyncset.done $0x0  }
0x13f: {  	[sflag:s23] =	ssyncadd.s32 $0xFFFFE000  }
0x140: {  	_ =	swait.ge [sflag:s23], $0x2000  }
0x141: {  	[sflag:s23] =	ssyncset.done $0x0  }
0x142: {  	[sflag:s23] =	ssyncadd.s32 $0xFFFFE000  }
0x143: {  	_ =	swait.ge [sflag:s23], $0x2000  }
0x144: {  	[sflag:s23] =	ssyncset.done $0x0  }
0x145: {  	s28 =	rddreg [dreg:$0xb];
	[sflag:s23] =	ssyncadd.s32 $0xFFFFE000  }
0x146: {  	[hbm4b:s28+s2] =	stream.linear.scatter [tilespmem:s26], [sflag:$0x2], $0x2000, $0x38;
	[tilespmem:$0x1A400] =	vst v63  }
0x147: {  	s29 =	rddreg [dreg:$0xc]  }
0x148: {  	[hbm4b:s29+s2] =	stream.linear.scatter [tilespmem:s6], [sflag:$0x2], $0x2000, $0x38;
	[tilespmem:$0x1A400] =	vst v63  }
0x149: {  	s30 =	rddreg [dreg:$0xd]  }
0x14a: {  	[hbm4b:s30+s2] =	stream.linear.scatter [tilespmem:s7], [sflag:$0x2], $0x2000, $0x38;
	[tilespmem:$0x1A400] =	vst v63  }
0x14b: {  	s31 =	rddreg [dreg:$0xe]  }
0x14c: {  	[hbm4b:s31+s2] =	stream.linear.scatter [tilespmem:s8], [sflag:$0x2], $0x2000, $0x38;
	[tilespmem:$0x1A400] =	vst v63  }
0x14d: {  	s6 =	rddreg [dreg:$0xf]  }
0x14e: {  	[hbm4b:s6+s2] =	stream.linear.scatter [tilespmem:s25], [sflag:$0x2], $0x2000, $0x38;
	[tilespmem:$0x1A400] =	vst v63  }
0x14f: {  	s7 =	simm.s32 $0x3480;
	s8 =	simm.s32 $0x10400  }
0x150: {  	[tilespmem:s8], [sflag:$0x1] =	stream.indirect.gather [hbm4b:s3+s22], $0x40, s7, s22, $0xb8;
	[tilespmem:$0x1A400] =	vst v63  }
0x151: {  	s11 =	simm.s32 $0x12400;
	s10 =	simm.s32 $0x3500  }
0x152: {  	[tilespmem:s11], [sflag:$0x1] =	stream.indirect.gather [hbm4b:s3+s22], $0x40, s10, s22, $0xb8;
	[tilespmem:$0x1A400] =	vst v63  }
0x153: {  	s12 =	simm.s32 $0x3580;
	s13 =	simm.s32 $0x14400  }
0x154: {  	[tilespmem:s13], [sflag:$0x1] =	stream.indirect.gather [hbm4b:s3+s22], $0x40, s12, s22, $0xb8;
	[tilespmem:$0x1A400] =	vst v63  }
0x155: {  	s14 =	simm.s32 $0x3600;
	s15 =	simm.s32 $0x16400  }
0x156: {  	[tilespmem:s15], [sflag:$0x1] =	stream.indirect.gather [hbm4b:s3+s22], $0x40, s14, s22, $0xb8;
	[tilespmem:$0x1A400] =	vst v63  }
0x157: {  	s16 =	simm.s32 $0x3680;
	s17 =	simm.s32 $0x18400  }
0x158: {  	[tilespmem:s17], [sflag:$0x1] =	stream.indirect.gather [hbm4b:s3+s22], $0x40, s16, s22, $0xb8;
	[tilespmem:$0x1A400] =	vst v63  }
0x159: {  	_ =	swait.ge [sflag:s23], $0x2000  }
0x15a: {  	[sflag:s23] =	ssyncset.done $0x0  }
0x15b: {  	[sflag:s23] =	ssyncadd.s32 $0xFFFFE000  }
0x15c: {  	_ =	swait.ge [sflag:s23], $0x2000  }
0x15d: {  	[sflag:s23] =	ssyncset.done $0x0  }
0x15e: {  	[sflag:s23] =	ssyncadd.s32 $0xFFFFE000  }
0x15f: {  	_ =	swait.ge [sflag:s23], $0x2000  }
0x160: {  	[sflag:s23] =	ssyncset.done $0x0  }
0x161: {  	[sflag:s23] =	ssyncadd.s32 $0xFFFFE000  }
0x162: {  	_ =	swait.ge [sflag:s23], $0x2000  }
0x163: {  	[sflag:s23] =	ssyncset.done $0x0  }
0x164: {  	[sflag:s23] =	ssyncadd.s32 $0xFFFFE000  }
0x165: {  	_ =	swait.ge [sflag:s23], $0x2000  }
0x166: {  	[sflag:s23] =	ssyncset.done $0x0  }
0x167: {  	s18 =	rddreg [dreg:$0x10];
	[sflag:s23] =	ssyncadd.s32 $0xFFFFE000  }
0x168: {  	[hbm4b:s18+s2] =	stream.linear.scatter [tilespmem:s8], [sflag:$0x2], $0x2000, $0x38;
	[tilespmem:$0x1A400] =	vst v63  }
0x169: {  	s19 =	rddreg [dreg:$0x11]  }
0x16a: {  	[hbm4b:s19+s2] =	stream.linear.scatter [tilespmem:s11], [sflag:$0x2], $0x2000, $0x38;
	[tilespmem:$0x1A400] =	vst v63  }
0x16b: {  	s20 =	rddreg [dreg:$0x12]  }
0x16c: {  	[hbm4b:s20+s2] =	stream.linear.scatter [tilespmem:s13], [sflag:$0x2], $0x2000, $0x38;
	[tilespmem:$0x1A400] =	vst v63  }
0x16d: {  	s25 =	rddreg [dreg:$0x13]  }
0x16e: {  	[hbm4b:s25+s2] =	stream.linear.scatter [tilespmem:s15], [sflag:$0x2], $0x2000, $0x38;
	[tilespmem:$0x1A400] =	vst v63  }
0x16f: {  	s28 =	rddreg [dreg:$0x14]  }
0x170: {  	[hbm4b:s28+s2] =	stream.linear.scatter [tilespmem:s17], [sflag:$0x2], $0x2000, $0x38;
	[tilespmem:$0x1A400] =	vst v63  }
0x171: {  	_ =	swait.ge [sflag:s24], $0xA000  }
0x172: {  	[sflag:s24] =	ssyncset.done $0x0  }
0x173: {  	[sflag:s24] =	ssyncadd.s32 $0xFFFF6000  }
0x174: {  	_ =	swait.ge [sflag:s24], $0xA000  }
0x175: {  	[sflag:s24] =	ssyncset.done $0x0  }
0x176: {  	s29 =	rddreg [dreg:$0x8];
	[sflag:s24] =	ssyncadd.s32 $0xFFFF6000  }
0x177: {  	[tilespmem:s2], [sflag:$0x3] =	stream.linear.gather [hbm4b:s29+s2], $0x80, $0x38;
	[tilespmem:$0x1A400] =	vst v63  }
0x178: {  	_ =	swait.ge [sflag:s21], $0x80  }
0x179: {  	[sflag:s21] =	ssyncset.done $0x0  }
0x17a: {  	[sflag:s21] =	ssyncadd.s32 $0xFFFFFF80  }
0x17b: {  	v10 =	vld.idx.msk [tilespmem:v0+s2+$0x0], $0xffff;
	_ =	sdelay $0x4  }
0x17c: {  	[tilespmem:$0x3200] =	vst v10  }
0x17d: {  	v10 =	vld.idx.msk [tilespmem:v3+s2+$0x0], $0xffff;
	_ =	sdelay $0x4  }
0x17e: {  	[tilespmem:$0x3210] =	vst v10  }
0x17f: {  	v10 =	vld.idx.msk [tilespmem:v4+s2+$0x0], $0xffff;
	_ =	sdelay $0x4  }
0x180: {  	[tilespmem:$0x3220] =	vst v10  }
0x181: {  	v10 =	vld.idx.msk [tilespmem:v5+s2+$0x0], $0xffff;
	_ =	sdelay $0x4  }
0x182: {  	[tilespmem:$0x3230] =	vst v10  }
0x183: {  	v10 =	vld.idx.msk [tilespmem:v6+s2+$0x0], $0xffff;
	_ =	sdelay $0x4  }
0x184: {  	[tilespmem:$0x3240] =	vst v10  }
0x185: {  	v10 =	vld.idx.msk [tilespmem:v7+s2+$0x0], $0xffff;
	_ =	sdelay $0x4  }
0x186: {  	[tilespmem:$0x3250] =	vst v10  }
0x187: {  	v10 =	vld.idx.msk [tilespmem:v8+s2+$0x0], $0xffff;
	_ =	sdelay $0x4  }
0x188: {  	[tilespmem:$0x3260] =	vst v10  }
0x189: {  	v10 =	vld.idx.msk [tilespmem:v9+s2+$0x0], $0xffff;
	_ =	sdelay $0x4  }
0x18a: {  	[tilespmem:$0x3270] =	vst v10  }
0x18b: {  	[tilespmem:s26], [sflag:$0x1] =	stream.indirect.gather [hbm4b:s3+s22], $0x40, s1, s22, $0xb8;
	[tilespmem:$0x1A400] =	vst v63  }
0x18c: {  	_ =	swait.ge [sflag:s23], $0x2000  }
0x18d: {  	[sflag:s23] =	ssyncset.done $0x0  }
0x18e: {  	s30 =	rddreg [dreg:$0x9];
	[sflag:s23] =	ssyncadd.s32 $0xFFFFE000  }
0x18f: {  	[hbm4b:s30+s2] =	stream.linear.scatter [tilespmem:s26], [sflag:$0x3], $0x2000, $0x38;
	[tilespmem:$0x1A400] =	vst v63  }
0x190: {  	_ =	swait.ge [sflag:s21], $0x2000  }
0x191: {  	s9 =	sadd.s32 $0x1, s9;
	s31 =	rddreg [dreg:$0xa]  }
0x192: {  	p0 =	sne.s32 s9, s31  }
.Ltmp4:
0x193: {  	_ = 	snop;
	(pc) =	sbr.rel @p0 .LBB2_1-.Ltmp4, $3  }
0x194: {  	_ =	sdelay $0x1  }
0x195: {  	[sflag:s21] =	ssyncset.done $0x0  }
0x196: {  	[sflag:s21] =	ssyncadd.s32 $0xFFFFE000  }
0x197: {  	_ =	sfence.sel $0x180000  }
0x198: {  	[bflag:$0x0] =	sbarrier.arrive $0xFFFF  }
0x199: {  	_ =	strace $0x90000047  }
0x19a: {  	s0 =	stileid.u32;
	[bflag:$0x2] =	sbarrier.arrive $0xFFFF  }
0x19b: {  	p0 =	sne.s32 s0, $0x0;
	s0 =	rddreg [dreg:$0x4]  }
0x19c: {  	s0 =	sadd.s32 @!p0 $0x100000, s0  }
0x19d: {  	[sflag:s0] =	ssyncadd.tile.s32 @!p0 $0x1;
	_ =	shalt  }
.Lfunc_end2:
_tile_overlayer_lowered:
.L_overlay_start_2:
0x19e: {  	(tag) =	ssettag $0x2  }
0x19f: {  	s0 =	rddreg [dreg:$0x0];
	s2 =	stileid.u32  }
0x1a0: {  	s1 =	rddreg [dreg:$0x1];
	p0 =	sne.s32 s2, $0x0  }
0x1a1: {  	s3 =	rddreg [dreg:$0x2];
	[bflag:$0x3] =	sbarrier.arrive $0xFFFF;
	s2 =	simm.s32 @!p0 $0x1C03  }
0x1a2: {  	[timem:s3], [sflag:s2] =	dma.local @!p0 [hbm:s0], s1  }
0x1a3: {  	s0 =	simm.s32 @!p0 $0x3  }
0x1a4: {  	_ =	swait.ge @!p0 [sflag:s0], s1  }
0x1a5: {  	s1 =	ssub.s32 @!p0 $0x0, s1;
	[sflag:s0] =	ssyncset.done @!p0 $0x0  }
0x1a6: {  	[sflag:s0] =	ssyncadd.s32 @!p0 s1  }
0x1a7: {  	[bflag:$0x3] =	sbarrier.arrive $0xFFFF  }
0x1a8: {  	_ =	shalt  }

</sc_bundles>
